<compile_context>
chip_gen: v7x
topology: tpu7x:2x2x1
jax: 0.10.2.dev20260603
libtpu: 0.0.44.dev20260713+nightly
codegen_flags: <defaults>
</compile_context>

<pallas_src>
import functools

import jax
import jax.numpy as jnp
from jax import lax
from jax.experimental import pallas as pl
from jax.experimental.pallas import tpu as pltpu
from jax.experimental.pallas import tpu_sc as plsc

_T = 128
_L = 100
_DT = 1.0
_N = 10000
_N_PAD = 10112
_N_ACC = 10112
_LANES = 16
_BLK = 64
_NW = 32
_U = 4
_UNROLL = 2


def _k_body(p_ref, k_ref):
    p = p_ref[...]
    sp = jnp.maximum(p, 0.0) + jnp.log1p(jnp.exp(-jnp.abs(p)))
    k_ref[...] = sp * 10.0 + 0.5


def _combine_body(p_ref, o_ref):
    o_ref[...] = (p_ref[0] + p_ref[1]).T


def _make_sc_route(n_blocks):
    mesh = plsc.VectorSubcoreMesh(core_axis_name="c", subcore_axis_name="s")
    rows_per_sub = _N_ACC // _LANES
    n_full = rows_per_sub // _BLK
    rem = rows_per_sub - n_full * _BLK

    @functools.partial(
        pl.kernel,
        mesh=mesh,
        compiler_params=pltpu.CompilerParams(needs_layout_passes=False),
        out_type=jax.ShapeDtypeStruct((2, _N_PAD, _T), jnp.float32),
        scratch_types=[
            pltpu.VMEM((_N_PAD,), jnp.float32),
            pltpu.VMEM((_BLK,), jnp.int32),
            pltpu.VMEM((_BLK,), jnp.int32),
            pltpu.VMEM((n_blocks, _BLK), jnp.int32),
            pltpu.VMEM((_BLK, _T), jnp.float32),
            pltpu.VMEM((_BLK, _T), jnp.float32),
            pltpu.VMEM((_BLK, _T), jnp.float32),
            pltpu.VMEM_SHARED((_N_ACC, _T), jnp.float32),
            pltpu.SemaphoreType.DMA,
            pltpu.SemaphoreType.DMA,
        ],
    )
    def sc_route(xt_hbm, k_hbm, src_hbm, dst_hbm, out_hbm,
                 k_v, src0, src1, dst_all, xrows0, xrows1, yrows, acc,
                 sem0, sem1):
        cid = lax.axis_index("c")
        sid = lax.axis_index("s")
        wid = sid * 2 + cid
        bufs = (xrows0, xrows1)
        sbufs = (src0, src1)
        sems = (sem0, sem1)

        pltpu.sync_copy(k_hbm, k_v)
        pltpu.sync_copy(dst_hbm.at[wid], dst_all)

        pltpu.sync_copy(src_hbm.at[wid, 0], src0)
        pltpu.async_copy(xt_hbm.at[src0], xrows0, sem0)

        lanes = lax.iota(jnp.int32, _LANES)
        zero16 = jnp.zeros((_LANES,), jnp.float32)

        def _zrow(i, carry):
            for c8 in range(_T // _LANES):
                yrows[i, pl.ds(c8 * _LANES, _LANES)] = zero16
            return carry

        lax.fori_loop(0, _BLK, _zrow, 0)
        base0 = sid * rows_per_sub
        for j in range(n_full):
            pltpu.sync_copy(yrows, acc.at[pl.ds(base0 + j * _BLK, _BLK)])
        if rem:
            pltpu.sync_copy(yrows.at[pl.ds(0, rem)],
                            acc.at[pl.ds(base0 + n_full * _BLK, rem)])
        plsc.subcore_barrier()

        def _block(b, q):
            xrows = bufs[q]
            nb = b + 1

            @pl.when(nb < n_blocks)
            def _():
                pltpu.sync_copy(src_hbm.at[wid, nb], sbufs[1 - q])
                pltpu.async_copy(xt_hbm.at[sbufs[1 - q]],
                                 bufs[1 - q], sems[1 - q])

            pltpu.make_async_copy(xt_hbm.at[sbufs[q]],
                                  xrows, sems[q]).wait()

            n_grp = _BLK // _LANES
            for g0 in range(0, n_grp, _U):
                rows_u, r_u, c_u, crl_u = [], [], [], []
                for u in range(_U):
                    g = g0 + u
                    rows_u.append(g * _LANES + lanes)
                    sg = sbufs[q][pl.ds(g * _LANES, _LANES)]
                    dg = dst_all[b, pl.ds(g * _LANES, _LANES)]
                    ks = plsc.load_gather(k_v, [sg])
                    kd = plsc.load_gather(k_v, [dg])
                    a = (2.0 * _DT) / (ks + kd)
                    r = jnp.exp(-a)
                    r_l = jnp.exp(-float(_L) * a)
                    norm = a * (1.0 - r_l) / (1.0 - r)
                    c = a / (norm + 1e-8)
                    r_u.append(r)
                    c_u.append(c)
                    crl_u.append(c * r_l)

                def _ta(i, ys):
                    tvec = jnp.full((_LANES,), i, jnp.int32) - lanes
                    ge0 = tvec >= 0
                    colx = jnp.maximum(tvec, 0)
                    xs = [plsc.load_gather(xrows, [rows_u[u], colx])
                          for u in range(_U)]
                    out = []
                    for u in range(_U):
                        cg = jnp.where(ge0, c_u[u], 0.0)
                        out.append(r_u[u] * ys[u] + cg * xs[u])
                    for u in range(_U):
                        plsc.store_scatter(yrows, [rows_u[u], colx], out[u],
                                           mask=ge0)
                    return tuple(out)

                def _tb(i, ys):
                    colx = jnp.full((_LANES,), i, jnp.int32) - lanes
                    xs = [plsc.load_gather(xrows, [rows_u[u], colx])
                          for u in range(_U)]
                    out = [r_u[u] * ys[u] + c_u[u] * xs[u]
                           for u in range(_U)]
                    for u in range(_U):
                        plsc.store_scatter(yrows, [rows_u[u], colx], out[u])
                    return tuple(out)

                def _tc1(i, ys):
                    tvec = jnp.full((_LANES,), i, jnp.int32) - lanes
                    geL = tvec >= _L
                    colo = jnp.maximum(tvec - _L, 0)
                    xs = [plsc.load_gather(xrows, [rows_u[u], tvec])
                          for u in range(_U)]
                    xo = [plsc.load_gather(xrows, [rows_u[u], colo])
                          for u in range(_U)]
                    out = []
                    for u in range(_U):
                        lg = jnp.where(geL, crl_u[u], 0.0)
                        out.append(r_u[u] * ys[u] + c_u[u] * xs[u]
                                   - lg * xo[u])
                    for u in range(_U):
                        plsc.store_scatter(yrows, [rows_u[u], tvec], out[u])
                    return tuple(out)

                def _tc2(i, ys):
                    tvec = jnp.full((_LANES,), i, jnp.int32) - lanes
                    colo = tvec - _L
                    xs = [plsc.load_gather(xrows, [rows_u[u], tvec])
                          for u in range(_U)]
                    xo = [plsc.load_gather(xrows, [rows_u[u], colo])
                          for u in range(_U)]
                    out = [r_u[u] * ys[u] + c_u[u] * xs[u]
                           - crl_u[u] * xo[u] for u in range(_U)]
                    for u in range(_U):
                        plsc.store_scatter(yrows, [rows_u[u], tvec], out[u])
                    return tuple(out)

                def _tc3(i, ys):
                    tvec = jnp.full((_LANES,), i, jnp.int32) - lanes
                    valid = tvec <= (_T - 1)
                    colx = jnp.minimum(tvec, _T - 1)
                    colo = tvec - _L
                    xs = [plsc.load_gather(xrows, [rows_u[u], colx])
                          for u in range(_U)]
                    xo = [plsc.load_gather(xrows, [rows_u[u], colo])
                          for u in range(_U)]
                    out = [r_u[u] * ys[u] + c_u[u] * xs[u]
                           - crl_u[u] * xo[u] for u in range(_U)]
                    for u in range(_U):
                        plsc.store_scatter(yrows, [rows_u[u], colx], out[u],
                                           mask=valid)
                    return tuple(out)

                zeros = jnp.zeros((_LANES,), jnp.float32)
                ys = lax.fori_loop(0, _LANES - 1, _ta, (zeros,) * _U)
                ys = lax.fori_loop(_LANES - 1, _L, _tb, ys)
                ys = lax.fori_loop(_L, _L + _LANES - 1, _tc1, ys)
                ys = lax.fori_loop(_L + _LANES - 1, _T, _tc2, ys)
                lax.fori_loop(_T, _T + _LANES - 1, _tc3, ys)

            pltpu.sync_copy(yrows, acc.at[dst_all.at[b]], add=True)

        def _pair(p, carry):
            _block(2 * p, 0)
            _block(2 * p + 1, 1)
            return carry

        lax.fori_loop(0, n_blocks // 2, _pair, 0)
        plsc.subcore_barrier()

        pltpu.sync_copy(acc.at[pl.ds(base0, rows_per_sub)],
                        out_hbm.at[cid, pl.ds(base0, rows_per_sub)])

    return sc_route


def kernel(x, params, edge_index):
    n = x.shape[1]
    e_raw = edge_index.shape[1]
    diag = jnp.arange(n, dtype=edge_index.dtype)
    src = jnp.concatenate([edge_index[0], diag])
    dst = jnp.concatenate([edge_index[1], diag])
    e_tot = e_raw + n
    e_pad = -(-e_tot // (2 * _NW * _BLK)) * (2 * _NW * _BLK)
    pad = e_pad - e_tot
    n_blocks = e_pad // (_NW * _BLK)
    src = jnp.concatenate([src, jnp.zeros((pad,), jnp.int32)])
    dst = jnp.concatenate([dst, jnp.full((pad,), n, jnp.int32)])
    src = src.reshape(_NW, n_blocks, _BLK)
    dst = dst.reshape(_NW, n_blocks, _BLK)

    p2d = jnp.pad(params, (0, _N_PAD - n)).reshape(_N_PAD // 128, 128)
    k2d = pl.pallas_call(
        _k_body,
        out_shape=jax.ShapeDtypeStruct((_N_PAD // 128, 128), jnp.float32),
    )(p2d)
    k_flat = k2d.reshape(_N_PAD)

    xt = x.T

    partials = _make_sc_route(n_blocks)(xt, k_flat, src, dst)

    out = pl.pallas_call(
        _combine_body,
        grid=(_N_PAD // 128,),
        in_specs=[pl.BlockSpec((2, 128, 128), lambda i: (0, i, 0))],
        out_specs=pl.BlockSpec((128, 128), lambda i: (0, i)),
        out_shape=jax.ShapeDtypeStruct((_T, _N_PAD), jnp.float32),
    )(partials)
    return out[:, :n]

# --- scband reference (transcript-rebuilt; emitter-appended) ---
"""Pipeline reference for scband-ltirouter-17497696763961 (READ-ONLY COPY).

The authoritative reference and input builder live on the scoring server;
editing this copy changes nothing except your own understanding.
"""

import jax, jax.numpy as jnp
import numpy as np

N_NODES = 10000
N_EDGES = 160000
T = 128
MAX_DELAY = 100
DT = 1.0


def setup_inputs(seed: int = 0) -> dict:
    key = jax.random.key(seed)
    k1, k2, k3 = jax.random.split(key, 3)
    x = jax.random.uniform(k1, (T, N_NODES), dtype=jnp.float32)
    params = jax.random.normal(k2, (N_NODES,), dtype=jnp.float32)
    edge_index = jax.random.randint(k3, (2, N_EDGES), 0, N_NODES, dtype=jnp.int32)
    return {"x": x, "params": params, "edge_index": edge_index}


def _lti_route(x, params, edge_index):
    # RoutingIRFAggregator + BlockSparseCausalConv (runoff_to_output=False -> diag included, no residual)
    N = x.shape[1]
    diag = jnp.arange(N, dtype=edge_index.dtype)
    src = jnp.concatenate([edge_index[0], diag])  # include_index_diag=True
    dst = jnp.concatenate([edge_index[1], diag])
    E = src.shape[0]
    # linear-storage IRF per (dst, src) routing pair; path storage aggregated from endpoints (cascade=1)
    k = jax.nn.softplus(params) * 10.0 + 0.5      # positive storage constants [N]
    k_e = 0.5 * (k[src] + k[dst])                 # gather + path aggregation [E]
    tau = jnp.arange(MAX_DELAY, dtype=jnp.float32) * DT
    kern = (DT / k_e)[:, None] * jnp.exp(-tau[None, :] / k_e[:, None])  # [E, L]
    kern = kern / (jnp.sum(kern, axis=1, keepdims=True) + 1e-8)         # sampling_mode='avg' mass normalization
    # block-sparse causal temporal convolution: gather src series, conv with per-edge IRF, scatter-add to dst
    x_src = x[:, src]                              # [T, E] gather
    Tn = x.shape[0]
    contrib = x_src * kern[:, 0][None, :]
    for d in range(1, MAX_DELAY):
        xs = jnp.concatenate([jnp.zeros((d, E), dtype=jnp.float32), x_src[: Tn - d]], axis=0)
        contrib = contrib + xs * kern[:, d][None, :]
    routed = jax.ops.segment_sum(contrib.T, dst, num_segments=N)  # [N, T] scatter-add over edges
    return routed.T                                # [T, N]


def reference(x, params, edge_index):
    return _lti_route(x, params, edge_index)

if __name__ == "__main__":
    import jax
    _d = setup_inputs()
    print(jax.jit(kernel)(*tuple(_d.values())))

</pallas_src>

<mosaic_0001>
#map = affine_map<(d0, d1) -> (0, 0)>
#map1 = affine_map<(d0, d1) -> (0)>
#map2 = affine_map<(d0, d1) -> (0, 0, 0)>
module attributes {stable_mosaic.version = 14 : i64} {
  func.func @sc_route(%arg0: i32, %arg1: i32, %arg2: memref<10000x128xf32, #tpu.memory_space<hbm>>, %arg3: memref<10112xf32, #tpu.memory_space<hbm>>, %arg4: memref<32x84x64xi32, #tpu.memory_space<hbm>>, %arg5: memref<32x84x64xi32, #tpu.memory_space<hbm>>, %arg6: memref<2x10112x128xf32, #tpu.memory_space<hbm>>, %arg7: memref<10112xf32, #tpu.memory_space<vmem>>, %arg8: memref<64xi32, #tpu.memory_space<vmem>>, %arg9: memref<64xi32, #tpu.memory_space<vmem>>, %arg10: memref<84x64xi32, #tpu.memory_space<vmem>>, %arg11: memref<64x128xf32, #tpu.memory_space<vmem>>, %arg12: memref<64x128xf32, #tpu.memory_space<vmem>>, %arg13: memref<64x128xf32, #tpu.memory_space<vmem>>, %arg14: memref<10112x128xf32, #tpu.memory_space<vmem_shared>>, %arg15: memref<!tpu.dma_semaphore, #tpu.memory_space<semaphore_mem>>, %arg16: memref<!tpu.dma_semaphore, #tpu.memory_space<semaphore_mem>>) attributes {dimension_semantics = [#tpu.dimension_semantics<core_parallel>, #tpu.dimension_semantics<subcore_parallel>], iteration_bounds = array<i64: 2, 16>, scalar_prefetch = 0 : i64, scratch_operands = 10 : i64, tpu.core_type = #tpu.core_type<sc_vector_subcore>, window_params = [{transform_indices = #map}, {transform_indices = #map1}, {transform_indices = #map2}, {transform_indices = #map2}, {transform_indices = #map2}]} {
    %mul3A = arith.constant 2 : i32
    %mul3A_0 = arith.muli %arg1, %mul3A : i32
    %add3A = arith.addi %mul3A_0, %arg0 : i32
    "tpu.region"() ({
      %run_scoped3A_38 = tpu.sem_alloc : memref<!tpu.dma_semaphore, #tpu.memory_space<semaphore_mem>>
      tpu.enqueue_dma source(%arg3 : memref<10112xf32, #tpu.memory_space<hbm>>) target(%arg7 : memref<10112xf32, #tpu.memory_space<vmem>>) target_semaphore(%run_scoped3A_38 : memref<!tpu.dma_semaphore, #tpu.memory_space<semaphore_mem>>)
      tpu.wait_dma2 semaphore(%run_scoped3A_38 : memref<!tpu.dma_semaphore, #tpu.memory_space<semaphore_mem>>) src(%arg3 : memref<10112xf32, #tpu.memory_space<hbm>>) dst(%arg7 : memref<10112xf32, #tpu.memory_space<vmem>>)
      tpu.yield
    }) : () -> ()
    "tpu.region"() ({
      %run_scoped3A_38 = tpu.sem_alloc : memref<!tpu.dma_semaphore, #tpu.memory_space<semaphore_mem>>
      %dma_start3A_39 = arith.constant 0 : i32
      %dma_start3A_40 = arith.constant 0 : i32
      %dma_start3A_41 = tpu.memref_slice %arg5[%add3A, %dma_start3A_39, %dma_start3A_40] : memref<32x84x64xi32, #tpu.memory_space<hbm>> -> memref<1x84x64xi32, #tpu.memory_space<hbm>>
      %dma_start3A_42 = tpu.memref_squeeze %dma_start3A_41 : memref<1x84x64xi32, #tpu.memory_space<hbm>> -> memref<84x64xi32, #tpu.memory_space<hbm>>
      %dma_start3A_43 = arith.constant 0 : i32
      %dma_start3A_44 = arith.constant 0 : i32
      %dma_start3A_45 = tpu.memref_slice %arg5[%add3A, %dma_start3A_43, %dma_start3A_44] : memref<32x84x64xi32, #tpu.memory_space<hbm>> -> memref<1x84x64xi32, #tpu.memory_space<hbm>>
      %dma_start3A_46 = tpu.memref_squeeze %dma_start3A_45 : memref<1x84x64xi32, #tpu.memory_space<hbm>> -> memref<84x64xi32, #tpu.memory_space<hbm>>
      tpu.enqueue_dma source(%dma_start3A_46 : memref<84x64xi32, #tpu.memory_space<hbm>>) target(%arg10 : memref<84x64xi32, #tpu.memory_space<vmem>>) target_semaphore(%run_scoped3A_38 : memref<!tpu.dma_semaphore, #tpu.memory_space<semaphore_mem>>)
      %dma_wait3A = arith.constant 0 : i32
      %dma_wait3A_47 = arith.constant 0 : i32
      %dma_wait3A_48 = tpu.memref_slice %arg5[%add3A, %dma_wait3A, %dma_wait3A_47] : memref<32x84x64xi32, #tpu.memory_space<hbm>> -> memref<1x84x64xi32, #tpu.memory_space<hbm>>
      %dma_wait3A_49 = tpu.memref_squeeze %dma_wait3A_48 : memref<1x84x64xi32, #tpu.memory_space<hbm>> -> memref<84x64xi32, #tpu.memory_space<hbm>>
      %dma_wait3A_50 = arith.constant 0 : i32
      %dma_wait3A_51 = arith.constant 0 : i32
      %dma_wait3A_52 = tpu.memref_slice %arg5[%add3A, %dma_wait3A_50, %dma_wait3A_51] : memref<32x84x64xi32, #tpu.memory_space<hbm>> -> memref<1x84x64xi32, #tpu.memory_space<hbm>>
      %dma_wait3A_53 = tpu.memref_squeeze %dma_wait3A_52 : memref<1x84x64xi32, #tpu.memory_space<hbm>> -> memref<84x64xi32, #tpu.memory_space<hbm>>
      tpu.wait_dma2 semaphore(%run_scoped3A_38 : memref<!tpu.dma_semaphore, #tpu.memory_space<semaphore_mem>>) src(%dma_wait3A_53 : memref<84x64xi32, #tpu.memory_space<hbm>>) dst(%arg10 : memref<84x64xi32, #tpu.memory_space<vmem>>)
      tpu.yield
    }) : () -> ()
    %run_scoped3A = arith.constant 0 : i32
    "tpu.region"() ({
      %run_scoped3A_38 = tpu.sem_alloc : memref<!tpu.dma_semaphore, #tpu.memory_space<semaphore_mem>>
      %dma_start3A_39 = arith.constant 0 : i32
      %dma_start3A_40 = tpu.memref_slice %arg4[%add3A, %run_scoped3A, %dma_start3A_39] : memref<32x84x64xi32, #tpu.memory_space<hbm>> -> memref<1x1x64xi32, #tpu.memory_space<hbm>>
      %dma_start3A_41 = tpu.memref_squeeze %dma_start3A_40 : memref<1x1x64xi32, #tpu.memory_space<hbm>> -> memref<64xi32, #tpu.memory_space<hbm>>
      %dma_start3A_42 = arith.constant 0 : i32
      %dma_start3A_43 = tpu.memref_slice %arg4[%add3A, %run_scoped3A, %dma_start3A_42] : memref<32x84x64xi32, #tpu.memory_space<hbm>> -> memref<1x1x64xi32, #tpu.memory_space<hbm>>
      %dma_start3A_44 = tpu.memref_squeeze %dma_start3A_43 : memref<1x1x64xi32, #tpu.memory_space<hbm>> -> memref<64xi32, #tpu.memory_space<hbm>>
      tpu.enqueue_dma source(%dma_start3A_44 : memref<64xi32, #tpu.memory_space<hbm>>) target(%arg8 : memref<64xi32, #tpu.memory_space<vmem>>) target_semaphore(%run_scoped3A_38 : memref<!tpu.dma_semaphore, #tpu.memory_space<semaphore_mem>>)
      %dma_wait3A = arith.constant 0 : i32
      %dma_wait3A_45 = tpu.memref_slice %arg4[%add3A, %run_scoped3A, %dma_wait3A] : memref<32x84x64xi32, #tpu.memory_space<hbm>> -> memref<1x1x64xi32, #tpu.memory_space<hbm>>
      %dma_wait3A_46 = tpu.memref_squeeze %dma_wait3A_45 : memref<1x1x64xi32, #tpu.memory_space<hbm>> -> memref<64xi32, #tpu.memory_space<hbm>>
      %dma_wait3A_47 = arith.constant 0 : i32
      %dma_wait3A_48 = tpu.memref_slice %arg4[%add3A, %run_scoped3A, %dma_wait3A_47] : memref<32x84x64xi32, #tpu.memory_space<hbm>> -> memref<1x1x64xi32, #tpu.memory_space<hbm>>
      %dma_wait3A_49 = tpu.memref_squeeze %dma_wait3A_48 : memref<1x1x64xi32, #tpu.memory_space<hbm>> -> memref<64xi32, #tpu.memory_space<hbm>>
      tpu.wait_dma2 semaphore(%run_scoped3A_38 : memref<!tpu.dma_semaphore, #tpu.memory_space<semaphore_mem>>) src(%dma_wait3A_49 : memref<64xi32, #tpu.memory_space<hbm>>) dst(%arg8 : memref<64xi32, #tpu.memory_space<vmem>>)
      tpu.yield
    }) : () -> ()
    %dma_start3A = arith.constant 0 : i32
    %dma_start3A_1 = arith.constant 0 : i32
    %dma_start3A_2 = tpu.memref_slice %arg2[%dma_start3A, %dma_start3A_1] : memref<10000x128xf32, #tpu.memory_space<hbm>> -> memref<10000x128xf32, #tpu.memory_space<hbm>>
    tpu.enqueue_indirect_dma source(%dma_start3A_2 : memref<10000x128xf32, #tpu.memory_space<hbm>>) target(%arg11 : memref<64x128xf32, #tpu.memory_space<vmem>>) offsets(%arg8 : memref<64xi32, #tpu.memory_space<vmem>>) semaphore(%arg15 : memref<!tpu.dma_semaphore, #tpu.memory_space<semaphore_mem>>)
    %iota3A = tpu.iota {dimensions = array<i32: 0>} : vector<16xi32>
    %broadcast_in_dim3A = arith.constant 0.000000e+00 : f32
    %broadcast_in_dim3A_3 = vector.broadcast %broadcast_in_dim3A : f32 to vector<16xf32>
    %scan3A = arith.constant 0 : i32
    %scan3A_4 = arith.constant 0 : i32
    %scan3A_5 = arith.constant 64 : i32
    %scan3A_6 = arith.addi %scan3A_4, %scan3A_5 : i32
    %scan3A_7 = arith.constant 1 : i32
    scf.for %scan3A_38 = %scan3A_4 to %scan3A_6 step %scan3A_7  : i32 {
      %swap3A = arith.index_cast %scan3A_38 : i32 to index
      %swap3A_39 = arith.constant 0 : index
      %swap3A_40 = tpu.vector_load %arg13[%swap3A, %swap3A_39] {strides = array<i32>} : memref<64x128xf32, #tpu.memory_space<vmem>>, vector<16xf32>,
      tpu.vector_store %arg13[%swap3A, %swap3A_39], %broadcast_in_dim3A_3 {strides = array<i32>} : memref<64x128xf32, #tpu.memory_space<vmem>>, vector<16xf32>,
      %swap3A_41 = arith.index_cast %scan3A_38 : i32 to index
      %swap3A_42 = arith.constant 16 : index
      %swap3A_43 = tpu.vector_load %arg13[%swap3A_41, %swap3A_42] {strides = array<i32>} : memref<64x128xf32, #tpu.memory_space<vmem>>, vector<16xf32>,
      tpu.vector_store %arg13[%swap3A_41, %swap3A_42], %broadcast_in_dim3A_3 {strides = array<i32>} : memref<64x128xf32, #tpu.memory_space<vmem>>, vector<16xf32>,
      %swap3A_44 = arith.index_cast %scan3A_38 : i32 to index
      %swap3A_45 = arith.constant 32 : index
      %swap3A_46 = tpu.vector_load %arg13[%swap3A_44, %swap3A_45] {strides = array<i32>} : memref<64x128xf32, #tpu.memory_space<vmem>>, vector<16xf32>,
      tpu.vector_store %arg13[%swap3A_44, %swap3A_45], %broadcast_in_dim3A_3 {strides = array<i32>} : memref<64x128xf32, #tpu.memory_space<vmem>>, vector<16xf32>,
      %swap3A_47 = arith.index_cast %scan3A_38 : i32 to index
      %swap3A_48 = arith.constant 48 : index
      %swap3A_49 = tpu.vector_load %arg13[%swap3A_47, %swap3A_48] {strides = array<i32>} : memref<64x128xf32, #tpu.memory_space<vmem>>, vector<16xf32>,
      tpu.vector_store %arg13[%swap3A_47, %swap3A_48], %broadcast_in_dim3A_3 {strides = array<i32>} : memref<64x128xf32, #tpu.memory_space<vmem>>, vector<16xf32>,
      %swap3A_50 = arith.index_cast %scan3A_38 : i32 to index
      %swap3A_51 = arith.constant 64 : index
      %swap3A_52 = tpu.vector_load %arg13[%swap3A_50, %swap3A_51] {strides = array<i32>} : memref<64x128xf32, #tpu.memory_space<vmem>>, vector<16xf32>,
      tpu.vector_store %arg13[%swap3A_50, %swap3A_51], %broadcast_in_dim3A_3 {strides = array<i32>} : memref<64x128xf32, #tpu.memory_space<vmem>>, vector<16xf32>,
      %swap3A_53 = arith.index_cast %scan3A_38 : i32 to index
      %swap3A_54 = arith.constant 80 : index
      %swap3A_55 = tpu.vector_load %arg13[%swap3A_53, %swap3A_54] {strides = array<i32>} : memref<64x128xf32, #tpu.memory_space<vmem>>, vector<16xf32>,
      tpu.vector_store %arg13[%swap3A_53, %swap3A_54], %broadcast_in_dim3A_3 {strides = array<i32>} : memref<64x128xf32, #tpu.memory_space<vmem>>, vector<16xf32>,
      %swap3A_56 = arith.index_cast %scan3A_38 : i32 to index
      %swap3A_57 = arith.constant 96 : index
      %swap3A_58 = tpu.vector_load %arg13[%swap3A_56, %swap3A_57] {strides = array<i32>} : memref<64x128xf32, #tpu.memory_space<vmem>>, vector<16xf32>,
      tpu.vector_store %arg13[%swap3A_56, %swap3A_57], %broadcast_in_dim3A_3 {strides = array<i32>} : memref<64x128xf32, #tpu.memory_space<vmem>>, vector<16xf32>,
      %swap3A_59 = arith.index_cast %scan3A_38 : i32 to index
      %swap3A_60 = arith.constant 112 : index
      %swap3A_61 = tpu.vector_load %arg13[%swap3A_59, %swap3A_60] {strides = array<i32>} : memref<64x128xf32, #tpu.memory_space<vmem>>, vector<16xf32>,
      tpu.vector_store %arg13[%swap3A_59, %swap3A_60], %broadcast_in_dim3A_3 {strides = array<i32>} : memref<64x128xf32, #tpu.memory_space<vmem>>, vector<16xf32>,
    }
    %scan3A_8 = arith.constant 64 : i32
    %mul3A_9 = arith.constant 632 : i32
    %mul3A_10 = arith.muli %arg1, %mul3A_9 : i32
    %add3A_11 = arith.constant 0 : i32
    %add3A_12 = arith.addi %mul3A_10, %add3A_11 : i32
    "tpu.region"() ({
      %run_scoped3A_38 = tpu.sem_alloc : memref<!tpu.dma_semaphore, #tpu.memory_space<semaphore_mem>>
      %dma_start3A_39 = arith.constant 0 : i32
      %dma_start3A_40 = tpu.memref_slice %arg14[%add3A_12, %dma_start3A_39] : memref<10112x128xf32, #tpu.memory_space<vmem_shared>> -> memref<64x128xf32, #tpu.memory_space<vmem_shared>>
      %dma_start3A_41 = arith.constant 0 : i32
      %dma_start3A_42 = tpu.memref_slice %arg14[%add3A_12, %dma_start3A_41] : memref<10112x128xf32, #tpu.memory_space<vmem_shared>> -> memref<64x128xf32, #tpu.memory_space<vmem_shared>>
      tpu.enqueue_dma source(%arg13 : memref<64x128xf32, #tpu.memory_space<vmem>>) target(%dma_start3A_42 : memref<64x128xf32, #tpu.memory_space<vmem_shared>>) target_semaphore(%run_scoped3A_38 : memref<!tpu.dma_semaphore, #tpu.memory_space<semaphore_mem>>)
      %dma_wait3A = arith.constant 0 : i32
      %dma_wait3A_43 = tpu.memref_slice %arg14[%add3A_12, %dma_wait3A] : memref<10112x128xf32, #tpu.memory_space<vmem_shared>> -> memref<64x128xf32, #tpu.memory_space<vmem_shared>>
      %dma_wait3A_44 = arith.constant 0 : i32
      %dma_wait3A_45 = tpu.memref_slice %arg14[%add3A_12, %dma_wait3A_44] : memref<10112x128xf32, #tpu.memory_space<vmem_shared>> -> memref<64x128xf32, #tpu.memory_space<vmem_shared>>
      tpu.wait_dma2 semaphore(%run_scoped3A_38 : memref<!tpu.dma_semaphore, #tpu.memory_space<semaphore_mem>>) src(%arg13 : memref<64x128xf32, #tpu.memory_space<vmem>>) dst(%dma_wait3A_45 : memref<64x128xf32, #tpu.memory_space<vmem_shared>>)
      tpu.yield
    }) : () -> ()
    %add3A_13 = arith.constant 64 : i32
    %add3A_14 = arith.addi %mul3A_10, %add3A_13 : i32
    "tpu.region"() ({
      %run_scoped3A_38 = tpu.sem_alloc : memref<!tpu.dma_semaphore, #tpu.memory_space<semaphore_mem>>
      %dma_start3A_39 = arith.constant 0 : i32
      %dma_start3A_40 = tpu.memref_slice %arg14[%add3A_14, %dma_start3A_39] : memref<10112x128xf32, #tpu.memory_space<vmem_shared>> -> memref<64x128xf32, #tpu.memory_space<vmem_shared>>
      %dma_start3A_41 = arith.constant 0 : i32
      %dma_start3A_42 = tpu.memref_slice %arg14[%add3A_14, %dma_start3A_41] : memref<10112x128xf32, #tpu.memory_space<vmem_shared>> -> memref<64x128xf32, #tpu.memory_space<vmem_shared>>
      tpu.enqueue_dma source(%arg13 : memref<64x128xf32, #tpu.memory_space<vmem>>) target(%dma_start3A_42 : memref<64x128xf32, #tpu.memory_space<vmem_shared>>) target_semaphore(%run_scoped3A_38 : memref<!tpu.dma_semaphore, #tpu.memory_space<semaphore_mem>>)
      %dma_wait3A = arith.constant 0 : i32
      %dma_wait3A_43 = tpu.memref_slice %arg14[%add3A_14, %dma_wait3A] : memref<10112x128xf32, #tpu.memory_space<vmem_shared>> -> memref<64x128xf32, #tpu.memory_space<vmem_shared>>
      %dma_wait3A_44 = arith.constant 0 : i32
      %dma_wait3A_45 = tpu.memref_slice %arg14[%add3A_14, %dma_wait3A_44] : memref<10112x128xf32, #tpu.memory_space<vmem_shared>> -> memref<64x128xf32, #tpu.memory_space<vmem_shared>>
      tpu.wait_dma2 semaphore(%run_scoped3A_38 : memref<!tpu.dma_semaphore, #tpu.memory_space<semaphore_mem>>) src(%arg13 : memref<64x128xf32, #tpu.memory_space<vmem>>) dst(%dma_wait3A_45 : memref<64x128xf32, #tpu.memory_space<vmem_shared>>)
      tpu.yield
    }) : () -> ()
    %add3A_15 = arith.constant 128 : i32
    %add3A_16 = arith.addi %mul3A_10, %add3A_15 : i32
    "tpu.region"() ({
      %run_scoped3A_38 = tpu.sem_alloc : memref<!tpu.dma_semaphore, #tpu.memory_space<semaphore_mem>>
      %dma_start3A_39 = arith.constant 0 : i32
      %dma_start3A_40 = tpu.memref_slice %arg14[%add3A_16, %dma_start3A_39] : memref<10112x128xf32, #tpu.memory_space<vmem_shared>> -> memref<64x128xf32, #tpu.memory_space<vmem_shared>>
      %dma_start3A_41 = arith.constant 0 : i32
      %dma_start3A_42 = tpu.memref_slice %arg14[%add3A_16, %dma_start3A_41] : memref<10112x128xf32, #tpu.memory_space<vmem_shared>> -> memref<64x128xf32, #tpu.memory_space<vmem_shared>>
      tpu.enqueue_dma source(%arg13 : memref<64x128xf32, #tpu.memory_space<vmem>>) target(%dma_start3A_42 : memref<64x128xf32, #tpu.memory_space<vmem_shared>>) target_semaphore(%run_scoped3A_38 : memref<!tpu.dma_semaphore, #tpu.memory_space<semaphore_mem>>)
      %dma_wait3A = arith.constant 0 : i32
      %dma_wait3A_43 = tpu.memref_slice %arg14[%add3A_16, %dma_wait3A] : memref<10112x128xf32, #tpu.memory_space<vmem_shared>> -> memref<64x128xf32, #tpu.memory_space<vmem_shared>>
      %dma_wait3A_44 = arith.constant 0 : i32
      %dma_wait3A_45 = tpu.memref_slice %arg14[%add3A_16, %dma_wait3A_44] : memref<10112x128xf32, #tpu.memory_space<vmem_shared>> -> memref<64x128xf32, #tpu.memory_space<vmem_shared>>
      tpu.wait_dma2 semaphore(%run_scoped3A_38 : memref<!tpu.dma_semaphore, #tpu.memory_space<semaphore_mem>>) src(%arg13 : memref<64x128xf32, #tpu.memory_space<vmem>>) dst(%dma_wait3A_45 : memref<64x128xf32, #tpu.memory_space<vmem_shared>>)
      tpu.yield
    }) : () -> ()
    %add3A_17 = arith.constant 192 : i32
    %add3A_18 = arith.addi %mul3A_10, %add3A_17 : i32
    "tpu.region"() ({
      %run_scoped3A_38 = tpu.sem_alloc : memref<!tpu.dma_semaphore, #tpu.memory_space<semaphore_mem>>
      %dma_start3A_39 = arith.constant 0 : i32
      %dma_start3A_40 = tpu.memref_slice %arg14[%add3A_18, %dma_start3A_39] : memref<10112x128xf32, #tpu.memory_space<vmem_shared>> -> memref<64x128xf32, #tpu.memory_space<vmem_shared>>
      %dma_start3A_41 = arith.constant 0 : i32
      %dma_start3A_42 = tpu.memref_slice %arg14[%add3A_18, %dma_start3A_41] : memref<10112x128xf32, #tpu.memory_space<vmem_shared>> -> memref<64x128xf32, #tpu.memory_space<vmem_shared>>
      tpu.enqueue_dma source(%arg13 : memref<64x128xf32, #tpu.memory_space<vmem>>) target(%dma_start3A_42 : memref<64x128xf32, #tpu.memory_space<vmem_shared>>) target_semaphore(%run_scoped3A_38 : memref<!tpu.dma_semaphore, #tpu.memory_space<semaphore_mem>>)
      %dma_wait3A = arith.constant 0 : i32
      %dma_wait3A_43 = tpu.memref_slice %arg14[%add3A_18, %dma_wait3A] : memref<10112x128xf32, #tpu.memory_space<vmem_shared>> -> memref<64x128xf32, #tpu.memory_space<vmem_shared>>
      %dma_wait3A_44 = arith.constant 0 : i32
      %dma_wait3A_45 = tpu.memref_slice %arg14[%add3A_18, %dma_wait3A_44] : memref<10112x128xf32, #tpu.memory_space<vmem_shared>> -> memref<64x128xf32, #tpu.memory_space<vmem_shared>>
      tpu.wait_dma2 semaphore(%run_scoped3A_38 : memref<!tpu.dma_semaphore, #tpu.memory_space<semaphore_mem>>) src(%arg13 : memref<64x128xf32, #tpu.memory_space<vmem>>) dst(%dma_wait3A_45 : memref<64x128xf32, #tpu.memory_space<vmem_shared>>)
      tpu.yield
    }) : () -> ()
    %add3A_19 = arith.constant 256 : i32
    %add3A_20 = arith.addi %mul3A_10, %add3A_19 : i32
    "tpu.region"() ({
      %run_scoped3A_38 = tpu.sem_alloc : memref<!tpu.dma_semaphore, #tpu.memory_space<semaphore_mem>>
      %dma_start3A_39 = arith.constant 0 : i32
      %dma_start3A_40 = tpu.memref_slice %arg14[%add3A_20, %dma_start3A_39] : memref<10112x128xf32, #tpu.memory_space<vmem_shared>> -> memref<64x128xf32, #tpu.memory_space<vmem_shared>>
      %dma_start3A_41 = arith.constant 0 : i32
      %dma_start3A_42 = tpu.memref_slice %arg14[%add3A_20, %dma_start3A_41] : memref<10112x128xf32, #tpu.memory_space<vmem_shared>> -> memref<64x128xf32, #tpu.memory_space<vmem_shared>>
      tpu.enqueue_dma source(%arg13 : memref<64x128xf32, #tpu.memory_space<vmem>>) target(%dma_start3A_42 : memref<64x128xf32, #tpu.memory_space<vmem_shared>>) target_semaphore(%run_scoped3A_38 : memref<!tpu.dma_semaphore, #tpu.memory_space<semaphore_mem>>)
      %dma_wait3A = arith.constant 0 : i32
      %dma_wait3A_43 = tpu.memref_slice %arg14[%add3A_20, %dma_wait3A] : memref<10112x128xf32, #tpu.memory_space<vmem_shared>> -> memref<64x128xf32, #tpu.memory_space<vmem_shared>>
      %dma_wait3A_44 = arith.constant 0 : i32
      %dma_wait3A_45 = tpu.memref_slice %arg14[%add3A_20, %dma_wait3A_44] : memref<10112x128xf32, #tpu.memory_space<vmem_shared>> -> memref<64x128xf32, #tpu.memory_space<vmem_shared>>
      tpu.wait_dma2 semaphore(%run_scoped3A_38 : memref<!tpu.dma_semaphore, #tpu.memory_space<semaphore_mem>>) src(%arg13 : memref<64x128xf32, #tpu.memory_space<vmem>>) dst(%dma_wait3A_45 : memref<64x128xf32, #tpu.memory_space<vmem_shared>>)
      tpu.yield
    }) : () -> ()
    %add3A_21 = arith.constant 320 : i32
    %add3A_22 = arith.addi %mul3A_10, %add3A_21 : i32
    "tpu.region"() ({
      %run_scoped3A_38 = tpu.sem_alloc : memref<!tpu.dma_semaphore, #tpu.memory_space<semaphore_mem>>
      %dma_start3A_39 = arith.constant 0 : i32
      %dma_start3A_40 = tpu.memref_slice %arg14[%add3A_22, %dma_start3A_39] : memref<10112x128xf32, #tpu.memory_space<vmem_shared>> -> memref<64x128xf32, #tpu.memory_space<vmem_shared>>
      %dma_start3A_41 = arith.constant 0 : i32
      %dma_start3A_42 = tpu.memref_slice %arg14[%add3A_22, %dma_start3A_41] : memref<10112x128xf32, #tpu.memory_space<vmem_shared>> -> memref<64x128xf32, #tpu.memory_space<vmem_shared>>
      tpu.enqueue_dma source(%arg13 : memref<64x128xf32, #tpu.memory_space<vmem>>) target(%dma_start3A_42 : memref<64x128xf32, #tpu.memory_space<vmem_shared>>) target_semaphore(%run_scoped3A_38 : memref<!tpu.dma_semaphore, #tpu.memory_space<semaphore_mem>>)
      %dma_wait3A = arith.constant 0 : i32
      %dma_wait3A_43 = tpu.memref_slice %arg14[%add3A_22, %dma_wait3A] : memref<10112x128xf32, #tpu.memory_space<vmem_shared>> -> memref<64x128xf32, #tpu.memory_space<vmem_shared>>
      %dma_wait3A_44 = arith.constant 0 : i32
      %dma_wait3A_45 = tpu.memref_slice %arg14[%add3A_22, %dma_wait3A_44] : memref<10112x128xf32, #tpu.memory_space<vmem_shared>> -> memref<64x128xf32, #tpu.memory_space<vmem_shared>>
      tpu.wait_dma2 semaphore(%run_scoped3A_38 : memref<!tpu.dma_semaphore, #tpu.memory_space<semaphore_mem>>) src(%arg13 : memref<64x128xf32, #tpu.memory_space<vmem>>) dst(%dma_wait3A_45 : memref<64x128xf32, #tpu.memory_space<vmem_shared>>)
      tpu.yield
    }) : () -> ()
    %add3A_23 = arith.constant 384 : i32
    %add3A_24 = arith.addi %mul3A_10, %add3A_23 : i32
    "tpu.region"() ({
      %run_scoped3A_38 = tpu.sem_alloc : memref<!tpu.dma_semaphore, #tpu.memory_space<semaphore_mem>>
      %dma_start3A_39 = arith.constant 0 : i32
      %dma_start3A_40 = tpu.memref_slice %arg14[%add3A_24, %dma_start3A_39] : memref<10112x128xf32, #tpu.memory_space<vmem_shared>> -> memref<64x128xf32, #tpu.memory_space<vmem_shared>>
      %dma_start3A_41 = arith.constant 0 : i32
      %dma_start3A_42 = tpu.memref_slice %arg14[%add3A_24, %dma_start3A_41] : memref<10112x128xf32, #tpu.memory_space<vmem_shared>> -> memref<64x128xf32, #tpu.memory_space<vmem_shared>>
      tpu.enqueue_dma source(%arg13 : memref<64x128xf32, #tpu.memory_space<vmem>>) target(%dma_start3A_42 : memref<64x128xf32, #tpu.memory_space<vmem_shared>>) target_semaphore(%run_scoped3A_38 : memref<!tpu.dma_semaphore, #tpu.memory_space<semaphore_mem>>)
      %dma_wait3A = arith.constant 0 : i32
      %dma_wait3A_43 = tpu.memref_slice %arg14[%add3A_24, %dma_wait3A] : memref<10112x128xf32, #tpu.memory_space<vmem_shared>> -> memref<64x128xf32, #tpu.memory_space<vmem_shared>>
      %dma_wait3A_44 = arith.constant 0 : i32
      %dma_wait3A_45 = tpu.memref_slice %arg14[%add3A_24, %dma_wait3A_44] : memref<10112x128xf32, #tpu.memory_space<vmem_shared>> -> memref<64x128xf32, #tpu.memory_space<vmem_shared>>
      tpu.wait_dma2 semaphore(%run_scoped3A_38 : memref<!tpu.dma_semaphore, #tpu.memory_space<semaphore_mem>>) src(%arg13 : memref<64x128xf32, #tpu.memory_space<vmem>>) dst(%dma_wait3A_45 : memref<64x128xf32, #tpu.memory_space<vmem_shared>>)
      tpu.yield
    }) : () -> ()
    %add3A_25 = arith.constant 448 : i32
    %add3A_26 = arith.addi %mul3A_10, %add3A_25 : i32
    "tpu.region"() ({
      %run_scoped3A_38 = tpu.sem_alloc : memref<!tpu.dma_semaphore, #tpu.memory_space<semaphore_mem>>
      %dma_start3A_39 = arith.constant 0 : i32
      %dma_start3A_40 = tpu.memref_slice %arg14[%add3A_26, %dma_start3A_39] : memref<10112x128xf32, #tpu.memory_space<vmem_shared>> -> memref<64x128xf32, #tpu.memory_space<vmem_shared>>
      %dma_start3A_41 = arith.constant 0 : i32
      %dma_start3A_42 = tpu.memref_slice %arg14[%add3A_26, %dma_start3A_41] : memref<10112x128xf32, #tpu.memory_space<vmem_shared>> -> memref<64x128xf32, #tpu.memory_space<vmem_shared>>
      tpu.enqueue_dma source(%arg13 : memref<64x128xf32, #tpu.memory_space<vmem>>) target(%dma_start3A_42 : memref<64x128xf32, #tpu.memory_space<vmem_shared>>) target_semaphore(%run_scoped3A_38 : memref<!tpu.dma_semaphore, #tpu.memory_space<semaphore_mem>>)
      %dma_wait3A = arith.constant 0 : i32
      %dma_wait3A_43 = tpu.memref_slice %arg14[%add3A_26, %dma_wait3A] : memref<10112x128xf32, #tpu.memory_space<vmem_shared>> -> memref<64x128xf32, #tpu.memory_space<vmem_shared>>
      %dma_wait3A_44 = arith.constant 0 : i32
      %dma_wait3A_45 = tpu.memref_slice %arg14[%add3A_26, %dma_wait3A_44] : memref<10112x128xf32, #tpu.memory_space<vmem_shared>> -> memref<64x128xf32, #tpu.memory_space<vmem_shared>>
      tpu.wait_dma2 semaphore(%run_scoped3A_38 : memref<!tpu.dma_semaphore, #tpu.memory_space<semaphore_mem>>) src(%arg13 : memref<64x128xf32, #tpu.memory_space<vmem>>) dst(%dma_wait3A_45 : memref<64x128xf32, #tpu.memory_space<vmem_shared>>)
      tpu.yield
    }) : () -> ()
    %add3A_27 = arith.constant 512 : i32
    %add3A_28 = arith.addi %mul3A_10, %add3A_27 : i32
    "tpu.region"() ({
      %run_scoped3A_38 = tpu.sem_alloc : memref<!tpu.dma_semaphore, #tpu.memory_space<semaphore_mem>>
      %dma_start3A_39 = arith.constant 0 : i32
      %dma_start3A_40 = tpu.memref_slice %arg14[%add3A_28, %dma_start3A_39] : memref<10112x128xf32, #tpu.memory_space<vmem_shared>> -> memref<64x128xf32, #tpu.memory_space<vmem_shared>>
      %dma_start3A_41 = arith.constant 0 : i32
      %dma_start3A_42 = tpu.memref_slice %arg14[%add3A_28, %dma_start3A_41] : memref<10112x128xf32, #tpu.memory_space<vmem_shared>> -> memref<64x128xf32, #tpu.memory_space<vmem_shared>>
      tpu.enqueue_dma source(%arg13 : memref<64x128xf32, #tpu.memory_space<vmem>>) target(%dma_start3A_42 : memref<64x128xf32, #tpu.memory_space<vmem_shared>>) target_semaphore(%run_scoped3A_38 : memref<!tpu.dma_semaphore, #tpu.memory_space<semaphore_mem>>)
      %dma_wait3A = arith.constant 0 : i32
      %dma_wait3A_43 = tpu.memref_slice %arg14[%add3A_28, %dma_wait3A] : memref<10112x128xf32, #tpu.memory_space<vmem_shared>> -> memref<64x128xf32, #tpu.memory_space<vmem_shared>>
      %dma_wait3A_44 = arith.constant 0 : i32
      %dma_wait3A_45 = tpu.memref_slice %arg14[%add3A_28, %dma_wait3A_44] : memref<10112x128xf32, #tpu.memory_space<vmem_shared>> -> memref<64x128xf32, #tpu.memory_space<vmem_shared>>
      tpu.wait_dma2 semaphore(%run_scoped3A_38 : memref<!tpu.dma_semaphore, #tpu.memory_space<semaphore_mem>>) src(%arg13 : memref<64x128xf32, #tpu.memory_space<vmem>>) dst(%dma_wait3A_45 : memref<64x128xf32, #tpu.memory_space<vmem_shared>>)
      tpu.yield
    }) : () -> ()
    %add3A_29 = arith.constant 576 : i32
    %add3A_30 = arith.addi %mul3A_10, %add3A_29 : i32
    "tpu.region"() ({
      %run_scoped3A_38 = tpu.sem_alloc : memref<!tpu.dma_semaphore, #tpu.memory_space<semaphore_mem>>
      %dma_start3A_39 = arith.constant 0 : i32
      %dma_start3A_40 = arith.constant 0 : i32
      %dma_start3A_41 = tpu.memref_slice %arg13[%dma_start3A_39, %dma_start3A_40] : memref<64x128xf32, #tpu.memory_space<vmem>> -> memref<56x128xf32, #tpu.memory_space<vmem>>
      %dma_start3A_42 = arith.constant 0 : i32
      %dma_start3A_43 = tpu.memref_slice %arg14[%add3A_30, %dma_start3A_42] : memref<10112x128xf32, #tpu.memory_space<vmem_shared>> -> memref<56x128xf32, #tpu.memory_space<vmem_shared>>
      %dma_start3A_44 = arith.constant 0 : i32
      %dma_start3A_45 = tpu.memref_slice %arg14[%add3A_30, %dma_start3A_44] : memref<10112x128xf32, #tpu.memory_space<vmem_shared>> -> memref<56x128xf32, #tpu.memory_space<vmem_shared>>
      %dma_start3A_46 = arith.constant 0 : i32
      %dma_start3A_47 = arith.constant 0 : i32
      %dma_start3A_48 = tpu.memref_slice %arg13[%dma_start3A_46, %dma_start3A_47] : memref<64x128xf32, #tpu.memory_space<vmem>> -> memref<56x128xf32, #tpu.memory_space<vmem>>
      tpu.enqueue_dma source(%dma_start3A_48 : memref<56x128xf32, #tpu.memory_space<vmem>>) target(%dma_start3A_45 : memref<56x128xf32, #tpu.memory_space<vmem_shared>>) target_semaphore(%run_scoped3A_38 : memref<!tpu.dma_semaphore, #tpu.memory_space<semaphore_mem>>)
      %dma_wait3A = arith.constant 0 : i32
      %dma_wait3A_49 = arith.constant 0 : i32
      %dma_wait3A_50 = tpu.memref_slice %arg13[%dma_wait3A, %dma_wait3A_49] : memref<64x128xf32, #tpu.memory_space<vmem>> -> memref<56x128xf32, #tpu.memory_space<vmem>>
      %dma_wait3A_51 = arith.constant 0 : i32
      %dma_wait3A_52 = tpu.memref_slice %arg14[%add3A_30, %dma_wait3A_51] : memref<10112x128xf32, #tpu.memory_space<vmem_shared>> -> memref<56x128xf32, #tpu.memory_space<vmem_shared>>
      %dma_wait3A_53 = arith.constant 0 : i32
      %dma_wait3A_54 = tpu.memref_slice %arg14[%add3A_30, %dma_wait3A_53] : memref<10112x128xf32, #tpu.memory_space<vmem_shared>> -> memref<56x128xf32, #tpu.memory_space<vmem_shared>>
      %dma_wait3A_55 = arith.constant 0 : i32
      %dma_wait3A_56 = arith.constant 0 : i32
      %dma_wait3A_57 = tpu.memref_slice %arg13[%dma_wait3A_55, %dma_wait3A_56] : memref<64x128xf32, #tpu.memory_space<vmem>> -> memref<56x128xf32, #tpu.memory_space<vmem>>
      tpu.wait_dma2 semaphore(%run_scoped3A_38 : memref<!tpu.dma_semaphore, #tpu.memory_space<semaphore_mem>>) src(%dma_wait3A_57 : memref<56x128xf32, #tpu.memory_space<vmem>>) dst(%dma_wait3A_54 : memref<56x128xf32, #tpu.memory_space<vmem_shared>>)
      tpu.yield
    }) : () -> ()
    %barrier3A = arith.constant 0 : index
    tpu.barrier barrier_id(%barrier3A)
    %scan3A_31 = arith.constant 0 : i32
    %scan3A_32 = arith.constant 0 : i32
    %scan3A_33 = arith.constant 42 : i32
    %scan3A_34 = arith.addi %scan3A_32, %scan3A_33 : i32
    %scan3A_35 = arith.constant 1 : i32
    scf.for %scan3A_38 = %scan3A_32 to %scan3A_34 step %scan3A_35  : i32 {
      %mul3A_39 = arith.constant 2 : i32
      %mul3A_40 = arith.muli %mul3A_39, %scan3A_38 : i32
      %add3A_41 = arith.constant 1 : i32
      %add3A_42 = arith.addi %mul3A_40, %add3A_41 : i32
      %lt3A = arith.constant 84 : i32
      %lt3A_43 = arith.cmpi slt, %add3A_42, %lt3A : i32
      %convert_element_type3A = arith.extui %lt3A_43 : i1 to i32
      %cond3A = arith.constant 0 : i32
      %cond3A_44 = arith.cmpi ne, %convert_element_type3A, %cond3A : i32
      scf.if %cond3A_44 {
        "tpu.region"() ({
          %run_scoped3A_402 = tpu.sem_alloc : memref<!tpu.dma_semaphore, #tpu.memory_space<semaphore_mem>>
          %dma_start3A_403 = arith.constant 0 : i32
          %dma_start3A_404 = tpu.memref_slice %arg4[%add3A, %add3A_42, %dma_start3A_403] : memref<32x84x64xi32, #tpu.memory_space<hbm>> -> memref<1x1x64xi32, #tpu.memory_space<hbm>>
          %dma_start3A_405 = tpu.memref_squeeze %dma_start3A_404 : memref<1x1x64xi32, #tpu.memory_space<hbm>> -> memref<64xi32, #tpu.memory_space<hbm>>
          %dma_start3A_406 = arith.constant 0 : i32
          %dma_start3A_407 = tpu.memref_slice %arg4[%add3A, %add3A_42, %dma_start3A_406] : memref<32x84x64xi32, #tpu.memory_space<hbm>> -> memref<1x1x64xi32, #tpu.memory_space<hbm>>
          %dma_start3A_408 = tpu.memref_squeeze %dma_start3A_407 : memref<1x1x64xi32, #tpu.memory_space<hbm>> -> memref<64xi32, #tpu.memory_space<hbm>>
          tpu.enqueue_dma source(%dma_start3A_408 : memref<64xi32, #tpu.memory_space<hbm>>) target(%arg9 : memref<64xi32, #tpu.memory_space<vmem>>) target_semaphore(%run_scoped3A_402 : memref<!tpu.dma_semaphore, #tpu.memory_space<semaphore_mem>>)
          %dma_wait3A_409 = arith.constant 0 : i32
          %dma_wait3A_410 = tpu.memref_slice %arg4[%add3A, %add3A_42, %dma_wait3A_409] : memref<32x84x64xi32, #tpu.memory_space<hbm>> -> memref<1x1x64xi32, #tpu.memory_space<hbm>>
          %dma_wait3A_411 = tpu.memref_squeeze %dma_wait3A_410 : memref<1x1x64xi32, #tpu.memory_space<hbm>> -> memref<64xi32, #tpu.memory_space<hbm>>
          %dma_wait3A_412 = arith.constant 0 : i32
          %dma_wait3A_413 = tpu.memref_slice %arg4[%add3A, %add3A_42, %dma_wait3A_412] : memref<32x84x64xi32, #tpu.memory_space<hbm>> -> memref<1x1x64xi32, #tpu.memory_space<hbm>>
          %dma_wait3A_414 = tpu.memref_squeeze %dma_wait3A_413 : memref<1x1x64xi32, #tpu.memory_space<hbm>> -> memref<64xi32, #tpu.memory_space<hbm>>
          tpu.wait_dma2 semaphore(%run_scoped3A_402 : memref<!tpu.dma_semaphore, #tpu.memory_space<semaphore_mem>>) src(%dma_wait3A_414 : memref<64xi32, #tpu.memory_space<hbm>>) dst(%arg9 : memref<64xi32, #tpu.memory_space<vmem>>)
          tpu.yield
        }) : () -> ()
        %dma_start3A_399 = arith.constant 0 : i32
        %dma_start3A_400 = arith.constant 0 : i32
        %dma_start3A_401 = tpu.memref_slice %arg2[%dma_start3A_399, %dma_start3A_400] : memref<10000x128xf32, #tpu.memory_space<hbm>> -> memref<10000x128xf32, #tpu.memory_space<hbm>>
        tpu.enqueue_indirect_dma source(%dma_start3A_401 : memref<10000x128xf32, #tpu.memory_space<hbm>>) target(%arg12 : memref<64x128xf32, #tpu.memory_space<vmem>>) offsets(%arg9 : memref<64xi32, #tpu.memory_space<vmem>>) semaphore(%arg16 : memref<!tpu.dma_semaphore, #tpu.memory_space<semaphore_mem>>)
      } else {
      }
      %dma_wait3A = arith.constant 0 : i32
      %dma_wait3A_45 = arith.constant 0 : i32
      %dma_wait3A_46 = tpu.memref_slice %arg2[%dma_wait3A, %dma_wait3A_45] : memref<10000x128xf32, #tpu.memory_space<hbm>> -> memref<10000x128xf32, #tpu.memory_space<hbm>>
      tpu.wait_indirect_dma semaphore(%arg15 : memref<!tpu.dma_semaphore, #tpu.memory_space<semaphore_mem>>) src(%dma_wait3A_46 : memref<10000x128xf32, #tpu.memory_space<hbm>>) dst(%arg11 : memref<64x128xf32, #tpu.memory_space<vmem>>)
      %add3A_47 = arith.constant 0 : i32
      %add3A_48 = vector.broadcast %add3A_47 : i32 to vector<16xi32>
      %add3A_49 = arith.addi %add3A_48, %iota3A : vector<16xi32>
      %get3A = arith.constant 0 : index
      %get3A_50 = tpu.vector_load %arg8[%get3A] {strides = array<i32>} : memref<64xi32, #tpu.memory_space<vmem>>, vector<16xi32>,
      %get3A_51 = arith.index_cast %mul3A_40 : i32 to index
      %get3A_52 = arith.constant 0 : index
      %get3A_53 = tpu.vector_load %arg10[%get3A_51, %get3A_52] {strides = array<i32>} : memref<84x64xi32, #tpu.memory_space<vmem>>, vector<16xi32>,
      %gather3A = tpu.vector_load_idx %arg7[%get3A_50] : memref<10112xf32, #tpu.memory_space<vmem>>[vector<16xi32>], vector<16xf32>,
      %gather3A_54 = tpu.vector_load_idx %arg7[%get3A_53] : memref<10112xf32, #tpu.memory_space<vmem>>[vector<16xi32>], vector<16xf32>,
      %add3A_55 = arith.addf %gather3A, %gather3A_54 : vector<16xf32>
      %div3A = arith.constant 2.000000e+00 : f32
      %div3A_56 = vector.broadcast %div3A : f32 to vector<16xf32>
      %div3A_57 = arith.divf %div3A_56, %add3A_55 : vector<16xf32>
      %neg3A = arith.constant 0.000000e+00 : f32
      %neg3A_58 = vector.broadcast %neg3A : f32 to vector<16xf32>
      %neg3A_59 = arith.subf %neg3A_58, %div3A_57 : vector<16xf32>
      %exp3A = math.exp %neg3A_59 : vector<16xf32>
      %mul3A_60 = arith.constant -1.000000e+02 : f32
      %mul3A_61 = vector.broadcast %mul3A_60 : f32 to vector<16xf32>
      %mul3A_62 = arith.mulf %mul3A_61, %div3A_57 : vector<16xf32>
      %exp3A_63 = math.exp %mul3A_62 : vector<16xf32>
      %sub3A = arith.constant 1.000000e+00 : f32
      %sub3A_64 = vector.broadcast %sub3A : f32 to vector<16xf32>
      %sub3A_65 = arith.subf %sub3A_64, %exp3A_63 : vector<16xf32>
      %mul3A_66 = arith.mulf %div3A_57, %sub3A_65 : vector<16xf32>
      %sub3A_67 = arith.constant 1.000000e+00 : f32
      %sub3A_68 = vector.broadcast %sub3A_67 : f32 to vector<16xf32>
      %sub3A_69 = arith.subf %sub3A_68, %exp3A : vector<16xf32>
      %div3A_70 = arith.divf %mul3A_66, %sub3A_69 : vector<16xf32>
      %add3A_71 = arith.constant 9.99999993E-9 : f32
      %add3A_72 = vector.broadcast %add3A_71 : f32 to vector<16xf32>
      %add3A_73 = arith.addf %div3A_70, %add3A_72 : vector<16xf32>
      %div3A_74 = arith.divf %div3A_57, %add3A_73 : vector<16xf32>
      %mul3A_75 = arith.mulf %div3A_74, %exp3A_63 : vector<16xf32>
      %add3A_76 = arith.constant 16 : i32
      %add3A_77 = vector.broadcast %add3A_76 : i32 to vector<16xi32>
      %add3A_78 = arith.addi %add3A_77, %iota3A : vector<16xi32>
      %get3A_79 = arith.constant 16 : index
      %get3A_80 = tpu.vector_load %arg8[%get3A_79] {strides = array<i32>} : memref<64xi32, #tpu.memory_space<vmem>>, vector<16xi32>,
      %get3A_81 = arith.index_cast %mul3A_40 : i32 to index
      %get3A_82 = arith.constant 16 : index
      %get3A_83 = tpu.vector_load %arg10[%get3A_81, %get3A_82] {strides = array<i32>} : memref<84x64xi32, #tpu.memory_space<vmem>>, vector<16xi32>,
      %gather3A_84 = tpu.vector_load_idx %arg7[%get3A_80] : memref<10112xf32, #tpu.memory_space<vmem>>[vector<16xi32>], vector<16xf32>,
      %gather3A_85 = tpu.vector_load_idx %arg7[%get3A_83] : memref<10112xf32, #tpu.memory_space<vmem>>[vector<16xi32>], vector<16xf32>,
      %add3A_86 = arith.addf %gather3A_84, %gather3A_85 : vector<16xf32>
      %div3A_87 = arith.constant 2.000000e+00 : f32
      %div3A_88 = vector.broadcast %div3A_87 : f32 to vector<16xf32>
      %div3A_89 = arith.divf %div3A_88, %add3A_86 : vector<16xf32>
      %neg3A_90 = arith.constant 0.000000e+00 : f32
      %neg3A_91 = vector.broadcast %neg3A_90 : f32 to vector<16xf32>
      %neg3A_92 = arith.subf %neg3A_91, %div3A_89 : vector<16xf32>
      %exp3A_93 = math.exp %neg3A_92 : vector<16xf32>
      %mul3A_94 = arith.constant -1.000000e+02 : f32
      %mul3A_95 = vector.broadcast %mul3A_94 : f32 to vector<16xf32>
      %mul3A_96 = arith.mulf %mul3A_95, %div3A_89 : vector<16xf32>
      %exp3A_97 = math.exp %mul3A_96 : vector<16xf32>
      %sub3A_98 = arith.constant 1.000000e+00 : f32
      %sub3A_99 = vector.broadcast %sub3A_98 : f32 to vector<16xf32>
      %sub3A_100 = arith.subf %sub3A_99, %exp3A_97 : vector<16xf32>
      %mul3A_101 = arith.mulf %div3A_89, %sub3A_100 : vector<16xf32>
      %sub3A_102 = arith.constant 1.000000e+00 : f32
      %sub3A_103 = vector.broadcast %sub3A_102 : f32 to vector<16xf32>
      %sub3A_104 = arith.subf %sub3A_103, %exp3A_93 : vector<16xf32>
      %div3A_105 = arith.divf %mul3A_101, %sub3A_104 : vector<16xf32>
      %add3A_106 = arith.constant 9.99999993E-9 : f32
      %add3A_107 = vector.broadcast %add3A_106 : f32 to vector<16xf32>
      %add3A_108 = arith.addf %div3A_105, %add3A_107 : vector<16xf32>
      %div3A_109 = arith.divf %div3A_89, %add3A_108 : vector<16xf32>
      %mul3A_110 = arith.mulf %div3A_109, %exp3A_97 : vector<16xf32>
      %add3A_111 = arith.constant 32 : i32
      %add3A_112 = vector.broadcast %add3A_111 : i32 to vector<16xi32>
      %add3A_113 = arith.addi %add3A_112, %iota3A : vector<16xi32>
      %get3A_114 = arith.constant 32 : index
      %get3A_115 = tpu.vector_load %arg8[%get3A_114] {strides = array<i32>} : memref<64xi32, #tpu.memory_space<vmem>>, vector<16xi32>,
      %get3A_116 = arith.index_cast %mul3A_40 : i32 to index
      %get3A_117 = arith.constant 32 : index
      %get3A_118 = tpu.vector_load %arg10[%get3A_116, %get3A_117] {strides = array<i32>} : memref<84x64xi32, #tpu.memory_space<vmem>>, vector<16xi32>,
      %gather3A_119 = tpu.vector_load_idx %arg7[%get3A_115] : memref<10112xf32, #tpu.memory_space<vmem>>[vector<16xi32>], vector<16xf32>,
      %gather3A_120 = tpu.vector_load_idx %arg7[%get3A_118] : memref<10112xf32, #tpu.memory_space<vmem>>[vector<16xi32>], vector<16xf32>,
      %add3A_121 = arith.addf %gather3A_119, %gather3A_120 : vector<16xf32>
      %div3A_122 = arith.constant 2.000000e+00 : f32
      %div3A_123 = vector.broadcast %div3A_122 : f32 to vector<16xf32>
      %div3A_124 = arith.divf %div3A_123, %add3A_121 : vector<16xf32>
      %neg3A_125 = arith.constant 0.000000e+00 : f32
      %neg3A_126 = vector.broadcast %neg3A_125 : f32 to vector<16xf32>
      %neg3A_127 = arith.subf %neg3A_126, %div3A_124 : vector<16xf32>
      %exp3A_128 = math.exp %neg3A_127 : vector<16xf32>
      %mul3A_129 = arith.constant -1.000000e+02 : f32
      %mul3A_130 = vector.broadcast %mul3A_129 : f32 to vector<16xf32>
      %mul3A_131 = arith.mulf %mul3A_130, %div3A_124 : vector<16xf32>
      %exp3A_132 = math.exp %mul3A_131 : vector<16xf32>
      %sub3A_133 = arith.constant 1.000000e+00 : f32
      %sub3A_134 = vector.broadcast %sub3A_133 : f32 to vector<16xf32>
      %sub3A_135 = arith.subf %sub3A_134, %exp3A_132 : vector<16xf32>
      %mul3A_136 = arith.mulf %div3A_124, %sub3A_135 : vector<16xf32>
      %sub3A_137 = arith.constant 1.000000e+00 : f32
      %sub3A_138 = vector.broadcast %sub3A_137 : f32 to vector<16xf32>
      %sub3A_139 = arith.subf %sub3A_138, %exp3A_128 : vector<16xf32>
      %div3A_140 = arith.divf %mul3A_136, %sub3A_139 : vector<16xf32>
      %add3A_141 = arith.constant 9.99999993E-9 : f32
      %add3A_142 = vector.broadcast %add3A_141 : f32 to vector<16xf32>
      %add3A_143 = arith.addf %div3A_140, %add3A_142 : vector<16xf32>
      %div3A_144 = arith.divf %div3A_124, %add3A_143 : vector<16xf32>
      %mul3A_145 = arith.mulf %div3A_144, %exp3A_132 : vector<16xf32>
      %add3A_146 = arith.constant 48 : i32
      %add3A_147 = vector.broadcast %add3A_146 : i32 to vector<16xi32>
      %add3A_148 = arith.addi %add3A_147, %iota3A : vector<16xi32>
      %get3A_149 = arith.constant 48 : index
      %get3A_150 = tpu.vector_load %arg8[%get3A_149] {strides = array<i32>} : memref<64xi32, #tpu.memory_space<vmem>>, vector<16xi32>,
      %get3A_151 = arith.index_cast %mul3A_40 : i32 to index
      %get3A_152 = arith.constant 48 : index
      %get3A_153 = tpu.vector_load %arg10[%get3A_151, %get3A_152] {strides = array<i32>} : memref<84x64xi32, #tpu.memory_space<vmem>>, vector<16xi32>,
      %gather3A_154 = tpu.vector_load_idx %arg7[%get3A_150] : memref<10112xf32, #tpu.memory_space<vmem>>[vector<16xi32>], vector<16xf32>,
      %gather3A_155 = tpu.vector_load_idx %arg7[%get3A_153] : memref<10112xf32, #tpu.memory_space<vmem>>[vector<16xi32>], vector<16xf32>,
      %add3A_156 = arith.addf %gather3A_154, %gather3A_155 : vector<16xf32>
      %div3A_157 = arith.constant 2.000000e+00 : f32
      %div3A_158 = vector.broadcast %div3A_157 : f32 to vector<16xf32>
      %div3A_159 = arith.divf %div3A_158, %add3A_156 : vector<16xf32>
      %neg3A_160 = arith.constant 0.000000e+00 : f32
      %neg3A_161 = vector.broadcast %neg3A_160 : f32 to vector<16xf32>
      %neg3A_162 = arith.subf %neg3A_161, %div3A_159 : vector<16xf32>
      %exp3A_163 = math.exp %neg3A_162 : vector<16xf32>
      %mul3A_164 = arith.constant -1.000000e+02 : f32
      %mul3A_165 = vector.broadcast %mul3A_164 : f32 to vector<16xf32>
      %mul3A_166 = arith.mulf %mul3A_165, %div3A_159 : vector<16xf32>
      %exp3A_167 = math.exp %mul3A_166 : vector<16xf32>
      %sub3A_168 = arith.constant 1.000000e+00 : f32
      %sub3A_169 = vector.broadcast %sub3A_168 : f32 to vector<16xf32>
      %sub3A_170 = arith.subf %sub3A_169, %exp3A_167 : vector<16xf32>
      %mul3A_171 = arith.mulf %div3A_159, %sub3A_170 : vector<16xf32>
      %sub3A_172 = arith.constant 1.000000e+00 : f32
      %sub3A_173 = vector.broadcast %sub3A_172 : f32 to vector<16xf32>
      %sub3A_174 = arith.subf %sub3A_173, %exp3A_163 : vector<16xf32>
      %div3A_175 = arith.divf %mul3A_171, %sub3A_174 : vector<16xf32>
      %add3A_176 = arith.constant 9.99999993E-9 : f32
      %add3A_177 = vector.broadcast %add3A_176 : f32 to vector<16xf32>
      %add3A_178 = arith.addf %div3A_175, %add3A_177 : vector<16xf32>
      %div3A_179 = arith.divf %div3A_159, %add3A_178 : vector<16xf32>
      %mul3A_180 = arith.mulf %div3A_179, %exp3A_167 : vector<16xf32>
      %broadcast_in_dim3A_181 = arith.constant 0.000000e+00 : f32
      %broadcast_in_dim3A_182 = vector.broadcast %broadcast_in_dim3A_181 : f32 to vector<16xf32>
      %scan3A_183 = arith.constant 0 : i32
      %scan3A_184 = arith.constant 15 : i32
      %scan3A_185 = arith.addi %scan3A_183, %scan3A_184 : i32
      %scan3A_186 = arith.constant 1 : i32
      %scan3A_187:4 = scf.for %scan3A_399 = %scan3A_183 to %scan3A_185 step %scan3A_186 iter_args(%scan3A_400 = %broadcast_in_dim3A_182, %scan3A_401 = %broadcast_in_dim3A_182, %scan3A_402 = %broadcast_in_dim3A_182, %scan3A_403 = %broadcast_in_dim3A_182) -> (vector<16xf32>, vector<16xf32>, vector<16xf32>, vector<16xf32>)  : i32 {
        %broadcast_in_dim3A_404 = vector.broadcast %scan3A_399 : i32 to vector<16xi32>
        %sub3A_405 = arith.subi %broadcast_in_dim3A_404, %iota3A : vector<16xi32>
        %ge3A = arith.constant 0 : i32
        %ge3A_406 = vector.broadcast %ge3A : i32 to vector<16xi32>
        %ge3A_407 = arith.cmpi sge, %sub3A_405, %ge3A_406 : vector<16xi32>
        %max3A = arith.constant 0 : i32
        %max3A_408 = vector.broadcast %max3A : i32 to vector<16xi32>
        %max3A_409 = arith.maxsi %sub3A_405, %max3A_408 : vector<16xi32>
        %gather3A_410 = tpu.vector_load_idx %arg11[%add3A_49, %max3A_409] : memref<64x128xf32, #tpu.memory_space<vmem>>[vector<16xi32>, vector<16xi32>], vector<16xf32>,
        %gather3A_411 = tpu.vector_load_idx %arg11[%add3A_78, %max3A_409] : memref<64x128xf32, #tpu.memory_space<vmem>>[vector<16xi32>, vector<16xi32>], vector<16xf32>,
        %gather3A_412 = tpu.vector_load_idx %arg11[%add3A_113, %max3A_409] : memref<64x128xf32, #tpu.memory_space<vmem>>[vector<16xi32>, vector<16xi32>], vector<16xf32>,
        %gather3A_413 = tpu.vector_load_idx %arg11[%add3A_148, %max3A_409] : memref<64x128xf32, #tpu.memory_space<vmem>>[vector<16xi32>, vector<16xi32>], vector<16xf32>,
        %jit3A = arith.constant 0.000000e+00 : f32
        %broadcast_in_dim3A_414 = vector.broadcast %jit3A : f32 to vector<16xf32>
        %select_n3A = arith.select %ge3A_407, %div3A_74, %broadcast_in_dim3A_414 : vector<16xi1>, vector<16xf32>
        %mul3A_415 = arith.mulf %exp3A, %scan3A_400 : vector<16xf32>
        %mul3A_416 = arith.mulf %select_n3A, %gather3A_410 : vector<16xf32>
        %add3A_417 = arith.addf %mul3A_415, %mul3A_416 : vector<16xf32>
        %jit3A_418 = arith.constant 0.000000e+00 : f32
        %broadcast_in_dim3A_419 = vector.broadcast %jit3A_418 : f32 to vector<16xf32>
        %select_n3A_420 = arith.select %ge3A_407, %div3A_109, %broadcast_in_dim3A_419 : vector<16xi1>, vector<16xf32>
        %mul3A_421 = arith.mulf %exp3A_93, %scan3A_401 : vector<16xf32>
        %mul3A_422 = arith.mulf %select_n3A_420, %gather3A_411 : vector<16xf32>
        %add3A_423 = arith.addf %mul3A_421, %mul3A_422 : vector<16xf32>
        %jit3A_424 = arith.constant 0.000000e+00 : f32
        %broadcast_in_dim3A_425 = vector.broadcast %jit3A_424 : f32 to vector<16xf32>
        %select_n3A_426 = arith.select %ge3A_407, %div3A_144, %broadcast_in_dim3A_425 : vector<16xi1>, vector<16xf32>
        %mul3A_427 = arith.mulf %exp3A_128, %scan3A_402 : vector<16xf32>
        %mul3A_428 = arith.mulf %select_n3A_426, %gather3A_412 : vector<16xf32>
        %add3A_429 = arith.addf %mul3A_427, %mul3A_428 : vector<16xf32>
        %jit3A_430 = arith.constant 0.000000e+00 : f32
        %broadcast_in_dim3A_431 = vector.broadcast %jit3A_430 : f32 to vector<16xf32>
        %select_n3A_432 = arith.select %ge3A_407, %div3A_179, %broadcast_in_dim3A_431 : vector<16xi1>, vector<16xf32>
        %mul3A_433 = arith.mulf %exp3A_163, %scan3A_403 : vector<16xf32>
        %mul3A_434 = arith.mulf %select_n3A_432, %gather3A_413 : vector<16xf32>
        %add3A_435 = arith.addf %mul3A_433, %mul3A_434 : vector<16xf32>
        tpu.vector_store_idx %arg13[%add3A_49, %max3A_409], %add3A_417 masked %ge3A_407 : memref<64x128xf32, #tpu.memory_space<vmem>>[vector<16xi32>, vector<16xi32>], vector<16xf32>, vector<16xi1>
        tpu.vector_store_idx %arg13[%add3A_78, %max3A_409], %add3A_423 masked %ge3A_407 : memref<64x128xf32, #tpu.memory_space<vmem>>[vector<16xi32>, vector<16xi32>], vector<16xf32>, vector<16xi1>
        tpu.vector_store_idx %arg13[%add3A_113, %max3A_409], %add3A_429 masked %ge3A_407 : memref<64x128xf32, #tpu.memory_space<vmem>>[vector<16xi32>, vector<16xi32>], vector<16xf32>, vector<16xi1>
        tpu.vector_store_idx %arg13[%add3A_148, %max3A_409], %add3A_435 masked %ge3A_407 : memref<64x128xf32, #tpu.memory_space<vmem>>[vector<16xi32>, vector<16xi32>], vector<16xf32>, vector<16xi1>
        scf.yield %add3A_417, %add3A_423, %add3A_429, %add3A_435 : vector<16xf32>, vector<16xf32>, vector<16xf32>, vector<16xf32>
      }
      %scan3A_188 = arith.constant 15 : i32
      %scan3A_189 = arith.constant 15 : i32
      %scan3A_190 = arith.constant 85 : i32
      %scan3A_191 = arith.addi %scan3A_189, %scan3A_190 : i32
      %scan3A_192 = arith.constant 1 : i32
      %scan3A_193:4 = scf.for %scan3A_399 = %scan3A_189 to %scan3A_191 step %scan3A_192 iter_args(%scan3A_400 = %scan3A_187#0, %scan3A_401 = %scan3A_187#1, %scan3A_402 = %scan3A_187#2, %scan3A_403 = %scan3A_187#3) -> (vector<16xf32>, vector<16xf32>, vector<16xf32>, vector<16xf32>)  : i32 {
        %broadcast_in_dim3A_404 = vector.broadcast %scan3A_399 : i32 to vector<16xi32>
        %sub3A_405 = arith.subi %broadcast_in_dim3A_404, %iota3A : vector<16xi32>
        %gather3A_406 = tpu.vector_load_idx %arg11[%add3A_49, %sub3A_405] : memref<64x128xf32, #tpu.memory_space<vmem>>[vector<16xi32>, vector<16xi32>], vector<16xf32>,
        %gather3A_407 = tpu.vector_load_idx %arg11[%add3A_78, %sub3A_405] : memref<64x128xf32, #tpu.memory_space<vmem>>[vector<16xi32>, vector<16xi32>], vector<16xf32>,
        %gather3A_408 = tpu.vector_load_idx %arg11[%add3A_113, %sub3A_405] : memref<64x128xf32, #tpu.memory_space<vmem>>[vector<16xi32>, vector<16xi32>], vector<16xf32>,
        %gather3A_409 = tpu.vector_load_idx %arg11[%add3A_148, %sub3A_405] : memref<64x128xf32, #tpu.memory_space<vmem>>[vector<16xi32>, vector<16xi32>], vector<16xf32>,
        %mul3A_410 = arith.mulf %exp3A, %scan3A_400 : vector<16xf32>
        %mul3A_411 = arith.mulf %div3A_74, %gather3A_406 : vector<16xf32>
        %add3A_412 = arith.addf %mul3A_410, %mul3A_411 : vector<16xf32>
        %mul3A_413 = arith.mulf %exp3A_93, %scan3A_401 : vector<16xf32>
        %mul3A_414 = arith.mulf %div3A_109, %gather3A_407 : vector<16xf32>
        %add3A_415 = arith.addf %mul3A_413, %mul3A_414 : vector<16xf32>
        %mul3A_416 = arith.mulf %exp3A_128, %scan3A_402 : vector<16xf32>
        %mul3A_417 = arith.mulf %div3A_144, %gather3A_408 : vector<16xf32>
        %add3A_418 = arith.addf %mul3A_416, %mul3A_417 : vector<16xf32>
        %mul3A_419 = arith.mulf %exp3A_163, %scan3A_403 : vector<16xf32>
        %mul3A_420 = arith.mulf %div3A_179, %gather3A_409 : vector<16xf32>
        %add3A_421 = arith.addf %mul3A_419, %mul3A_420 : vector<16xf32>
        tpu.vector_store_idx %arg13[%add3A_49, %sub3A_405], %add3A_412 : memref<64x128xf32, #tpu.memory_space<vmem>>[vector<16xi32>, vector<16xi32>], vector<16xf32>,
        tpu.vector_store_idx %arg13[%add3A_78, %sub3A_405], %add3A_415 : memref<64x128xf32, #tpu.memory_space<vmem>>[vector<16xi32>, vector<16xi32>], vector<16xf32>,
        tpu.vector_store_idx %arg13[%add3A_113, %sub3A_405], %add3A_418 : memref<64x128xf32, #tpu.memory_space<vmem>>[vector<16xi32>, vector<16xi32>], vector<16xf32>,
        tpu.vector_store_idx %arg13[%add3A_148, %sub3A_405], %add3A_421 : memref<64x128xf32, #tpu.memory_space<vmem>>[vector<16xi32>, vector<16xi32>], vector<16xf32>,
        scf.yield %add3A_412, %add3A_415, %add3A_418, %add3A_421 : vector<16xf32>, vector<16xf32>, vector<16xf32>, vector<16xf32>
      }
      %scan3A_194 = arith.constant 85 : i32
      %scan3A_195 = arith.constant 100 : i32
      %scan3A_196 = arith.constant 15 : i32
      %scan3A_197 = arith.addi %scan3A_195, %scan3A_196 : i32
      %scan3A_198 = arith.constant 1 : i32
      %scan3A_199:4 = scf.for %scan3A_399 = %scan3A_195 to %scan3A_197 step %scan3A_198 iter_args(%scan3A_400 = %scan3A_193#0, %scan3A_401 = %scan3A_193#1, %scan3A_402 = %scan3A_193#2, %scan3A_403 = %scan3A_193#3) -> (vector<16xf32>, vector<16xf32>, vector<16xf32>, vector<16xf32>)  : i32 {
        %broadcast_in_dim3A_404 = vector.broadcast %scan3A_399 : i32 to vector<16xi32>
        %sub3A_405 = arith.subi %broadcast_in_dim3A_404, %iota3A : vector<16xi32>
        %ge3A = arith.constant 100 : i32
        %ge3A_406 = vector.broadcast %ge3A : i32 to vector<16xi32>
        %ge3A_407 = arith.cmpi sge, %sub3A_405, %ge3A_406 : vector<16xi32>
        %sub3A_408 = arith.constant 100 : i32
        %sub3A_409 = vector.broadcast %sub3A_408 : i32 to vector<16xi32>
        %sub3A_410 = arith.subi %sub3A_405, %sub3A_409 : vector<16xi32>
        %max3A = arith.constant 0 : i32
        %max3A_411 = vector.broadcast %max3A : i32 to vector<16xi32>
        %max3A_412 = arith.maxsi %sub3A_410, %max3A_411 : vector<16xi32>
        %gather3A_413 = tpu.vector_load_idx %arg11[%add3A_49, %sub3A_405] : memref<64x128xf32, #tpu.memory_space<vmem>>[vector<16xi32>, vector<16xi32>], vector<16xf32>,
        %gather3A_414 = tpu.vector_load_idx %arg11[%add3A_78, %sub3A_405] : memref<64x128xf32, #tpu.memory_space<vmem>>[vector<16xi32>, vector<16xi32>], vector<16xf32>,
        %gather3A_415 = tpu.vector_load_idx %arg11[%add3A_113, %sub3A_405] : memref<64x128xf32, #tpu.memory_space<vmem>>[vector<16xi32>, vector<16xi32>], vector<16xf32>,
        %gather3A_416 = tpu.vector_load_idx %arg11[%add3A_148, %sub3A_405] : memref<64x128xf32, #tpu.memory_space<vmem>>[vector<16xi32>, vector<16xi32>], vector<16xf32>,
        %gather3A_417 = tpu.vector_load_idx %arg11[%add3A_49, %max3A_412] : memref<64x128xf32, #tpu.memory_space<vmem>>[vector<16xi32>, vector<16xi32>], vector<16xf32>,
        %gather3A_418 = tpu.vector_load_idx %arg11[%add3A_78, %max3A_412] : memref<64x128xf32, #tpu.memory_space<vmem>>[vector<16xi32>, vector<16xi32>], vector<16xf32>,
        %gather3A_419 = tpu.vector_load_idx %arg11[%add3A_113, %max3A_412] : memref<64x128xf32, #tpu.memory_space<vmem>>[vector<16xi32>, vector<16xi32>], vector<16xf32>,
        %gather3A_420 = tpu.vector_load_idx %arg11[%add3A_148, %max3A_412] : memref<64x128xf32, #tpu.memory_space<vmem>>[vector<16xi32>, vector<16xi32>], vector<16xf32>,
        %jit3A = arith.constant 0.000000e+00 : f32
        %broadcast_in_dim3A_421 = vector.broadcast %jit3A : f32 to vector<16xf32>
        %select_n3A = arith.select %ge3A_407, %mul3A_75, %broadcast_in_dim3A_421 : vector<16xi1>, vector<16xf32>
        %mul3A_422 = arith.mulf %exp3A, %scan3A_400 : vector<16xf32>
        %mul3A_423 = arith.mulf %div3A_74, %gather3A_413 : vector<16xf32>
        %add3A_424 = arith.addf %mul3A_422, %mul3A_423 : vector<16xf32>
        %mul3A_425 = arith.mulf %select_n3A, %gather3A_417 : vector<16xf32>
        %sub3A_426 = arith.subf %add3A_424, %mul3A_425 : vector<16xf32>
        %jit3A_427 = arith.constant 0.000000e+00 : f32
        %broadcast_in_dim3A_428 = vector.broadcast %jit3A_427 : f32 to vector<16xf32>
        %select_n3A_429 = arith.select %ge3A_407, %mul3A_110, %broadcast_in_dim3A_428 : vector<16xi1>, vector<16xf32>
        %mul3A_430 = arith.mulf %exp3A_93, %scan3A_401 : vector<16xf32>
        %mul3A_431 = arith.mulf %div3A_109, %gather3A_414 : vector<16xf32>
        %add3A_432 = arith.addf %mul3A_430, %mul3A_431 : vector<16xf32>
        %mul3A_433 = arith.mulf %select_n3A_429, %gather3A_418 : vector<16xf32>
        %sub3A_434 = arith.subf %add3A_432, %mul3A_433 : vector<16xf32>
        %jit3A_435 = arith.constant 0.000000e+00 : f32
        %broadcast_in_dim3A_436 = vector.broadcast %jit3A_435 : f32 to vector<16xf32>
        %select_n3A_437 = arith.select %ge3A_407, %mul3A_145, %broadcast_in_dim3A_436 : vector<16xi1>, vector<16xf32>
        %mul3A_438 = arith.mulf %exp3A_128, %scan3A_402 : vector<16xf32>
        %mul3A_439 = arith.mulf %div3A_144, %gather3A_415 : vector<16xf32>
        %add3A_440 = arith.addf %mul3A_438, %mul3A_439 : vector<16xf32>
        %mul3A_441 = arith.mulf %select_n3A_437, %gather3A_419 : vector<16xf32>
        %sub3A_442 = arith.subf %add3A_440, %mul3A_441 : vector<16xf32>
        %jit3A_443 = arith.constant 0.000000e+00 : f32
        %broadcast_in_dim3A_444 = vector.broadcast %jit3A_443 : f32 to vector<16xf32>
        %select_n3A_445 = arith.select %ge3A_407, %mul3A_180, %broadcast_in_dim3A_444 : vector<16xi1>, vector<16xf32>
        %mul3A_446 = arith.mulf %exp3A_163, %scan3A_403 : vector<16xf32>
        %mul3A_447 = arith.mulf %div3A_179, %gather3A_416 : vector<16xf32>
        %add3A_448 = arith.addf %mul3A_446, %mul3A_447 : vector<16xf32>
        %mul3A_449 = arith.mulf %select_n3A_445, %gather3A_420 : vector<16xf32>
        %sub3A_450 = arith.subf %add3A_448, %mul3A_449 : vector<16xf32>
        tpu.vector_store_idx %arg13[%add3A_49, %sub3A_405], %sub3A_426 : memref<64x128xf32, #tpu.memory_space<vmem>>[vector<16xi32>, vector<16xi32>], vector<16xf32>,
        tpu.vector_store_idx %arg13[%add3A_78, %sub3A_405], %sub3A_434 : memref<64x128xf32, #tpu.memory_space<vmem>>[vector<16xi32>, vector<16xi32>], vector<16xf32>,
        tpu.vector_store_idx %arg13[%add3A_113, %sub3A_405], %sub3A_442 : memref<64x128xf32, #tpu.memory_space<vmem>>[vector<16xi32>, vector<16xi32>], vector<16xf32>,
        tpu.vector_store_idx %arg13[%add3A_148, %sub3A_405], %sub3A_450 : memref<64x128xf32, #tpu.memory_space<vmem>>[vector<16xi32>, vector<16xi32>], vector<16xf32>,
        scf.yield %sub3A_426, %sub3A_434, %sub3A_442, %sub3A_450 : vector<16xf32>, vector<16xf32>, vector<16xf32>, vector<16xf32>
      }
      %scan3A_200 = arith.constant 15 : i32
      %scan3A_201 = arith.constant 115 : i32
      %scan3A_202 = arith.constant 13 : i32
      %scan3A_203 = arith.addi %scan3A_201, %scan3A_202 : i32
      %scan3A_204 = arith.constant 1 : i32
      %scan3A_205:4 = scf.for %scan3A_399 = %scan3A_201 to %scan3A_203 step %scan3A_204 iter_args(%scan3A_400 = %scan3A_199#0, %scan3A_401 = %scan3A_199#1, %scan3A_402 = %scan3A_199#2, %scan3A_403 = %scan3A_199#3) -> (vector<16xf32>, vector<16xf32>, vector<16xf32>, vector<16xf32>)  : i32 {
        %broadcast_in_dim3A_404 = vector.broadcast %scan3A_399 : i32 to vector<16xi32>
        %sub3A_405 = arith.subi %broadcast_in_dim3A_404, %iota3A : vector<16xi32>
        %sub3A_406 = arith.constant 100 : i32
        %sub3A_407 = vector.broadcast %sub3A_406 : i32 to vector<16xi32>
        %sub3A_408 = arith.subi %sub3A_405, %sub3A_407 : vector<16xi32>
        %gather3A_409 = tpu.vector_load_idx %arg11[%add3A_49, %sub3A_405] : memref<64x128xf32, #tpu.memory_space<vmem>>[vector<16xi32>, vector<16xi32>], vector<16xf32>,
        %gather3A_410 = tpu.vector_load_idx %arg11[%add3A_78, %sub3A_405] : memref<64x128xf32, #tpu.memory_space<vmem>>[vector<16xi32>, vector<16xi32>], vector<16xf32>,
        %gather3A_411 = tpu.vector_load_idx %arg11[%add3A_113, %sub3A_405] : memref<64x128xf32, #tpu.memory_space<vmem>>[vector<16xi32>, vector<16xi32>], vector<16xf32>,
        %gather3A_412 = tpu.vector_load_idx %arg11[%add3A_148, %sub3A_405] : memref<64x128xf32, #tpu.memory_space<vmem>>[vector<16xi32>, vector<16xi32>], vector<16xf32>,
        %gather3A_413 = tpu.vector_load_idx %arg11[%add3A_49, %sub3A_408] : memref<64x128xf32, #tpu.memory_space<vmem>>[vector<16xi32>, vector<16xi32>], vector<16xf32>,
        %gather3A_414 = tpu.vector_load_idx %arg11[%add3A_78, %sub3A_408] : memref<64x128xf32, #tpu.memory_space<vmem>>[vector<16xi32>, vector<16xi32>], vector<16xf32>,
        %gather3A_415 = tpu.vector_load_idx %arg11[%add3A_113, %sub3A_408] : memref<64x128xf32, #tpu.memory_space<vmem>>[vector<16xi32>, vector<16xi32>], vector<16xf32>,
        %gather3A_416 = tpu.vector_load_idx %arg11[%add3A_148, %sub3A_408] : memref<64x128xf32, #tpu.memory_space<vmem>>[vector<16xi32>, vector<16xi32>], vector<16xf32>,
        %mul3A_417 = arith.mulf %exp3A, %scan3A_400 : vector<16xf32>
        %mul3A_418 = arith.mulf %div3A_74, %gather3A_409 : vector<16xf32>
        %add3A_419 = arith.addf %mul3A_417, %mul3A_418 : vector<16xf32>
        %mul3A_420 = arith.mulf %mul3A_75, %gather3A_413 : vector<16xf32>
        %sub3A_421 = arith.subf %add3A_419, %mul3A_420 : vector<16xf32>
        %mul3A_422 = arith.mulf %exp3A_93, %scan3A_401 : vector<16xf32>
        %mul3A_423 = arith.mulf %div3A_109, %gather3A_410 : vector<16xf32>
        %add3A_424 = arith.addf %mul3A_422, %mul3A_423 : vector<16xf32>
        %mul3A_425 = arith.mulf %mul3A_110, %gather3A_414 : vector<16xf32>
        %sub3A_426 = arith.subf %add3A_424, %mul3A_425 : vector<16xf32>
        %mul3A_427 = arith.mulf %exp3A_128, %scan3A_402 : vector<16xf32>
        %mul3A_428 = arith.mulf %div3A_144, %gather3A_411 : vector<16xf32>
        %add3A_429 = arith.addf %mul3A_427, %mul3A_428 : vector<16xf32>
        %mul3A_430 = arith.mulf %mul3A_145, %gather3A_415 : vector<16xf32>
        %sub3A_431 = arith.subf %add3A_429, %mul3A_430 : vector<16xf32>
        %mul3A_432 = arith.mulf %exp3A_163, %scan3A_403 : vector<16xf32>
        %mul3A_433 = arith.mulf %div3A_179, %gather3A_412 : vector<16xf32>
        %add3A_434 = arith.addf %mul3A_432, %mul3A_433 : vector<16xf32>
        %mul3A_435 = arith.mulf %mul3A_180, %gather3A_416 : vector<16xf32>
        %sub3A_436 = arith.subf %add3A_434, %mul3A_435 : vector<16xf32>
        tpu.vector_store_idx %arg13[%add3A_49, %sub3A_405], %sub3A_421 : memref<64x128xf32, #tpu.memory_space<vmem>>[vector<16xi32>, vector<16xi32>], vector<16xf32>,
        tpu.vector_store_idx %arg13[%add3A_78, %sub3A_405], %sub3A_426 : memref<64x128xf32, #tpu.memory_space<vmem>>[vector<16xi32>, vector<16xi32>], vector<16xf32>,
        tpu.vector_store_idx %arg13[%add3A_113, %sub3A_405], %sub3A_431 : memref<64x128xf32, #tpu.memory_space<vmem>>[vector<16xi32>, vector<16xi32>], vector<16xf32>,
        tpu.vector_store_idx %arg13[%add3A_148, %sub3A_405], %sub3A_436 : memref<64x128xf32, #tpu.memory_space<vmem>>[vector<16xi32>, vector<16xi32>], vector<16xf32>,
        scf.yield %sub3A_421, %sub3A_426, %sub3A_431, %sub3A_436 : vector<16xf32>, vector<16xf32>, vector<16xf32>, vector<16xf32>
      }
      %scan3A_206 = arith.constant 13 : i32
      %scan3A_207 = arith.constant 128 : i32
      %scan3A_208 = arith.constant 15 : i32
      %scan3A_209 = arith.addi %scan3A_207, %scan3A_208 : i32
      %scan3A_210 = arith.constant 1 : i32
      %scan3A_211:4 = scf.for %scan3A_399 = %scan3A_207 to %scan3A_209 step %scan3A_210 iter_args(%scan3A_400 = %scan3A_205#0, %scan3A_401 = %scan3A_205#1, %scan3A_402 = %scan3A_205#2, %scan3A_403 = %scan3A_205#3) -> (vector<16xf32>, vector<16xf32>, vector<16xf32>, vector<16xf32>)  : i32 {
        %broadcast_in_dim3A_404 = vector.broadcast %scan3A_399 : i32 to vector<16xi32>
        %sub3A_405 = arith.subi %broadcast_in_dim3A_404, %iota3A : vector<16xi32>
        %le3A = arith.constant 127 : i32
        %le3A_406 = vector.broadcast %le3A : i32 to vector<16xi32>
        %le3A_407 = arith.cmpi sle, %sub3A_405, %le3A_406 : vector<16xi32>
        %min3A = arith.constant 127 : i32
        %min3A_408 = vector.broadcast %min3A : i32 to vector<16xi32>
        %min3A_409 = arith.minsi %sub3A_405, %min3A_408 : vector<16xi32>
        %sub3A_410 = arith.constant 100 : i32
        %sub3A_411 = vector.broadcast %sub3A_410 : i32 to vector<16xi32>
        %sub3A_412 = arith.subi %sub3A_405, %sub3A_411 : vector<16xi32>
        %gather3A_413 = tpu.vector_load_idx %arg11[%add3A_49, %min3A_409] : memref<64x128xf32, #tpu.memory_space<vmem>>[vector<16xi32>, vector<16xi32>], vector<16xf32>,
        %gather3A_414 = tpu.vector_load_idx %arg11[%add3A_78, %min3A_409] : memref<64x128xf32, #tpu.memory_space<vmem>>[vector<16xi32>, vector<16xi32>], vector<16xf32>,
        %gather3A_415 = tpu.vector_load_idx %arg11[%add3A_113, %min3A_409] : memref<64x128xf32, #tpu.memory_space<vmem>>[vector<16xi32>, vector<16xi32>], vector<16xf32>,
        %gather3A_416 = tpu.vector_load_idx %arg11[%add3A_148, %min3A_409] : memref<64x128xf32, #tpu.memory_space<vmem>>[vector<16xi32>, vector<16xi32>], vector<16xf32>,
        %gather3A_417 = tpu.vector_load_idx %arg11[%add3A_49, %sub3A_412] : memref<64x128xf32, #tpu.memory_space<vmem>>[vector<16xi32>, vector<16xi32>], vector<16xf32>,
        %gather3A_418 = tpu.vector_load_idx %arg11[%add3A_78, %sub3A_412] : memref<64x128xf32, #tpu.memory_space<vmem>>[vector<16xi32>, vector<16xi32>], vector<16xf32>,
        %gather3A_419 = tpu.vector_load_idx %arg11[%add3A_113, %sub3A_412] : memref<64x128xf32, #tpu.memory_space<vmem>>[vector<16xi32>, vector<16xi32>], vector<16xf32>,
        %gather3A_420 = tpu.vector_load_idx %arg11[%add3A_148, %sub3A_412] : memref<64x128xf32, #tpu.memory_space<vmem>>[vector<16xi32>, vector<16xi32>], vector<16xf32>,
        %mul3A_421 = arith.mulf %exp3A, %scan3A_400 : vector<16xf32>
        %mul3A_422 = arith.mulf %div3A_74, %gather3A_413 : vector<16xf32>
        %add3A_423 = arith.addf %mul3A_421, %mul3A_422 : vector<16xf32>
        %mul3A_424 = arith.mulf %mul3A_75, %gather3A_417 : vector<16xf32>
        %sub3A_425 = arith.subf %add3A_423, %mul3A_424 : vector<16xf32>
        %mul3A_426 = arith.mulf %exp3A_93, %scan3A_401 : vector<16xf32>
        %mul3A_427 = arith.mulf %div3A_109, %gather3A_414 : vector<16xf32>
        %add3A_428 = arith.addf %mul3A_426, %mul3A_427 : vector<16xf32>
        %mul3A_429 = arith.mulf %mul3A_110, %gather3A_418 : vector<16xf32>
        %sub3A_430 = arith.subf %add3A_428, %mul3A_429 : vector<16xf32>
        %mul3A_431 = arith.mulf %exp3A_128, %scan3A_402 : vector<16xf32>
        %mul3A_432 = arith.mulf %div3A_144, %gather3A_415 : vector<16xf32>
        %add3A_433 = arith.addf %mul3A_431, %mul3A_432 : vector<16xf32>
        %mul3A_434 = arith.mulf %mul3A_145, %gather3A_419 : vector<16xf32>
        %sub3A_435 = arith.subf %add3A_433, %mul3A_434 : vector<16xf32>
        %mul3A_436 = arith.mulf %exp3A_163, %scan3A_403 : vector<16xf32>
        %mul3A_437 = arith.mulf %div3A_179, %gather3A_416 : vector<16xf32>
        %add3A_438 = arith.addf %mul3A_436, %mul3A_437 : vector<16xf32>
        %mul3A_439 = arith.mulf %mul3A_180, %gather3A_420 : vector<16xf32>
        %sub3A_440 = arith.subf %add3A_438, %mul3A_439 : vector<16xf32>
        tpu.vector_store_idx %arg13[%add3A_49, %min3A_409], %sub3A_425 masked %le3A_407 : memref<64x128xf32, #tpu.memory_space<vmem>>[vector<16xi32>, vector<16xi32>], vector<16xf32>, vector<16xi1>
        tpu.vector_store_idx %arg13[%add3A_78, %min3A_409], %sub3A_430 masked %le3A_407 : memref<64x128xf32, #tpu.memory_space<vmem>>[vector<16xi32>, vector<16xi32>], vector<16xf32>, vector<16xi1>
        tpu.vector_store_idx %arg13[%add3A_113, %min3A_409], %sub3A_435 masked %le3A_407 : memref<64x128xf32, #tpu.memory_space<vmem>>[vector<16xi32>, vector<16xi32>], vector<16xf32>, vector<16xi1>
        tpu.vector_store_idx %arg13[%add3A_148, %min3A_409], %sub3A_440 masked %le3A_407 : memref<64x128xf32, #tpu.memory_space<vmem>>[vector<16xi32>, vector<16xi32>], vector<16xf32>, vector<16xi1>
        scf.yield %sub3A_425, %sub3A_430, %sub3A_435, %sub3A_440 : vector<16xf32>, vector<16xf32>, vector<16xf32>, vector<16xf32>
      }
      %scan3A_212 = arith.constant 15 : i32
      "tpu.region"() ({
        %run_scoped3A_399 = tpu.sem_alloc : memref<!tpu.dma_semaphore, #tpu.memory_space<semaphore_mem>>
        %dma_start3A_400 = arith.constant 0 : i32
        %dma_start3A_401 = tpu.memref_slice %arg10[%mul3A_40, %dma_start3A_400] : memref<84x64xi32, #tpu.memory_space<vmem>> -> memref<1x64xi32, #tpu.memory_space<vmem>>
        %dma_start3A_402 = tpu.memref_squeeze %dma_start3A_401 : memref<1x64xi32, #tpu.memory_space<vmem>> -> memref<64xi32, #tpu.memory_space<vmem>>
        %dma_start3A_403 = arith.constant 0 : i32
        %dma_start3A_404 = arith.constant 0 : i32
        %dma_start3A_405 = tpu.memref_slice %arg14[%dma_start3A_403, %dma_start3A_404] : memref<10112x128xf32, #tpu.memory_space<vmem_shared>> -> memref<10112x128xf32, #tpu.memory_space<vmem_shared>>
        tpu.enqueue_indirect_dma source(%arg13 : memref<64x128xf32, #tpu.memory_space<vmem>>) target(%dma_start3A_405 : memref<10112x128xf32, #tpu.memory_space<vmem_shared>>) offsets(%dma_start3A_402 : memref<64xi32, #tpu.memory_space<vmem>>) semaphore(%run_scoped3A_399 : memref<!tpu.dma_semaphore, #tpu.memory_space<semaphore_mem>>) {add = true}
        %dma_wait3A_406 = arith.constant 0 : i32
        %dma_wait3A_407 = tpu.memref_slice %arg10[%mul3A_40, %dma_wait3A_406] : memref<84x64xi32, #tpu.memory_space<vmem>> -> memref<1x64xi32, #tpu.memory_space<vmem>>
        %dma_wait3A_408 = tpu.memref_squeeze %dma_wait3A_407 : memref<1x64xi32, #tpu.memory_space<vmem>> -> memref<64xi32, #tpu.memory_space<vmem>>
        %dma_wait3A_409 = arith.constant 0 : i32
        %dma_wait3A_410 = arith.constant 0 : i32
        %dma_wait3A_411 = tpu.memref_slice %arg14[%dma_wait3A_409, %dma_wait3A_410] : memref<10112x128xf32, #tpu.memory_space<vmem_shared>> -> memref<10112x128xf32, #tpu.memory_space<vmem_shared>>
        tpu.wait_indirect_dma semaphore(%run_scoped3A_399 : memref<!tpu.dma_semaphore, #tpu.memory_space<semaphore_mem>>) src(%arg13 : memref<64x128xf32, #tpu.memory_space<vmem>>) dst(%dma_wait3A_411 : memref<10112x128xf32, #tpu.memory_space<vmem_shared>>)
        tpu.yield
      }) : () -> ()
      %mul3A_213 = arith.constant 2 : i32
      %mul3A_214 = arith.muli %mul3A_213, %scan3A_38 : i32
      %add3A_215 = arith.constant 1 : i32
      %add3A_216 = arith.addi %mul3A_214, %add3A_215 : i32
      %add3A_217 = arith.constant 1 : i32
      %add3A_218 = arith.addi %add3A_216, %add3A_217 : i32
      %lt3A_219 = arith.constant 84 : i32
      %lt3A_220 = arith.cmpi slt, %add3A_218, %lt3A_219 : i32
      %convert_element_type3A_221 = arith.extui %lt3A_220 : i1 to i32
      %cond3A_222 = arith.constant 0 : i32
      %cond3A_223 = arith.cmpi ne, %convert_element_type3A_221, %cond3A_222 : i32
      scf.if %cond3A_223 {
        "tpu.region"() ({
          %run_scoped3A_402 = tpu.sem_alloc : memref<!tpu.dma_semaphore, #tpu.memory_space<semaphore_mem>>
          %dma_start3A_403 = arith.constant 0 : i32
          %dma_start3A_404 = tpu.memref_slice %arg4[%add3A, %add3A_218, %dma_start3A_403] : memref<32x84x64xi32, #tpu.memory_space<hbm>> -> memref<1x1x64xi32, #tpu.memory_space<hbm>>
          %dma_start3A_405 = tpu.memref_squeeze %dma_start3A_404 : memref<1x1x64xi32, #tpu.memory_space<hbm>> -> memref<64xi32, #tpu.memory_space<hbm>>
          %dma_start3A_406 = arith.constant 0 : i32
          %dma_start3A_407 = tpu.memref_slice %arg4[%add3A, %add3A_218, %dma_start3A_406] : memref<32x84x64xi32, #tpu.memory_space<hbm>> -> memref<1x1x64xi32, #tpu.memory_space<hbm>>
          %dma_start3A_408 = tpu.memref_squeeze %dma_start3A_407 : memref<1x1x64xi32, #tpu.memory_space<hbm>> -> memref<64xi32, #tpu.memory_space<hbm>>
          tpu.enqueue_dma source(%dma_start3A_408 : memref<64xi32, #tpu.memory_space<hbm>>) target(%arg8 : memref<64xi32, #tpu.memory_space<vmem>>) target_semaphore(%run_scoped3A_402 : memref<!tpu.dma_semaphore, #tpu.memory_space<semaphore_mem>>)
          %dma_wait3A_409 = arith.constant 0 : i32
          %dma_wait3A_410 = tpu.memref_slice %arg4[%add3A, %add3A_218, %dma_wait3A_409] : memref<32x84x64xi32, #tpu.memory_space<hbm>> -> memref<1x1x64xi32, #tpu.memory_space<hbm>>
          %dma_wait3A_411 = tpu.memref_squeeze %dma_wait3A_410 : memref<1x1x64xi32, #tpu.memory_space<hbm>> -> memref<64xi32, #tpu.memory_space<hbm>>
          %dma_wait3A_412 = arith.constant 0 : i32
          %dma_wait3A_413 = tpu.memref_slice %arg4[%add3A, %add3A_218, %dma_wait3A_412] : memref<32x84x64xi32, #tpu.memory_space<hbm>> -> memref<1x1x64xi32, #tpu.memory_space<hbm>>
          %dma_wait3A_414 = tpu.memref_squeeze %dma_wait3A_413 : memref<1x1x64xi32, #tpu.memory_space<hbm>> -> memref<64xi32, #tpu.memory_space<hbm>>
          tpu.wait_dma2 semaphore(%run_scoped3A_402 : memref<!tpu.dma_semaphore, #tpu.memory_space<semaphore_mem>>) src(%dma_wait3A_414 : memref<64xi32, #tpu.memory_space<hbm>>) dst(%arg8 : memref<64xi32, #tpu.memory_space<vmem>>)
          tpu.yield
        }) : () -> ()
        %dma_start3A_399 = arith.constant 0 : i32
        %dma_start3A_400 = arith.constant 0 : i32
        %dma_start3A_401 = tpu.memref_slice %arg2[%dma_start3A_399, %dma_start3A_400] : memref<10000x128xf32, #tpu.memory_space<hbm>> -> memref<10000x128xf32, #tpu.memory_space<hbm>>
        tpu.enqueue_indirect_dma source(%dma_start3A_401 : memref<10000x128xf32, #tpu.memory_space<hbm>>) target(%arg11 : memref<64x128xf32, #tpu.memory_space<vmem>>) offsets(%arg8 : memref<64xi32, #tpu.memory_space<vmem>>) semaphore(%arg15 : memref<!tpu.dma_semaphore, #tpu.memory_space<semaphore_mem>>)
      } else {
      }
      %dma_wait3A_224 = arith.constant 0 : i32
      %dma_wait3A_225 = arith.constant 0 : i32
      %dma_wait3A_226 = tpu.memref_slice %arg2[%dma_wait3A_224, %dma_wait3A_225] : memref<10000x128xf32, #tpu.memory_space<hbm>> -> memref<10000x128xf32, #tpu.memory_space<hbm>>
      tpu.wait_indirect_dma semaphore(%arg16 : memref<!tpu.dma_semaphore, #tpu.memory_space<semaphore_mem>>) src(%dma_wait3A_226 : memref<10000x128xf32, #tpu.memory_space<hbm>>) dst(%arg12 : memref<64x128xf32, #tpu.memory_space<vmem>>)
      %add3A_227 = arith.constant 0 : i32
      %add3A_228 = vector.broadcast %add3A_227 : i32 to vector<16xi32>
      %add3A_229 = arith.addi %add3A_228, %iota3A : vector<16xi32>
      %get3A_230 = arith.constant 0 : index
      %get3A_231 = tpu.vector_load %arg9[%get3A_230] {strides = array<i32>} : memref<64xi32, #tpu.memory_space<vmem>>, vector<16xi32>,
      %get3A_232 = arith.index_cast %add3A_216 : i32 to index
      %get3A_233 = arith.constant 0 : index
      %get3A_234 = tpu.vector_load %arg10[%get3A_232, %get3A_233] {strides = array<i32>} : memref<84x64xi32, #tpu.memory_space<vmem>>, vector<16xi32>,
      %gather3A_235 = tpu.vector_load_idx %arg7[%get3A_231] : memref<10112xf32, #tpu.memory_space<vmem>>[vector<16xi32>], vector<16xf32>,
      %gather3A_236 = tpu.vector_load_idx %arg7[%get3A_234] : memref<10112xf32, #tpu.memory_space<vmem>>[vector<16xi32>], vector<16xf32>,
      %add3A_237 = arith.addf %gather3A_235, %gather3A_236 : vector<16xf32>
      %div3A_238 = arith.constant 2.000000e+00 : f32
      %div3A_239 = vector.broadcast %div3A_238 : f32 to vector<16xf32>
      %div3A_240 = arith.divf %div3A_239, %add3A_237 : vector<16xf32>
      %neg3A_241 = arith.constant 0.000000e+00 : f32
      %neg3A_242 = vector.broadcast %neg3A_241 : f32 to vector<16xf32>
      %neg3A_243 = arith.subf %neg3A_242, %div3A_240 : vector<16xf32>
      %exp3A_244 = math.exp %neg3A_243 : vector<16xf32>
      %mul3A_245 = arith.constant -1.000000e+02 : f32
      %mul3A_246 = vector.broadcast %mul3A_245 : f32 to vector<16xf32>
      %mul3A_247 = arith.mulf %mul3A_246, %div3A_240 : vector<16xf32>
      %exp3A_248 = math.exp %mul3A_247 : vector<16xf32>
      %sub3A_249 = arith.constant 1.000000e+00 : f32
      %sub3A_250 = vector.broadcast %sub3A_249 : f32 to vector<16xf32>
      %sub3A_251 = arith.subf %sub3A_250, %exp3A_248 : vector<16xf32>
      %mul3A_252 = arith.mulf %div3A_240, %sub3A_251 : vector<16xf32>
      %sub3A_253 = arith.constant 1.000000e+00 : f32
      %sub3A_254 = vector.broadcast %sub3A_253 : f32 to vector<16xf32>
      %sub3A_255 = arith.subf %sub3A_254, %exp3A_244 : vector<16xf32>
      %div3A_256 = arith.divf %mul3A_252, %sub3A_255 : vector<16xf32>
      %add3A_257 = arith.constant 9.99999993E-9 : f32
      %add3A_258 = vector.broadcast %add3A_257 : f32 to vector<16xf32>
      %add3A_259 = arith.addf %div3A_256, %add3A_258 : vector<16xf32>
      %div3A_260 = arith.divf %div3A_240, %add3A_259 : vector<16xf32>
      %mul3A_261 = arith.mulf %div3A_260, %exp3A_248 : vector<16xf32>
      %add3A_262 = arith.constant 16 : i32
      %add3A_263 = vector.broadcast %add3A_262 : i32 to vector<16xi32>
      %add3A_264 = arith.addi %add3A_263, %iota3A : vector<16xi32>
      %get3A_265 = arith.constant 16 : index
      %get3A_266 = tpu.vector_load %arg9[%get3A_265] {strides = array<i32>} : memref<64xi32, #tpu.memory_space<vmem>>, vector<16xi32>,
      %get3A_267 = arith.index_cast %add3A_216 : i32 to index
      %get3A_268 = arith.constant 16 : index
      %get3A_269 = tpu.vector_load %arg10[%get3A_267, %get3A_268] {strides = array<i32>} : memref<84x64xi32, #tpu.memory_space<vmem>>, vector<16xi32>,
      %gather3A_270 = tpu.vector_load_idx %arg7[%get3A_266] : memref<10112xf32, #tpu.memory_space<vmem>>[vector<16xi32>], vector<16xf32>,
      %gather3A_271 = tpu.vector_load_idx %arg7[%get3A_269] : memref<10112xf32, #tpu.memory_space<vmem>>[vector<16xi32>], vector<16xf32>,
      %add3A_272 = arith.addf %gather3A_270, %gather3A_271 : vector<16xf32>
      %div3A_273 = arith.constant 2.000000e+00 : f32
      %div3A_274 = vector.broadcast %div3A_273 : f32 to vector<16xf32>
      %div3A_275 = arith.divf %div3A_274, %add3A_272 : vector<16xf32>
      %neg3A_276 = arith.constant 0.000000e+00 : f32
      %neg3A_277 = vector.broadcast %neg3A_276 : f32 to vector<16xf32>
      %neg3A_278 = arith.subf %neg3A_277, %div3A_275 : vector<16xf32>
      %exp3A_279 = math.exp %neg3A_278 : vector<16xf32>
      %mul3A_280 = arith.constant -1.000000e+02 : f32
      %mul3A_281 = vector.broadcast %mul3A_280 : f32 to vector<16xf32>
      %mul3A_282 = arith.mulf %mul3A_281, %div3A_275 : vector<16xf32>
      %exp3A_283 = math.exp %mul3A_282 : vector<16xf32>
      %sub3A_284 = arith.constant 1.000000e+00 : f32
      %sub3A_285 = vector.broadcast %sub3A_284 : f32 to vector<16xf32>
      %sub3A_286 = arith.subf %sub3A_285, %exp3A_283 : vector<16xf32>
      %mul3A_287 = arith.mulf %div3A_275, %sub3A_286 : vector<16xf32>
      %sub3A_288 = arith.constant 1.000000e+00 : f32
      %sub3A_289 = vector.broadcast %sub3A_288 : f32 to vector<16xf32>
      %sub3A_290 = arith.subf %sub3A_289, %exp3A_279 : vector<16xf32>
      %div3A_291 = arith.divf %mul3A_287, %sub3A_290 : vector<16xf32>
      %add3A_292 = arith.constant 9.99999993E-9 : f32
      %add3A_293 = vector.broadcast %add3A_292 : f32 to vector<16xf32>
      %add3A_294 = arith.addf %div3A_291, %add3A_293 : vector<16xf32>
      %div3A_295 = arith.divf %div3A_275, %add3A_294 : vector<16xf32>
      %mul3A_296 = arith.mulf %div3A_295, %exp3A_283 : vector<16xf32>
      %add3A_297 = arith.constant 32 : i32
      %add3A_298 = vector.broadcast %add3A_297 : i32 to vector<16xi32>
      %add3A_299 = arith.addi %add3A_298, %iota3A : vector<16xi32>
      %get3A_300 = arith.constant 32 : index
      %get3A_301 = tpu.vector_load %arg9[%get3A_300] {strides = array<i32>} : memref<64xi32, #tpu.memory_space<vmem>>, vector<16xi32>,
      %get3A_302 = arith.index_cast %add3A_216 : i32 to index
      %get3A_303 = arith.constant 32 : index
      %get3A_304 = tpu.vector_load %arg10[%get3A_302, %get3A_303] {strides = array<i32>} : memref<84x64xi32, #tpu.memory_space<vmem>>, vector<16xi32>,
      %gather3A_305 = tpu.vector_load_idx %arg7[%get3A_301] : memref<10112xf32, #tpu.memory_space<vmem>>[vector<16xi32>], vector<16xf32>,
      %gather3A_306 = tpu.vector_load_idx %arg7[%get3A_304] : memref<10112xf32, #tpu.memory_space<vmem>>[vector<16xi32>], vector<16xf32>,
      %add3A_307 = arith.addf %gather3A_305, %gather3A_306 : vector<16xf32>
      %div3A_308 = arith.constant 2.000000e+00 : f32
      %div3A_309 = vector.broadcast %div3A_308 : f32 to vector<16xf32>
      %div3A_310 = arith.divf %div3A_309, %add3A_307 : vector<16xf32>
      %neg3A_311 = arith.constant 0.000000e+00 : f32
      %neg3A_312 = vector.broadcast %neg3A_311 : f32 to vector<16xf32>
      %neg3A_313 = arith.subf %neg3A_312, %div3A_310 : vector<16xf32>
      %exp3A_314 = math.exp %neg3A_313 : vector<16xf32>
      %mul3A_315 = arith.constant -1.000000e+02 : f32
      %mul3A_316 = vector.broadcast %mul3A_315 : f32 to vector<16xf32>
      %mul3A_317 = arith.mulf %mul3A_316, %div3A_310 : vector<16xf32>
      %exp3A_318 = math.exp %mul3A_317 : vector<16xf32>
      %sub3A_319 = arith.constant 1.000000e+00 : f32
      %sub3A_320 = vector.broadcast %sub3A_319 : f32 to vector<16xf32>
      %sub3A_321 = arith.subf %sub3A_320, %exp3A_318 : vector<16xf32>
      %mul3A_322 = arith.mulf %div3A_310, %sub3A_321 : vector<16xf32>
      %sub3A_323 = arith.constant 1.000000e+00 : f32
      %sub3A_324 = vector.broadcast %sub3A_323 : f32 to vector<16xf32>
      %sub3A_325 = arith.subf %sub3A_324, %exp3A_314 : vector<16xf32>
      %div3A_326 = arith.divf %mul3A_322, %sub3A_325 : vector<16xf32>
      %add3A_327 = arith.constant 9.99999993E-9 : f32
      %add3A_328 = vector.broadcast %add3A_327 : f32 to vector<16xf32>
      %add3A_329 = arith.addf %div3A_326, %add3A_328 : vector<16xf32>
      %div3A_330 = arith.divf %div3A_310, %add3A_329 : vector<16xf32>
      %mul3A_331 = arith.mulf %div3A_330, %exp3A_318 : vector<16xf32>
      %add3A_332 = arith.constant 48 : i32
      %add3A_333 = vector.broadcast %add3A_332 : i32 to vector<16xi32>
      %add3A_334 = arith.addi %add3A_333, %iota3A : vector<16xi32>
      %get3A_335 = arith.constant 48 : index
      %get3A_336 = tpu.vector_load %arg9[%get3A_335] {strides = array<i32>} : memref<64xi32, #tpu.memory_space<vmem>>, vector<16xi32>,
      %get3A_337 = arith.index_cast %add3A_216 : i32 to index
      %get3A_338 = arith.constant 48 : index
      %get3A_339 = tpu.vector_load %arg10[%get3A_337, %get3A_338] {strides = array<i32>} : memref<84x64xi32, #tpu.memory_space<vmem>>, vector<16xi32>,
      %gather3A_340 = tpu.vector_load_idx %arg7[%get3A_336] : memref<10112xf32, #tpu.memory_space<vmem>>[vector<16xi32>], vector<16xf32>,
      %gather3A_341 = tpu.vector_load_idx %arg7[%get3A_339] : memref<10112xf32, #tpu.memory_space<vmem>>[vector<16xi32>], vector<16xf32>,
      %add3A_342 = arith.addf %gather3A_340, %gather3A_341 : vector<16xf32>
      %div3A_343 = arith.constant 2.000000e+00 : f32
      %div3A_344 = vector.broadcast %div3A_343 : f32 to vector<16xf32>
      %div3A_345 = arith.divf %div3A_344, %add3A_342 : vector<16xf32>
      %neg3A_346 = arith.constant 0.000000e+00 : f32
      %neg3A_347 = vector.broadcast %neg3A_346 : f32 to vector<16xf32>
      %neg3A_348 = arith.subf %neg3A_347, %div3A_345 : vector<16xf32>
      %exp3A_349 = math.exp %neg3A_348 : vector<16xf32>
      %mul3A_350 = arith.constant -1.000000e+02 : f32
      %mul3A_351 = vector.broadcast %mul3A_350 : f32 to vector<16xf32>
      %mul3A_352 = arith.mulf %mul3A_351, %div3A_345 : vector<16xf32>
      %exp3A_353 = math.exp %mul3A_352 : vector<16xf32>
      %sub3A_354 = arith.constant 1.000000e+00 : f32
      %sub3A_355 = vector.broadcast %sub3A_354 : f32 to vector<16xf32>
      %sub3A_356 = arith.subf %sub3A_355, %exp3A_353 : vector<16xf32>
      %mul3A_357 = arith.mulf %div3A_345, %sub3A_356 : vector<16xf32>
      %sub3A_358 = arith.constant 1.000000e+00 : f32
      %sub3A_359 = vector.broadcast %sub3A_358 : f32 to vector<16xf32>
      %sub3A_360 = arith.subf %sub3A_359, %exp3A_349 : vector<16xf32>
      %div3A_361 = arith.divf %mul3A_357, %sub3A_360 : vector<16xf32>
      %add3A_362 = arith.constant 9.99999993E-9 : f32
      %add3A_363 = vector.broadcast %add3A_362 : f32 to vector<16xf32>
      %add3A_364 = arith.addf %div3A_361, %add3A_363 : vector<16xf32>
      %div3A_365 = arith.divf %div3A_345, %add3A_364 : vector<16xf32>
      %mul3A_366 = arith.mulf %div3A_365, %exp3A_353 : vector<16xf32>
      %broadcast_in_dim3A_367 = arith.constant 0.000000e+00 : f32
      %broadcast_in_dim3A_368 = vector.broadcast %broadcast_in_dim3A_367 : f32 to vector<16xf32>
      %scan3A_369 = arith.constant 0 : i32
      %scan3A_370 = arith.constant 15 : i32
      %scan3A_371 = arith.addi %scan3A_369, %scan3A_370 : i32
      %scan3A_372 = arith.constant 1 : i32
      %scan3A_373:4 = scf.for %scan3A_399 = %scan3A_369 to %scan3A_371 step %scan3A_372 iter_args(%scan3A_400 = %broadcast_in_dim3A_368, %scan3A_401 = %broadcast_in_dim3A_368, %scan3A_402 = %broadcast_in_dim3A_368, %scan3A_403 = %broadcast_in_dim3A_368) -> (vector<16xf32>, vector<16xf32>, vector<16xf32>, vector<16xf32>)  : i32 {
        %broadcast_in_dim3A_404 = vector.broadcast %scan3A_399 : i32 to vector<16xi32>
        %sub3A_405 = arith.subi %broadcast_in_dim3A_404, %iota3A : vector<16xi32>
        %ge3A = arith.constant 0 : i32
        %ge3A_406 = vector.broadcast %ge3A : i32 to vector<16xi32>
        %ge3A_407 = arith.cmpi sge, %sub3A_405, %ge3A_406 : vector<16xi32>
        %max3A = arith.constant 0 : i32
        %max3A_408 = vector.broadcast %max3A : i32 to vector<16xi32>
        %max3A_409 = arith.maxsi %sub3A_405, %max3A_408 : vector<16xi32>
        %gather3A_410 = tpu.vector_load_idx %arg12[%add3A_229, %max3A_409] : memref<64x128xf32, #tpu.memory_space<vmem>>[vector<16xi32>, vector<16xi32>], vector<16xf32>,
        %gather3A_411 = tpu.vector_load_idx %arg12[%add3A_264, %max3A_409] : memref<64x128xf32, #tpu.memory_space<vmem>>[vector<16xi32>, vector<16xi32>], vector<16xf32>,
        %gather3A_412 = tpu.vector_load_idx %arg12[%add3A_299, %max3A_409] : memref<64x128xf32, #tpu.memory_space<vmem>>[vector<16xi32>, vector<16xi32>], vector<16xf32>,
        %gather3A_413 = tpu.vector_load_idx %arg12[%add3A_334, %max3A_409] : memref<64x128xf32, #tpu.memory_space<vmem>>[vector<16xi32>, vector<16xi32>], vector<16xf32>,
        %jit3A = arith.constant 0.000000e+00 : f32
        %broadcast_in_dim3A_414 = vector.broadcast %jit3A : f32 to vector<16xf32>
        %select_n3A = arith.select %ge3A_407, %div3A_260, %broadcast_in_dim3A_414 : vector<16xi1>, vector<16xf32>
        %mul3A_415 = arith.mulf %exp3A_244, %scan3A_400 : vector<16xf32>
        %mul3A_416 = arith.mulf %select_n3A, %gather3A_410 : vector<16xf32>
        %add3A_417 = arith.addf %mul3A_415, %mul3A_416 : vector<16xf32>
        %jit3A_418 = arith.constant 0.000000e+00 : f32
        %broadcast_in_dim3A_419 = vector.broadcast %jit3A_418 : f32 to vector<16xf32>
        %select_n3A_420 = arith.select %ge3A_407, %div3A_295, %broadcast_in_dim3A_419 : vector<16xi1>, vector<16xf32>
        %mul3A_421 = arith.mulf %exp3A_279, %scan3A_401 : vector<16xf32>
        %mul3A_422 = arith.mulf %select_n3A_420, %gather3A_411 : vector<16xf32>
        %add3A_423 = arith.addf %mul3A_421, %mul3A_422 : vector<16xf32>
        %jit3A_424 = arith.constant 0.000000e+00 : f32
        %broadcast_in_dim3A_425 = vector.broadcast %jit3A_424 : f32 to vector<16xf32>
        %select_n3A_426 = arith.select %ge3A_407, %div3A_330, %broadcast_in_dim3A_425 : vector<16xi1>, vector<16xf32>
        %mul3A_427 = arith.mulf %exp3A_314, %scan3A_402 : vector<16xf32>
        %mul3A_428 = arith.mulf %select_n3A_426, %gather3A_412 : vector<16xf32>
        %add3A_429 = arith.addf %mul3A_427, %mul3A_428 : vector<16xf32>
        %jit3A_430 = arith.constant 0.000000e+00 : f32
        %broadcast_in_dim3A_431 = vector.broadcast %jit3A_430 : f32 to vector<16xf32>
        %select_n3A_432 = arith.select %ge3A_407, %div3A_365, %broadcast_in_dim3A_431 : vector<16xi1>, vector<16xf32>
        %mul3A_433 = arith.mulf %exp3A_349, %scan3A_403 : vector<16xf32>
        %mul3A_434 = arith.mulf %select_n3A_432, %gather3A_413 : vector<16xf32>
        %add3A_435 = arith.addf %mul3A_433, %mul3A_434 : vector<16xf32>
        tpu.vector_store_idx %arg13[%add3A_229, %max3A_409], %add3A_417 masked %ge3A_407 : memref<64x128xf32, #tpu.memory_space<vmem>>[vector<16xi32>, vector<16xi32>], vector<16xf32>, vector<16xi1>
        tpu.vector_store_idx %arg13[%add3A_264, %max3A_409], %add3A_423 masked %ge3A_407 : memref<64x128xf32, #tpu.memory_space<vmem>>[vector<16xi32>, vector<16xi32>], vector<16xf32>, vector<16xi1>
        tpu.vector_store_idx %arg13[%add3A_299, %max3A_409], %add3A_429 masked %ge3A_407 : memref<64x128xf32, #tpu.memory_space<vmem>>[vector<16xi32>, vector<16xi32>], vector<16xf32>, vector<16xi1>
        tpu.vector_store_idx %arg13[%add3A_334, %max3A_409], %add3A_435 masked %ge3A_407 : memref<64x128xf32, #tpu.memory_space<vmem>>[vector<16xi32>, vector<16xi32>], vector<16xf32>, vector<16xi1>
        scf.yield %add3A_417, %add3A_423, %add3A_429, %add3A_435 : vector<16xf32>, vector<16xf32>, vector<16xf32>, vector<16xf32>
      }
      %scan3A_374 = arith.constant 15 : i32
      %scan3A_375 = arith.constant 15 : i32
      %scan3A_376 = arith.constant 85 : i32
      %scan3A_377 = arith.addi %scan3A_375, %scan3A_376 : i32
      %scan3A_378 = arith.constant 1 : i32
      %scan3A_379:4 = scf.for %scan3A_399 = %scan3A_375 to %scan3A_377 step %scan3A_378 iter_args(%scan3A_400 = %scan3A_373#0, %scan3A_401 = %scan3A_373#1, %scan3A_402 = %scan3A_373#2, %scan3A_403 = %scan3A_373#3) -> (vector<16xf32>, vector<16xf32>, vector<16xf32>, vector<16xf32>)  : i32 {
        %broadcast_in_dim3A_404 = vector.broadcast %scan3A_399 : i32 to vector<16xi32>
        %sub3A_405 = arith.subi %broadcast_in_dim3A_404, %iota3A : vector<16xi32>
        %gather3A_406 = tpu.vector_load_idx %arg12[%add3A_229, %sub3A_405] : memref<64x128xf32, #tpu.memory_space<vmem>>[vector<16xi32>, vector<16xi32>], vector<16xf32>,
        %gather3A_407 = tpu.vector_load_idx %arg12[%add3A_264, %sub3A_405] : memref<64x128xf32, #tpu.memory_space<vmem>>[vector<16xi32>, vector<16xi32>], vector<16xf32>,
        %gather3A_408 = tpu.vector_load_idx %arg12[%add3A_299, %sub3A_405] : memref<64x128xf32, #tpu.memory_space<vmem>>[vector<16xi32>, vector<16xi32>], vector<16xf32>,
        %gather3A_409 = tpu.vector_load_idx %arg12[%add3A_334, %sub3A_405] : memref<64x128xf32, #tpu.memory_space<vmem>>[vector<16xi32>, vector<16xi32>], vector<16xf32>,
        %mul3A_410 = arith.mulf %exp3A_244, %scan3A_400 : vector<16xf32>
        %mul3A_411 = arith.mulf %div3A_260, %gather3A_406 : vector<16xf32>
        %add3A_412 = arith.addf %mul3A_410, %mul3A_411 : vector<16xf32>
        %mul3A_413 = arith.mulf %exp3A_279, %scan3A_401 : vector<16xf32>
        %mul3A_414 = arith.mulf %div3A_295, %gather3A_407 : vector<16xf32>
        %add3A_415 = arith.addf %mul3A_413, %mul3A_414 : vector<16xf32>
        %mul3A_416 = arith.mulf %exp3A_314, %scan3A_402 : vector<16xf32>
        %mul3A_417 = arith.mulf %div3A_330, %gather3A_408 : vector<16xf32>
        %add3A_418 = arith.addf %mul3A_416, %mul3A_417 : vector<16xf32>
        %mul3A_419 = arith.mulf %exp3A_349, %scan3A_403 : vector<16xf32>
        %mul3A_420 = arith.mulf %div3A_365, %gather3A_409 : vector<16xf32>
        %add3A_421 = arith.addf %mul3A_419, %mul3A_420 : vector<16xf32>
        tpu.vector_store_idx %arg13[%add3A_229, %sub3A_405], %add3A_412 : memref<64x128xf32, #tpu.memory_space<vmem>>[vector<16xi32>, vector<16xi32>], vector<16xf32>,
        tpu.vector_store_idx %arg13[%add3A_264, %sub3A_405], %add3A_415 : memref<64x128xf32, #tpu.memory_space<vmem>>[vector<16xi32>, vector<16xi32>], vector<16xf32>,
        tpu.vector_store_idx %arg13[%add3A_299, %sub3A_405], %add3A_418 : memref<64x128xf32, #tpu.memory_space<vmem>>[vector<16xi32>, vector<16xi32>], vector<16xf32>,
        tpu.vector_store_idx %arg13[%add3A_334, %sub3A_405], %add3A_421 : memref<64x128xf32, #tpu.memory_space<vmem>>[vector<16xi32>, vector<16xi32>], vector<16xf32>,
        scf.yield %add3A_412, %add3A_415, %add3A_418, %add3A_421 : vector<16xf32>, vector<16xf32>, vector<16xf32>, vector<16xf32>
      }
      %scan3A_380 = arith.constant 85 : i32
      %scan3A_381 = arith.constant 100 : i32
      %scan3A_382 = arith.constant 15 : i32
      %scan3A_383 = arith.addi %scan3A_381, %scan3A_382 : i32
      %scan3A_384 = arith.constant 1 : i32
      %scan3A_385:4 = scf.for %scan3A_399 = %scan3A_381 to %scan3A_383 step %scan3A_384 iter_args(%scan3A_400 = %scan3A_379#0, %scan3A_401 = %scan3A_379#1, %scan3A_402 = %scan3A_379#2, %scan3A_403 = %scan3A_379#3) -> (vector<16xf32>, vector<16xf32>, vector<16xf32>, vector<16xf32>)  : i32 {
        %broadcast_in_dim3A_404 = vector.broadcast %scan3A_399 : i32 to vector<16xi32>
        %sub3A_405 = arith.subi %broadcast_in_dim3A_404, %iota3A : vector<16xi32>
        %ge3A = arith.constant 100 : i32
        %ge3A_406 = vector.broadcast %ge3A : i32 to vector<16xi32>
        %ge3A_407 = arith.cmpi sge, %sub3A_405, %ge3A_406 : vector<16xi32>
        %sub3A_408 = arith.constant 100 : i32
        %sub3A_409 = vector.broadcast %sub3A_408 : i32 to vector<16xi32>
        %sub3A_410 = arith.subi %sub3A_405, %sub3A_409 : vector<16xi32>
        %max3A = arith.constant 0 : i32
        %max3A_411 = vector.broadcast %max3A : i32 to vector<16xi32>
        %max3A_412 = arith.maxsi %sub3A_410, %max3A_411 : vector<16xi32>
        %gather3A_413 = tpu.vector_load_idx %arg12[%add3A_229, %sub3A_405] : memref<64x128xf32, #tpu.memory_space<vmem>>[vector<16xi32>, vector<16xi32>], vector<16xf32>,
        %gather3A_414 = tpu.vector_load_idx %arg12[%add3A_264, %sub3A_405] : memref<64x128xf32, #tpu.memory_space<vmem>>[vector<16xi32>, vector<16xi32>], vector<16xf32>,
        %gather3A_415 = tpu.vector_load_idx %arg12[%add3A_299, %sub3A_405] : memref<64x128xf32, #tpu.memory_space<vmem>>[vector<16xi32>, vector<16xi32>], vector<16xf32>,
        %gather3A_416 = tpu.vector_load_idx %arg12[%add3A_334, %sub3A_405] : memref<64x128xf32, #tpu.memory_space<vmem>>[vector<16xi32>, vector<16xi32>], vector<16xf32>,
        %gather3A_417 = tpu.vector_load_idx %arg12[%add3A_229, %max3A_412] : memref<64x128xf32, #tpu.memory_space<vmem>>[vector<16xi32>, vector<16xi32>], vector<16xf32>,
        %gather3A_418 = tpu.vector_load_idx %arg12[%add3A_264, %max3A_412] : memref<64x128xf32, #tpu.memory_space<vmem>>[vector<16xi32>, vector<16xi32>], vector<16xf32>,
        %gather3A_419 = tpu.vector_load_idx %arg12[%add3A_299, %max3A_412] : memref<64x128xf32, #tpu.memory_space<vmem>>[vector<16xi32>, vector<16xi32>], vector<16xf32>,
        %gather3A_420 = tpu.vector_load_idx %arg12[%add3A_334, %max3A_412] : memref<64x128xf32, #tpu.memory_space<vmem>>[vector<16xi32>, vector<16xi32>], vector<16xf32>,
        %jit3A = arith.constant 0.000000e+00 : f32
        %broadcast_in_dim3A_421 = vector.broadcast %jit3A : f32 to vector<16xf32>
        %select_n3A = arith.select %ge3A_407, %mul3A_261, %broadcast_in_dim3A_421 : vector<16xi1>, vector<16xf32>
        %mul3A_422 = arith.mulf %exp3A_244, %scan3A_400 : vector<16xf32>
        %mul3A_423 = arith.mulf %div3A_260, %gather3A_413 : vector<16xf32>
        %add3A_424 = arith.addf %mul3A_422, %mul3A_423 : vector<16xf32>
        %mul3A_425 = arith.mulf %select_n3A, %gather3A_417 : vector<16xf32>
        %sub3A_426 = arith.subf %add3A_424, %mul3A_425 : vector<16xf32>
        %jit3A_427 = arith.constant 0.000000e+00 : f32
        %broadcast_in_dim3A_428 = vector.broadcast %jit3A_427 : f32 to vector<16xf32>
        %select_n3A_429 = arith.select %ge3A_407, %mul3A_296, %broadcast_in_dim3A_428 : vector<16xi1>, vector<16xf32>
        %mul3A_430 = arith.mulf %exp3A_279, %scan3A_401 : vector<16xf32>
        %mul3A_431 = arith.mulf %div3A_295, %gather3A_414 : vector<16xf32>
        %add3A_432 = arith.addf %mul3A_430, %mul3A_431 : vector<16xf32>
        %mul3A_433 = arith.mulf %select_n3A_429, %gather3A_418 : vector<16xf32>
        %sub3A_434 = arith.subf %add3A_432, %mul3A_433 : vector<16xf32>
        %jit3A_435 = arith.constant 0.000000e+00 : f32
        %broadcast_in_dim3A_436 = vector.broadcast %jit3A_435 : f32 to vector<16xf32>
        %select_n3A_437 = arith.select %ge3A_407, %mul3A_331, %broadcast_in_dim3A_436 : vector<16xi1>, vector<16xf32>
        %mul3A_438 = arith.mulf %exp3A_314, %scan3A_402 : vector<16xf32>
        %mul3A_439 = arith.mulf %div3A_330, %gather3A_415 : vector<16xf32>
        %add3A_440 = arith.addf %mul3A_438, %mul3A_439 : vector<16xf32>
        %mul3A_441 = arith.mulf %select_n3A_437, %gather3A_419 : vector<16xf32>
        %sub3A_442 = arith.subf %add3A_440, %mul3A_441 : vector<16xf32>
        %jit3A_443 = arith.constant 0.000000e+00 : f32
        %broadcast_in_dim3A_444 = vector.broadcast %jit3A_443 : f32 to vector<16xf32>
        %select_n3A_445 = arith.select %ge3A_407, %mul3A_366, %broadcast_in_dim3A_444 : vector<16xi1>, vector<16xf32>
        %mul3A_446 = arith.mulf %exp3A_349, %scan3A_403 : vector<16xf32>
        %mul3A_447 = arith.mulf %div3A_365, %gather3A_416 : vector<16xf32>
        %add3A_448 = arith.addf %mul3A_446, %mul3A_447 : vector<16xf32>
        %mul3A_449 = arith.mulf %select_n3A_445, %gather3A_420 : vector<16xf32>
        %sub3A_450 = arith.subf %add3A_448, %mul3A_449 : vector<16xf32>
        tpu.vector_store_idx %arg13[%add3A_229, %sub3A_405], %sub3A_426 : memref<64x128xf32, #tpu.memory_space<vmem>>[vector<16xi32>, vector<16xi32>], vector<16xf32>,
        tpu.vector_store_idx %arg13[%add3A_264, %sub3A_405], %sub3A_434 : memref<64x128xf32, #tpu.memory_space<vmem>>[vector<16xi32>, vector<16xi32>], vector<16xf32>,
        tpu.vector_store_idx %arg13[%add3A_299, %sub3A_405], %sub3A_442 : memref<64x128xf32, #tpu.memory_space<vmem>>[vector<16xi32>, vector<16xi32>], vector<16xf32>,
        tpu.vector_store_idx %arg13[%add3A_334, %sub3A_405], %sub3A_450 : memref<64x128xf32, #tpu.memory_space<vmem>>[vector<16xi32>, vector<16xi32>], vector<16xf32>,
        scf.yield %sub3A_426, %sub3A_434, %sub3A_442, %sub3A_450 : vector<16xf32>, vector<16xf32>, vector<16xf32>, vector<16xf32>
      }
      %scan3A_386 = arith.constant 15 : i32
      %scan3A_387 = arith.constant 115 : i32
      %scan3A_388 = arith.constant 13 : i32
      %scan3A_389 = arith.addi %scan3A_387, %scan3A_388 : i32
      %scan3A_390 = arith.constant 1 : i32
      %scan3A_391:4 = scf.for %scan3A_399 = %scan3A_387 to %scan3A_389 step %scan3A_390 iter_args(%scan3A_400 = %scan3A_385#0, %scan3A_401 = %scan3A_385#1, %scan3A_402 = %scan3A_385#2, %scan3A_403 = %scan3A_385#3) -> (vector<16xf32>, vector<16xf32>, vector<16xf32>, vector<16xf32>)  : i32 {
        %broadcast_in_dim3A_404 = vector.broadcast %scan3A_399 : i32 to vector<16xi32>
        %sub3A_405 = arith.subi %broadcast_in_dim3A_404, %iota3A : vector<16xi32>
        %sub3A_406 = arith.constant 100 : i32
        %sub3A_407 = vector.broadcast %sub3A_406 : i32 to vector<16xi32>
        %sub3A_408 = arith.subi %sub3A_405, %sub3A_407 : vector<16xi32>
        %gather3A_409 = tpu.vector_load_idx %arg12[%add3A_229, %sub3A_405] : memref<64x128xf32, #tpu.memory_space<vmem>>[vector<16xi32>, vector<16xi32>], vector<16xf32>,
        %gather3A_410 = tpu.vector_load_idx %arg12[%add3A_264, %sub3A_405] : memref<64x128xf32, #tpu.memory_space<vmem>>[vector<16xi32>, vector<16xi32>], vector<16xf32>,
        %gather3A_411 = tpu.vector_load_idx %arg12[%add3A_299, %sub3A_405] : memref<64x128xf32, #tpu.memory_space<vmem>>[vector<16xi32>, vector<16xi32>], vector<16xf32>,
        %gather3A_412 = tpu.vector_load_idx %arg12[%add3A_334, %sub3A_405] : memref<64x128xf32, #tpu.memory_space<vmem>>[vector<16xi32>, vector<16xi32>], vector<16xf32>,
        %gather3A_413 = tpu.vector_load_idx %arg12[%add3A_229, %sub3A_408] : memref<64x128xf32, #tpu.memory_space<vmem>>[vector<16xi32>, vector<16xi32>], vector<16xf32>,
        %gather3A_414 = tpu.vector_load_idx %arg12[%add3A_264, %sub3A_408] : memref<64x128xf32, #tpu.memory_space<vmem>>[vector<16xi32>, vector<16xi32>], vector<16xf32>,
        %gather3A_415 = tpu.vector_load_idx %arg12[%add3A_299, %sub3A_408] : memref<64x128xf32, #tpu.memory_space<vmem>>[vector<16xi32>, vector<16xi32>], vector<16xf32>,
        %gather3A_416 = tpu.vector_load_idx %arg12[%add3A_334, %sub3A_408] : memref<64x128xf32, #tpu.memory_space<vmem>>[vector<16xi32>, vector<16xi32>], vector<16xf32>,
        %mul3A_417 = arith.mulf %exp3A_244, %scan3A_400 : vector<16xf32>
        %mul3A_418 = arith.mulf %div3A_260, %gather3A_409 : vector<16xf32>
        %add3A_419 = arith.addf %mul3A_417, %mul3A_418 : vector<16xf32>
        %mul3A_420 = arith.mulf %mul3A_261, %gather3A_413 : vector<16xf32>
        %sub3A_421 = arith.subf %add3A_419, %mul3A_420 : vector<16xf32>
        %mul3A_422 = arith.mulf %exp3A_279, %scan3A_401 : vector<16xf32>
        %mul3A_423 = arith.mulf %div3A_295, %gather3A_410 : vector<16xf32>
        %add3A_424 = arith.addf %mul3A_422, %mul3A_423 : vector<16xf32>
        %mul3A_425 = arith.mulf %mul3A_296, %gather3A_414 : vector<16xf32>
        %sub3A_426 = arith.subf %add3A_424, %mul3A_425 : vector<16xf32>
        %mul3A_427 = arith.mulf %exp3A_314, %scan3A_402 : vector<16xf32>
        %mul3A_428 = arith.mulf %div3A_330, %gather3A_411 : vector<16xf32>
        %add3A_429 = arith.addf %mul3A_427, %mul3A_428 : vector<16xf32>
        %mul3A_430 = arith.mulf %mul3A_331, %gather3A_415 : vector<16xf32>
        %sub3A_431 = arith.subf %add3A_429, %mul3A_430 : vector<16xf32>
        %mul3A_432 = arith.mulf %exp3A_349, %scan3A_403 : vector<16xf32>
        %mul3A_433 = arith.mulf %div3A_365, %gather3A_412 : vector<16xf32>
        %add3A_434 = arith.addf %mul3A_432, %mul3A_433 : vector<16xf32>
        %mul3A_435 = arith.mulf %mul3A_366, %gather3A_416 : vector<16xf32>
        %sub3A_436 = arith.subf %add3A_434, %mul3A_435 : vector<16xf32>
        tpu.vector_store_idx %arg13[%add3A_229, %sub3A_405], %sub3A_421 : memref<64x128xf32, #tpu.memory_space<vmem>>[vector<16xi32>, vector<16xi32>], vector<16xf32>,
        tpu.vector_store_idx %arg13[%add3A_264, %sub3A_405], %sub3A_426 : memref<64x128xf32, #tpu.memory_space<vmem>>[vector<16xi32>, vector<16xi32>], vector<16xf32>,
        tpu.vector_store_idx %arg13[%add3A_299, %sub3A_405], %sub3A_431 : memref<64x128xf32, #tpu.memory_space<vmem>>[vector<16xi32>, vector<16xi32>], vector<16xf32>,
        tpu.vector_store_idx %arg13[%add3A_334, %sub3A_405], %sub3A_436 : memref<64x128xf32, #tpu.memory_space<vmem>>[vector<16xi32>, vector<16xi32>], vector<16xf32>,
        scf.yield %sub3A_421, %sub3A_426, %sub3A_431, %sub3A_436 : vector<16xf32>, vector<16xf32>, vector<16xf32>, vector<16xf32>
      }
      %scan3A_392 = arith.constant 13 : i32
      %scan3A_393 = arith.constant 128 : i32
      %scan3A_394 = arith.constant 15 : i32
      %scan3A_395 = arith.addi %scan3A_393, %scan3A_394 : i32
      %scan3A_396 = arith.constant 1 : i32
      %scan3A_397:4 = scf.for %scan3A_399 = %scan3A_393 to %scan3A_395 step %scan3A_396 iter_args(%scan3A_400 = %scan3A_391#0, %scan3A_401 = %scan3A_391#1, %scan3A_402 = %scan3A_391#2, %scan3A_403 = %scan3A_391#3) -> (vector<16xf32>, vector<16xf32>, vector<16xf32>, vector<16xf32>)  : i32 {
        %broadcast_in_dim3A_404 = vector.broadcast %scan3A_399 : i32 to vector<16xi32>
        %sub3A_405 = arith.subi %broadcast_in_dim3A_404, %iota3A : vector<16xi32>
        %le3A = arith.constant 127 : i32
        %le3A_406 = vector.broadcast %le3A : i32 to vector<16xi32>
        %le3A_407 = arith.cmpi sle, %sub3A_405, %le3A_406 : vector<16xi32>
        %min3A = arith.constant 127 : i32
        %min3A_408 = vector.broadcast %min3A : i32 to vector<16xi32>
        %min3A_409 = arith.minsi %sub3A_405, %min3A_408 : vector<16xi32>
        %sub3A_410 = arith.constant 100 : i32
        %sub3A_411 = vector.broadcast %sub3A_410 : i32 to vector<16xi32>
        %sub3A_412 = arith.subi %sub3A_405, %sub3A_411 : vector<16xi32>
        %gather3A_413 = tpu.vector_load_idx %arg12[%add3A_229, %min3A_409] : memref<64x128xf32, #tpu.memory_space<vmem>>[vector<16xi32>, vector<16xi32>], vector<16xf32>,
        %gather3A_414 = tpu.vector_load_idx %arg12[%add3A_264, %min3A_409] : memref<64x128xf32, #tpu.memory_space<vmem>>[vector<16xi32>, vector<16xi32>], vector<16xf32>,
        %gather3A_415 = tpu.vector_load_idx %arg12[%add3A_299, %min3A_409] : memref<64x128xf32, #tpu.memory_space<vmem>>[vector<16xi32>, vector<16xi32>], vector<16xf32>,
        %gather3A_416 = tpu.vector_load_idx %arg12[%add3A_334, %min3A_409] : memref<64x128xf32, #tpu.memory_space<vmem>>[vector<16xi32>, vector<16xi32>], vector<16xf32>,
        %gather3A_417 = tpu.vector_load_idx %arg12[%add3A_229, %sub3A_412] : memref<64x128xf32, #tpu.memory_space<vmem>>[vector<16xi32>, vector<16xi32>], vector<16xf32>,
        %gather3A_418 = tpu.vector_load_idx %arg12[%add3A_264, %sub3A_412] : memref<64x128xf32, #tpu.memory_space<vmem>>[vector<16xi32>, vector<16xi32>], vector<16xf32>,
        %gather3A_419 = tpu.vector_load_idx %arg12[%add3A_299, %sub3A_412] : memref<64x128xf32, #tpu.memory_space<vmem>>[vector<16xi32>, vector<16xi32>], vector<16xf32>,
        %gather3A_420 = tpu.vector_load_idx %arg12[%add3A_334, %sub3A_412] : memref<64x128xf32, #tpu.memory_space<vmem>>[vector<16xi32>, vector<16xi32>], vector<16xf32>,
        %mul3A_421 = arith.mulf %exp3A_244, %scan3A_400 : vector<16xf32>
        %mul3A_422 = arith.mulf %div3A_260, %gather3A_413 : vector<16xf32>
        %add3A_423 = arith.addf %mul3A_421, %mul3A_422 : vector<16xf32>
        %mul3A_424 = arith.mulf %mul3A_261, %gather3A_417 : vector<16xf32>
        %sub3A_425 = arith.subf %add3A_423, %mul3A_424 : vector<16xf32>
        %mul3A_426 = arith.mulf %exp3A_279, %scan3A_401 : vector<16xf32>
        %mul3A_427 = arith.mulf %div3A_295, %gather3A_414 : vector<16xf32>
        %add3A_428 = arith.addf %mul3A_426, %mul3A_427 : vector<16xf32>
        %mul3A_429 = arith.mulf %mul3A_296, %gather3A_418 : vector<16xf32>
        %sub3A_430 = arith.subf %add3A_428, %mul3A_429 : vector<16xf32>
        %mul3A_431 = arith.mulf %exp3A_314, %scan3A_402 : vector<16xf32>
        %mul3A_432 = arith.mulf %div3A_330, %gather3A_415 : vector<16xf32>
        %add3A_433 = arith.addf %mul3A_431, %mul3A_432 : vector<16xf32>
        %mul3A_434 = arith.mulf %mul3A_331, %gather3A_419 : vector<16xf32>
        %sub3A_435 = arith.subf %add3A_433, %mul3A_434 : vector<16xf32>
        %mul3A_436 = arith.mulf %exp3A_349, %scan3A_403 : vector<16xf32>
        %mul3A_437 = arith.mulf %div3A_365, %gather3A_416 : vector<16xf32>
        %add3A_438 = arith.addf %mul3A_436, %mul3A_437 : vector<16xf32>
        %mul3A_439 = arith.mulf %mul3A_366, %gather3A_420 : vector<16xf32>
        %sub3A_440 = arith.subf %add3A_438, %mul3A_439 : vector<16xf32>
        tpu.vector_store_idx %arg13[%add3A_229, %min3A_409], %sub3A_425 masked %le3A_407 : memref<64x128xf32, #tpu.memory_space<vmem>>[vector<16xi32>, vector<16xi32>], vector<16xf32>, vector<16xi1>
        tpu.vector_store_idx %arg13[%add3A_264, %min3A_409], %sub3A_430 masked %le3A_407 : memref<64x128xf32, #tpu.memory_space<vmem>>[vector<16xi32>, vector<16xi32>], vector<16xf32>, vector<16xi1>
        tpu.vector_store_idx %arg13[%add3A_299, %min3A_409], %sub3A_435 masked %le3A_407 : memref<64x128xf32, #tpu.memory_space<vmem>>[vector<16xi32>, vector<16xi32>], vector<16xf32>, vector<16xi1>
        tpu.vector_store_idx %arg13[%add3A_334, %min3A_409], %sub3A_440 masked %le3A_407 : memref<64x128xf32, #tpu.memory_space<vmem>>[vector<16xi32>, vector<16xi32>], vector<16xf32>, vector<16xi1>
        scf.yield %sub3A_425, %sub3A_430, %sub3A_435, %sub3A_440 : vector<16xf32>, vector<16xf32>, vector<16xf32>, vector<16xf32>
      }
      %scan3A_398 = arith.constant 15 : i32
      "tpu.region"() ({
        %run_scoped3A_399 = tpu.sem_alloc : memref<!tpu.dma_semaphore, #tpu.memory_space<semaphore_mem>>
        %dma_start3A_400 = arith.constant 0 : i32
        %dma_start3A_401 = tpu.memref_slice %arg10[%add3A_216, %dma_start3A_400] : memref<84x64xi32, #tpu.memory_space<vmem>> -> memref<1x64xi32, #tpu.memory_space<vmem>>
        %dma_start3A_402 = tpu.memref_squeeze %dma_start3A_401 : memref<1x64xi32, #tpu.memory_space<vmem>> -> memref<64xi32, #tpu.memory_space<vmem>>
        %dma_start3A_403 = arith.constant 0 : i32
        %dma_start3A_404 = arith.constant 0 : i32
        %dma_start3A_405 = tpu.memref_slice %arg14[%dma_start3A_403, %dma_start3A_404] : memref<10112x128xf32, #tpu.memory_space<vmem_shared>> -> memref<10112x128xf32, #tpu.memory_space<vmem_shared>>
        tpu.enqueue_indirect_dma source(%arg13 : memref<64x128xf32, #tpu.memory_space<vmem>>) target(%dma_start3A_405 : memref<10112x128xf32, #tpu.memory_space<vmem_shared>>) offsets(%dma_start3A_402 : memref<64xi32, #tpu.memory_space<vmem>>) semaphore(%run_scoped3A_399 : memref<!tpu.dma_semaphore, #tpu.memory_space<semaphore_mem>>) {add = true}
        %dma_wait3A_406 = arith.constant 0 : i32
        %dma_wait3A_407 = tpu.memref_slice %arg10[%add3A_216, %dma_wait3A_406] : memref<84x64xi32, #tpu.memory_space<vmem>> -> memref<1x64xi32, #tpu.memory_space<vmem>>
        %dma_wait3A_408 = tpu.memref_squeeze %dma_wait3A_407 : memref<1x64xi32, #tpu.memory_space<vmem>> -> memref<64xi32, #tpu.memory_space<vmem>>
        %dma_wait3A_409 = arith.constant 0 : i32
        %dma_wait3A_410 = arith.constant 0 : i32
        %dma_wait3A_411 = tpu.memref_slice %arg14[%dma_wait3A_409, %dma_wait3A_410] : memref<10112x128xf32, #tpu.memory_space<vmem_shared>> -> memref<10112x128xf32, #tpu.memory_space<vmem_shared>>
        tpu.wait_indirect_dma semaphore(%run_scoped3A_399 : memref<!tpu.dma_semaphore, #tpu.memory_space<semaphore_mem>>) src(%arg13 : memref<64x128xf32, #tpu.memory_space<vmem>>) dst(%dma_wait3A_411 : memref<10112x128xf32, #tpu.memory_space<vmem_shared>>)
        tpu.yield
      }) : () -> ()
    }
    %scan3A_36 = arith.constant 42 : i32
    %barrier3A_37 = arith.constant 0 : index
    tpu.barrier barrier_id(%barrier3A_37)
    "tpu.region"() ({
      %run_scoped3A_38 = tpu.sem_alloc : memref<!tpu.dma_semaphore, #tpu.memory_space<semaphore_mem>>
      %dma_start3A_39 = arith.constant 0 : i32
      %dma_start3A_40 = tpu.memref_slice %arg6[%arg0, %mul3A_10, %dma_start3A_39] : memref<2x10112x128xf32, #tpu.memory_space<hbm>> -> memref<1x632x128xf32, #tpu.memory_space<hbm>>
      %dma_start3A_41 = tpu.memref_squeeze %dma_start3A_40 : memref<1x632x128xf32, #tpu.memory_space<hbm>> -> memref<632x128xf32, #tpu.memory_space<hbm>>
      %dma_start3A_42 = arith.constant 0 : i32
      %dma_start3A_43 = tpu.memref_slice %arg14[%mul3A_10, %dma_start3A_42] : memref<10112x128xf32, #tpu.memory_space<vmem_shared>> -> memref<632x128xf32, #tpu.memory_space<vmem_shared>>
      tpu.enqueue_dma source(%dma_start3A_43 : memref<632x128xf32, #tpu.memory_space<vmem_shared>>) target(%dma_start3A_41 : memref<632x128xf32, #tpu.memory_space<hbm>>) target_semaphore(%run_scoped3A_38 : memref<!tpu.dma_semaphore, #tpu.memory_space<semaphore_mem>>)
      %dma_wait3A = arith.constant 0 : i32
      %dma_wait3A_44 = tpu.memref_slice %arg6[%arg0, %mul3A_10, %dma_wait3A] : memref<2x10112x128xf32, #tpu.memory_space<hbm>> -> memref<1x632x128xf32, #tpu.memory_space<hbm>>
      %dma_wait3A_45 = tpu.memref_squeeze %dma_wait3A_44 : memref<1x632x128xf32, #tpu.memory_space<hbm>> -> memref<632x128xf32, #tpu.memory_space<hbm>>
      %dma_wait3A_46 = arith.constant 0 : i32
      %dma_wait3A_47 = tpu.memref_slice %arg14[%mul3A_10, %dma_wait3A_46] : memref<10112x128xf32, #tpu.memory_space<vmem_shared>> -> memref<632x128xf32, #tpu.memory_space<vmem_shared>>
      tpu.wait_dma2 semaphore(%run_scoped3A_38 : memref<!tpu.dma_semaphore, #tpu.memory_space<semaphore_mem>>) src(%dma_wait3A_47 : memref<632x128xf32, #tpu.memory_space<vmem_shared>>) dst(%dma_wait3A_45 : memref<632x128xf32, #tpu.memory_space<hbm>>)
      tpu.yield
    }) : () -> ()
    return
  }
}

module attributes {stable_mosaic.version = 14 : i64} {
  func.func @_k_body(%arg0: memref<79x128xf32, #tpu.memory_space<vmem>>, %arg1: memref<79x128xf32, #tpu.memory_space<vmem>>) attributes {dimension_semantics = [], scalar_prefetch = 0 : i64, scratch_operands = 0 : i64, tpu.core_type = #tpu.core_type<tc>} {
    %get3A = arith.constant 0 : index
    %get3A_0 = arith.constant 0 : index
    %get3A_1 = vector.load %arg0[%get3A, %get3A_0] : memref<79x128xf32, #tpu.memory_space<vmem>>, vector<79x128xf32>
    %max3A = arith.constant 0.000000e+00 : f32
    %max3A_2 = vector.broadcast %max3A : f32 to vector<79x128xf32>
    %max3A_3 = arith.maximumf %get3A_1, %max3A_2 : vector<79x128xf32>
    %abs3A = math.absf %get3A_1 : vector<79x128xf32>
    %neg3A = arith.constant 0.000000e+00 : f32
    %neg3A_4 = vector.broadcast %neg3A : f32 to vector<79x128xf32>
    %neg3A_5 = arith.subf %neg3A_4, %abs3A : vector<79x128xf32>
    %exp3A = math.exp %neg3A_5 : vector<79x128xf32>
    %log1p3A = math.log1p %exp3A : vector<79x128xf32>
    %add3A = arith.addf %max3A_3, %log1p3A : vector<79x128xf32>
    %mul3A = arith.constant 1.000000e+01 : f32
    %mul3A_6 = vector.broadcast %mul3A : f32 to vector<79x128xf32>
    %mul3A_7 = arith.mulf %add3A, %mul3A_6 : vector<79x128xf32>
    %add3A_8 = arith.constant 5.000000e-01 : f32
    %add3A_9 = vector.broadcast %add3A_8 : f32 to vector<79x128xf32>
    %add3A_10 = arith.addf %mul3A_7, %add3A_9 : vector<79x128xf32>
    %swap3A = arith.constant 0 : index
    %swap3A_11 = arith.constant 0 : index
    %swap3A_12 = vector.load %arg1[%swap3A, %swap3A_11] : memref<79x128xf32, #tpu.memory_space<vmem>>, vector<79x128xf32>
    tpu.vector_store %arg1[%swap3A, %swap3A_11], %add3A_10 {strides = array<i32>} : memref<79x128xf32, #tpu.memory_space<vmem>>, vector<79x128xf32>,
    return
  }
}

module attributes {stable_mosaic.version = 14 : i64} {
  func.func @_combine_body(%arg0: i32, %arg1: memref<2x128x128xf32, #tpu.memory_space<vmem>>, %arg2: memref<128x128xf32, #tpu.memory_space<vmem>>) attributes {dimension_semantics = [#tpu.dimension_semantics<arbitrary>], iteration_bounds = array<i64: 79>, scalar_prefetch = 0 : i64, scratch_operands = 0 : i64, tpu.core_type = #tpu.core_type<tc>, window_params = [{transform_indices = @transform_0, window_bounds = array<i64: 2, 128, 128>}, {transform_indices = @transform_1, window_bounds = array<i64: 128, 128>}]} {
    %get3A = arith.constant 0 : index
    %get3A_0 = arith.constant 0 : index
    %get3A_1 = arith.constant 0 : index
    %get3A_2 = vector.load %arg1[%get3A, %get3A_0, %get3A_1] : memref<2x128x128xf32, #tpu.memory_space<vmem>>, vector<1x128x128xf32>
    %get3A_3 = vector.shape_cast %get3A_2 : vector<1x128x128xf32> to vector<128x128xf32>
    %get3A_4 = arith.constant 1 : index
    %get3A_5 = arith.constant 0 : index
    %get3A_6 = arith.constant 0 : index
    %get3A_7 = vector.load %arg1[%get3A_4, %get3A_5, %get3A_6] : memref<2x128x128xf32, #tpu.memory_space<vmem>>, vector<1x128x128xf32>
    %get3A_8 = vector.shape_cast %get3A_7 : vector<1x128x128xf32> to vector<128x128xf32>
    %add3A = arith.addf %get3A_3, %get3A_8 : vector<128x128xf32>
    %transpose3A = tpu.transpose %add3A, [1, 0] : vector<128x128xf32> -> vector<128x128xf32>
    %swap3A = arith.constant 0 : index
    %swap3A_9 = arith.constant 0 : index
    %swap3A_10 = vector.load %arg2[%swap3A, %swap3A_9] : memref<128x128xf32, #tpu.memory_space<vmem>>, vector<128x128xf32>
    tpu.vector_store %arg2[%swap3A, %swap3A_9], %transpose3A {strides = array<i32>} : memref<128x128xf32, #tpu.memory_space<vmem>>, vector<128x128xf32>,
    return
  }
  func.func @transform_0(%arg0: i32) -> (i32, i32, i32) {
    %c0_i32 = arith.constant 0 : i32
    %c0_i32_0 = arith.constant 0 : i32
    %c0_i32_1 = arith.constant 0 : i32
    return %c0_i32, %arg0, %c0_i32_0 : i32, i32, i32
  }
  func.func @transform_1(%arg0: i32) -> (i32, i32) {
    %c0_i32 = arith.constant 0 : i32
    %c0_i32_0 = arith.constant 0 : i32
    return %c0_i32, %arg0 : i32, i32
  }
}

</mosaic_0001>

<sc_bundles>
// kernel: kernel.5.cloned.1.call-start
scs
__scs_entry_jumppad:
0x0: {  	(pc) =	sbr.rel $0x88, $3  }
0x1: {  	(tag) =	ssettag $0x0;
	lr =	simm.s32 $0x1  }
0x2: {  	[smem:$0x3F9E] =	sst lr;
	_ =	strace $0xD0000000  }
0x3: {  	_ = 	snop  }
0x4: {  	_ = 	snop  }
0x5: {  	_ = 	snop  }
0x6: {  	_ = 	snop  }
0x7: {  	_ = 	snop  }
__scs_overlays_trampoline_lowered:
0x8: {  	[smem:$0x3FAD] =	sst s0  }
0x9: {  	[smem:$0x3FAE] =	sst s1  }
0xa: {  	[smem:$0x3FAF] =	sst s2  }
0xb: {  	[smem:$0x3FB0] =	sst s3  }
0xc: {  	[smem:$0x3FB1] =	sst s4  }
0xd: {  	[smem:$0x3FB2] =	sst s5  }
0xe: {  	[smem:$0x3FB3] =	sst s6  }
0xf: {  	[smem:$0x3FB4] =	sst s7  }
0x10: {  	[smem:$0x3FB5] =	sst s8  }
0x11: {  	[smem:$0x3FB6] =	sst s9;
	s0 =	simm.s32 @!p0 $0x0  }
0x12: {  	s1 =	sld [smem:$0x3F9C];
	s0 =	simm.s32 @p0 $0x1  }
0x13: {  	[smem:$0x3FB7] =	sst s0;
	s0 =	simm.s32 @!p1 $0x0  }
0x14: {  	s2 =	sld [smem:$0x3F9B];
	s0 =	simm.s32 @p1 $0x1  }
0x15: {  	[smem:$0x3FB8] =	sst s0;
	s0 =	simm.s32 @!p2 $0x0  }
0x16: {  	s3 =	sld [smem:$0x3FDB];
	s0 =	simm.s32 @p2 $0x1  }
0x17: {  	s4 =	simm.s32 $0x1BF5;
	[smem:$0x3FBA] =	sst s0  }
0x18: {  	s0 =	sld [smem:$0x3F9D];
	_ =	swait.ge [sflag:s4], $0x0  }
0x19: {  	s7 =	sld [smem:$0x3F9E]  }
0x1a: {  	s8 =	sadd.s32 $0xFFFFE003, lr  }
0x1b: {  	s9 =	sadd.s32 $0xFFFFFEF7, lr;
	s5 =	simm.s32 $0xFFFFFFFF;
	p2 =	slt.u32 s8, $0xFFFFF086  }
0x1c: {  	p1 =	slt.u32 s9, $0xF7A;
	s5 =	simm.s32 @!p2 $0x0  }
0x1d: {  	s5 =	simm.s32 @p1 $0x1;
	p0 =	seq.s32 s7, s2  }
0x1e: {  	s7 =	smul.u32 @!p0 $0xF7A, s2;
	p2 =	seq.s32 @!p0 s5, $0x0  }
0x1f: {  	s9 =	smul.u32 $0xF7A, s1;
	s8 =	simm.s32 @!p0 $0x1BF5;
	p2 =	por !p2, p0  }
0x20: {  	[sflag:s8] =	ssyncset.s32 @!p0 $0xFFFFF086;
	s6 =	sadd.s32 @!p0 s3, s7;
	s7 =	simm.s32 @!p0 $0x108  }
0x21: {  	s3 =	sadd.s32 s3, s9;
	s6 =	sadd.s32 @!p0 $0x88, s6;
	s7 =	simm.s32 @p2 $0x1082  }
0x22: {  	[simem:s7], [sflag:s8] =	dma.local @!p0 [hbm:s6], $0xF7A  }
0x23: {  	s9 =	sor.u32 $0xD0000000, s2;
	s6 =	simm.s32 $0x108;
	_ =	swait.ge @!p0 [sflag:s8], $0x0  }
0x24: {  	s3 =	sadd.s32 $0x88, s3;
	s6 =	simm.s32 @!p1 $0x1082;
	[sflag:s4] =	ssyncset.s32 $0xFFFFF086  }
0x25: {  	[simem:s6], [sflag:s4] =	dma.local [hbm:s3], $0xF7A  }
0x26: {  	[smem:$0x3F9E] =	sst s1;
	(tag) =	ssettag s2;
	_ =	strace s9  }
0x27: {  	s1 =	sld [smem:$0x3FAE]  }
0x28: {  	s2 =	sld [smem:$0x3FAF]  }
0x29: {  	s4 =	sld [smem:$0x3FB1]  }
0x2a: {  	p0 =	seq.s32 s5, $0x0;
	s5 =	sld [smem:$0x3FB2]  }
0x2b: {  	s6 =	sld [smem:$0x3FB3]  }
0x2c: {  	s7 =	sld [smem:$0x3FB4]  }
0x2d: {  	s3 =	simm.s32 $0x108;
	s8 =	sld [smem:$0x3FB5]  }
0x2e: {  	s3 =	simm.s32 @!p0 $0x1082;
	s9 =	sld [smem:$0x3FB6]  }
0x2f: {  	lr =	sadd.s32 s0, s3;
	s0 =	sld [smem:$0x3FAD]  }
0x30: {  	s3 =	sld [smem:$0x3FB0]  }
0x31: {  	[smem:$0x3FB9] =	sst s10  }
0x32: {  	s10 =	sld [smem:$0x3FB7];
	_ =	sdelay $0x3  }
0x33: {  	p0 =	seq.s32 s10, $0x1;
	s10 =	sld [smem:$0x3FB9];
	_ =	sdelay $0x3  }
0x34: {  	[smem:$0x3FB9] =	sst s10  }
0x35: {  	s10 =	sld [smem:$0x3FB8];
	_ =	sdelay $0x3  }
0x36: {  	p1 =	seq.s32 s10, $0x1;
	s10 =	sld [smem:$0x3FB9];
	_ =	sdelay $0x3  }
0x37: {  	[smem:$0x3FB9] =	sst s10  }
0x38: {  	s10 =	sld [smem:$0x3FBA]  }
0x39: {  	_ = 	snop;
	(pc) =	sbr.ind lr, $3  }
0x3a: {  	_ = 	snop  }
0x3b: {  	_ = 	snop  }
0x3c: {  	p2 =	seq.s32 s10, $0x1;
	s10 =	sld [smem:$0x3FB9]  }
0x3d: {  	_ =	shalt  }
0x3e: {  	_ =	shalt  }
0x3f: {  	_ =	shalt  }
0x40: {  	_ =	shalt  }
0x41: {  	_ =	shalt  }
0x42: {  	_ =	shalt  }
0x43: {  	_ =	shalt  }
0x44: {  	_ =	shalt  }
0x45: {  	_ =	shalt  }
0x46: {  	_ =	shalt  }
0x47: {  	_ =	shalt  }
0x48: {  	_ =	shalt  }
0x49: {  	_ =	shalt  }
0x4a: {  	_ =	shalt  }
0x4b: {  	_ =	shalt  }
0x4c: {  	_ =	shalt  }
0x4d: {  	_ =	shalt  }
0x4e: {  	_ =	shalt  }
0x4f: {  	_ =	shalt  }
0x50: {  	_ =	shalt  }
0x51: {  	_ =	shalt  }
0x52: {  	_ =	shalt  }
0x53: {  	_ =	shalt  }
0x54: {  	_ =	shalt  }
0x55: {  	_ =	shalt  }
0x56: {  	_ =	shalt  }
0x57: {  	_ =	shalt  }
0x58: {  	_ =	shalt  }
0x59: {  	_ =	shalt  }
0x5a: {  	_ =	shalt  }
0x5b: {  	_ =	shalt  }
0x5c: {  	_ =	shalt  }
0x5d: {  	_ =	shalt  }
0x5e: {  	_ =	shalt  }
0x5f: {  	_ =	shalt  }
0x60: {  	_ =	shalt  }
0x61: {  	_ =	shalt  }
0x62: {  	_ =	shalt  }
0x63: {  	_ =	shalt  }
0x64: {  	_ =	shalt  }
0x65: {  	_ =	shalt  }
0x66: {  	_ =	shalt  }
0x67: {  	_ =	shalt  }
0x68: {  	_ =	shalt  }
0x69: {  	_ =	shalt  }
0x6a: {  	_ =	shalt  }
0x6b: {  	_ =	shalt  }
0x6c: {  	_ =	shalt  }
0x6d: {  	_ =	shalt  }
0x6e: {  	_ =	shalt  }
0x6f: {  	_ =	shalt  }
0x70: {  	_ =	shalt  }
0x71: {  	_ =	shalt  }
0x72: {  	_ =	shalt  }
0x73: {  	_ =	shalt  }
0x74: {  	_ =	shalt  }
0x75: {  	_ =	shalt  }
0x76: {  	_ =	shalt  }
0x77: {  	_ =	shalt  }
0x78: {  	_ =	shalt  }
0x79: {  	_ =	shalt  }
0x7a: {  	_ =	shalt  }
0x7b: {  	_ =	shalt  }
0x7c: {  	_ =	shalt  }
0x7d: {  	_ =	shalt  }
0x7e: {  	_ =	shalt  }
0x7f: {  	_ =	shalt  }
0x80: {  	_ =	shalt  }
0x81: {  	_ =	shalt  }
0x82: {  	_ =	shalt  }
0x83: {  	_ =	shalt  }
0x84: {  	_ =	shalt  }
0x85: {  	_ =	shalt  }
0x86: {  	_ =	shalt  }
0x87: {  	_ =	shalt  }
.Lfunc_end0:
.L_simem_size_0:
called_computation_lowered:
.L_overlay_start_0:
0x88: {  	s2 =	sld [smem:$0x3FD9]  }
0x89: {  	s3 =	sld [smem:$0x3FFE];
	_ =	sdelay $0x1  }
0x8a: {  	s1 =	srdreg.scid  }
0x8b: {  	s0 =	sand.u32 $0x1, s1  }
0x8c: {  	s17 =	sshll.u32 s0, $0xA;
	s2 =	sadd.s32 s3, s2  }
0x8d: {  	s2 =	sadd.s32 s2, s17  }
0x8e: {  	[smem:$0x3FC5] =	sst s2  }
0x8f: {  	_ = 	snop  }
0x90: {  	s2 =	sld [smem:$0x3FC9]  }
0x91: {  	s18 =	sld [smem:$0x3FD0];
	(tm) =	ssettm $0x1  }
0x92: {  	s4 =	sld [smem:$0x3FFB];
	_ =	sdelay $0x3  }
0x93: {  	_ =	strace s4  }
0x94: {  	s4 =	sld [smem:$0x3FFC];
	_ =	sdelay $0x3  }
0x95: {  	_ =	strace s4  }
0x96: {  	s4 =	sld [smem:$0x3FFD];
	_ =	sdelay $0x3  }
0x97: {  	_ =	strace s4  }
0x98: {  	_ =	strace $0x8FFFFFFF  }
0x99: {  	s19 =	sld [smem:$0x3FDB];
	_ =	sdelay $0x1  }
0x9a: {  	s5 =	simm.s32 $_scs_section_size  }
0x9b: {  	s6 =	simm.s32 $_size__tile_overlayer_lowered;
	s7 =	simm.s32 $_tile_overlayer_lowered  }
0x9c: {  	s22 =	simm.s32 $0x1BFF;
	s21 =	sshll.u32 s7, $0x1;
	s4 =	sadd.s32 s5, s19  }
0x9d: {  	s8 =	simm.s32 $0x0;
	s20 =	sshll.u32 s6, $0x1;
	s6 =	sadd.s32 s21, s4  }
0x9e: {  	[timem:s8], [sflag:s22] =	dma.local [hbm:s6], s20  }
0x9f: {  	_ =	swait.ge [sflag:s22], s20  }
0xa0: {  	s5 =	ssub.s32 $0x0, s20;
	[sflag:s22] =	ssyncset.done $0x0  }
0xa1: {  	[sflag:s22] =	ssyncadd.s32 s5;
	_ =	sdelay $0x1  }
0xa2: {  	s23 =	simm.s32 $0x1B8B  }
0xa3: {  	_ =	swait.ge [sflag:s23], $0x1  }
0xa4: {  	[sflag:s23] =	ssyncset.done $0x0  }
0xa5: {  	s25 =	simm.s32 $0x1B8E;
	s24 =	sld [smem:$0x3FFE];
	[sflag:s23] =	ssyncadd.s32 $0xFFFFFFFF  }
0xa6: {  	s26 =	simm.s32 $execute0_lowered;
	[smem:$0x3FD2] =	sst s25  }
0xa7: {  	s6 =	sshll.u32 s26, $0x1;
	_ =	strace $0x80000046;
	[dreg:$0x1] =	wrdreg $0xFFFFFFFF  }
0xa8: {  	s28 =	simm.s32 $_size_execute0_lowered;
	s4 =	sadd.s32 s4, s6;
	[dreg:$0x0] =	wrdreg $0x0  }
0xa9: {  	s6 =	sshll.u32 s28, $0x1;
	[dreg:$0x2] =	wrdreg s4  }
0xaa: {  	[dreg:$0x3] =	wrdreg s6  }
0xab: {  	[dreg:$0x4] =	wrdreg $0xC0  }
0xac: {  	_ =	task [dreg:s8], $0x5FFFF  }
0xad: {  	[dreg:$0x1] =	wrdreg $0xFFFFFFFF  }
0xae: {  	[dreg:$0x0] =	wrdreg $0x60  }
0xaf: {  	[dreg:$0x2] =	wrdreg s2  }
0xb0: {  	[dreg:$0x3] =	wrdreg s24  }
0xb1: {  	[dreg:$0x4] =	wrdreg s18  }
0xb2: {  	[dreg:$0x5] =	wrdreg $0xB4800  }
0xb3: {  	[dreg:$0x6] =	wrdreg $0x9  }
0xb4: {  	_ =	task.clear_ibuf [dreg:s8], $0x7FFFF;
	_ =	strace $0x90000046  }
0xb5: {  	s29 =	simm.s32 $0x9;
	_ =	strace $0x80000048  }
0xb6: {  	_ =	swait.ge [sflag:s29], $0x1  }
0xb7: {  	[sflag:s29] =	ssyncadd.s32 $0xFFFFFFFF  }
0xb8: {  	_ =	strace $0x90000048  }
0xb9: {  	_ =	sfence  }
0xba: {  	s30 =	sld [smem:$0x0];
	_ =	sdelay $0x2  }
0xbb: {  	s31 =	sshll.u32 s1, $0xD;
	s1 =	sshrl.u32 s1, $0x2  }
0xbc: {  	s3 =	sand.u32 $0x4000, s31;
	s1 =	sadd.s32 s1, s30  }
0xbd: {  	s0 =	sor.u32 s3, s0;
	s1 =	sshll.u32 s1, $0x11  }
0xbe: {  	s0 =	sor.u32 s1, s0  }
0xbf: {  	s0 =	sadd.s32 $0x8F2B, s0  }
0xc0: {  	[sflag:s0] =	ssyncadd.remote.s32 $0x1  }
0xc1: {  	_ =	sfence.sel $0xFFFF  }
0xc2: {  	[dreg:$0x0] =	wrdreg $0xFFFFFFFF;
	(pc) =	sbr.abs _section_cstart, $3  }
0xc3: {  	[dreg:$0x1] =	wrdreg $0xFFFFFFFF  }
0xc4: {  	_ =	task.clear_ibuf [dreg:s8], $0x2FFFF;
	_ =	strace $0x9FFFFFFF  }
0xc5: {  	(tm) =	ssettm $0x7FFFFFFF  }
tec
execute0_lowered:
.L_overlay_start_1:
0x0: {  	(tag) =	ssettag $0x1  }
0x1: {  	s1 =	rddreg [dreg:$0x0]  }
0x2: {  	s0 =	srdreg.scid;
	s11 =	rddreg [dreg:$0x1]  }
0x3: {  	s8 =	stileid.u32;
	s4 =	rddreg [dreg:$0x2]  }
0x4: {  	s5 =	rddreg [dreg:$0x3];
	s7 =	simm.s32 $0x0;
	s28 =	simm.s32 $0x9480  }
0x5: {  	s29 =	simm.s32 $0x2800;
	s30 =	simm.s32 $0x7480;
	s31 =	simm.s32 $0x1  }
0x6: {  	s0 =	sand.u32 $0x1, s0;
	s2 =	sshll.u32 s8, $0x1;
	s3 =	smul.u32 $0x13C00, s8  }
0x7: {  	[smem:$0x7FF] =	sst s7;
	s8 =	smul.u32 $0x4F000, s8;
	s2 =	sor.u32 s0, s2  }
0x8: {  	s20 =	smul.u32 $0x13C000, s0;
	_ =	strace $0x80000047;
	s0 =	ssub.s32 $0x2, s0  }
0x9: {  	s6 =	smul.u32 $0x2C00, s2;
	s21 =	sshrl.u32 s0, $0x1;
	s8 =	sshrl.u32 s8, $0x2  }
0xa: {  	s2 =	sadd.s32 s3, s20;
	s0 =	ssub.s32 s0, s21;
	s8 =	sadd.s32 s8, s5  }
0xb: {  	s3 =	simm.s32 $0x2;
	s9 =	sshrl.u32 s6, $0x3;
	s2 =	sshrl.u32 s2, $0x3  }
0xc: {  	s24 =	sadd.s32 $0x2000, s8;
	s25 =	sadd.s32 $0x4000, s8;
	s26 =	sadd.s32 $0x6000, s8  }
0xd: {  	s14 =	sadd.s32 $0x8000, s8;
	s15 =	sadd.s32 $0xA000, s8;
	s16 =	sadd.s32 $0xC000, s8  }
0xe: {  	v2 =	vlaneseq.u32;
	s17 =	sadd.s32 $0xE000, s8;
	s18 =	sadd.s32 $0x10000, s8;
	s19 =	sadd.s32 $0x12000, s8  }
0xf: {  	v0 =	vmul.u32 $0x80, v2;
	s21 =	smax.u32 s0, $0x1;
	s10 =	sadd.s32 s9, s11;
	[dreg:$0x7] =	wrdreg s24  }
0x10: {  	v1 =	vmul.u32 $0xFFFFFFFF, v2;
	v2 =	vmul.u32 $0x7F, v2;
	s2 =	sadd.s32 s2, s11;
	s23 =	sadd.s32 s4, s9;
	[dreg:$0x8] =	wrdreg s25  }
0x11: {  	v3 =	vimm.f32 $0.0e+00;
	v4 =	vor.u32 $0x800, v0;
	v5 =	vor.u32 $0x1000, v0;
	[dreg:$0x9] =	wrdreg s26;
	s25 =	simm.s32 $0x40;
	s26 =	simm.s32 $0x5480  }
0x12: {  	v6 =	vor.u32 $0x1800, v0;
	v7 =	vadd.s32 $0xFFFFFF9C, v1;
	v8 =	vadd.s32 $0xFFFFFF9C, v2;
	s22 =	sadd.s32 $0x600, s10;
	[dreg:$0x6] =	wrdreg s23;
	s20 =	sadd.s32 $0xB600, s2  }
0x13: {  	v9 =	vadd.s32 $0x79C, v2;
	v10 =	vadd.s32 $0xF9C, v2;
	v11 =	vadd.s32 $0x179C, v2;
	s23 =	simm.s32 $0x0;
	[dreg:$0x5] =	wrdreg s22;
	s22 =	simm.s32 $0x3  }
.LBB2_1:
0x14: {  	s0 =	rddreg [dreg:$0x1]  }
0x15: {  	[tilespmem:s7], [sflag:$0x3] =	stream.linear.gather [hbm4b:s0+s7], $0x2780, $0x38;
	[tilespmem:$0x1F080] =	vst v63  }
0x16: {  	_ =	swait.ge [sflag:s22], $0x2780  }
0x17: {  	[sflag:s22] =	ssyncset.done $0x0  }
0x18: {  	s2 =	simm.s32 $0x2880;
	s12 =	rddreg [dreg:$0x5];
	[sflag:s22] =	ssyncadd.s32 $0xFFFFD880  }
0x19: {  	[tilespmem:s2], [sflag:$0x3] =	stream.linear.gather [hbm4b:s12+s7], $0x2A00, $0x38;
	[tilespmem:$0x1F080] =	vst v63  }
0x1a: {  	_ =	swait.ge [sflag:s22], $0x2A00  }
0x1b: {  	[sflag:s22] =	ssyncset.done $0x0  }
0x1c: {  	s24 =	simm.s32 $0x2780;
	s13 =	rddreg [dreg:$0x6];
	[sflag:s22] =	ssyncadd.s32 $0xFFFFD600  }
0x1d: {  	[tilespmem:s24], [sflag:$0x3] =	stream.linear.gather [hbm4b:s13+s7], $0x80, $0x38;
	[tilespmem:$0x1F080] =	vst v63  }
0x1e: {  	_ =	swait.ge [sflag:s22], $0x80  }
0x1f: {  	[sflag:s22] =	ssyncset.done $0x0  }
0x20: {  	s0 =	simm.s32 $0x0;
	s2 =	simm.s32 $0x200;
	[sflag:s22] =	ssyncadd.s32 $0xFFFFFF80  }
0x21: {  	[tilespmem:s26], [sflag:$0x1] =	stream.indirect.gather [hbm4b:s1+s25], $0x80, s24, s25, $0xb8;
	[tilespmem:$0x1F080] =	vst v63  }
.LBB2_2:
0x22: {  	p0 =	sne.s32 s2, $0x7E00;
	[tilespmem:s0+$0x94F0] =	vst v3  }
0x23: {  	[tilespmem:s0+$0x9480] =	vst v3  }
0x24: {  	[tilespmem:s0+$0x9490] =	vst v3  }
.Ltmp0:
0x25: {  	[tilespmem:s0+$0x94A0] =	vst v3;
	(pc) =	sbr.rel @p0 .LBB2_2-.Ltmp0, $4  }
0x26: {  	[tilespmem:s0+$0x94B0] =	vst v3  }
0x27: {  	[tilespmem:s0+$0x94C0] =	vst v3  }
0x28: {  	[tilespmem:s0+$0x94D0] =	vst v3  }
0x29: {  	[tilespmem:s0+$0x94E0] =	vst v3;
	s0 =	sshra.s32 s2, $0x2;
	s2 =	sadd.s32 $0x200, s2  }
0x2a: {  	[tilespmem:s0+$0x94F0] =	vst v3  }
0x2b: {  	[tilespmem:s0+$0x9480] =	vst v3  }
0x2c: {  	[tilespmem:s0+$0x9490] =	vst v3  }
0x2d: {  	[tilespmem:s0+$0x94A0] =	vst v3  }
0x2e: {  	[tilespmem:s0+$0x94B0] =	vst v3  }
0x2f: {  	[tilespmem:s0+$0x94C0] =	vst v3  }
0x30: {  	[tilespmem:s0+$0x94D0] =	vst v3  }
0x31: {  	[tilespmem:s0+$0x94E0] =	vst v3  }
0x32: {  	[spmem:s8] =	stream.linear.scatter [tilespmem:s28], [sflag:$0x3], $0x2000, $0x38;
	[tilespmem:$0x1F080] =	vst v63  }
0x33: {  	_ =	swait.ge [sflag:s22], $0x2000  }
0x34: {  	[sflag:s22] =	ssyncset.done $0x0  }
0x35: {  	s12 =	rddreg [dreg:$0x7];
	[sflag:s22] =	ssyncadd.s32 $0xFFFFE000  }
0x36: {  	[spmem:s12] =	stream.linear.scatter [tilespmem:s28], [sflag:$0x3], $0x2000, $0x38;
	[tilespmem:$0x1F080] =	vst v63  }
0x37: {  	_ =	swait.ge [sflag:s22], $0x2000  }
0x38: {  	[sflag:s22] =	ssyncset.done $0x0  }
0x39: {  	s13 =	rddreg [dreg:$0x8];
	[sflag:s22] =	ssyncadd.s32 $0xFFFFE000  }
0x3a: {  	[spmem:s13] =	stream.linear.scatter [tilespmem:s28], [sflag:$0x3], $0x2000, $0x38;
	[tilespmem:$0x1F080] =	vst v63  }
0x3b: {  	_ =	swait.ge [sflag:s22], $0x2000  }
0x3c: {  	[sflag:s22] =	ssyncset.done $0x0  }
0x3d: {  	s24 =	rddreg [dreg:$0x9];
	[sflag:s22] =	ssyncadd.s32 $0xFFFFE000  }
0x3e: {  	[spmem:s24] =	stream.linear.scatter [tilespmem:s28], [sflag:$0x3], $0x2000, $0x38;
	[tilespmem:$0x1F080] =	vst v63  }
0x3f: {  	_ =	swait.ge [sflag:s22], $0x2000  }
0x40: {  	[sflag:s22] =	ssyncset.done $0x0  }
0x41: {  	[sflag:s22] =	ssyncadd.s32 $0xFFFFE000  }
0x42: {  	[spmem:s14] =	stream.linear.scatter [tilespmem:s28], [sflag:$0x3], $0x2000, $0x38;
	[tilespmem:$0x1F080] =	vst v63  }
0x43: {  	_ =	swait.ge [sflag:s22], $0x2000  }
0x44: {  	[sflag:s22] =	ssyncset.done $0x0  }
0x45: {  	[sflag:s22] =	ssyncadd.s32 $0xFFFFE000  }
0x46: {  	[spmem:s15] =	stream.linear.scatter [tilespmem:s28], [sflag:$0x3], $0x2000, $0x38;
	[tilespmem:$0x1F080] =	vst v63  }
0x47: {  	_ =	swait.ge [sflag:s22], $0x2000  }
0x48: {  	[sflag:s22] =	ssyncset.done $0x0  }
0x49: {  	[sflag:s22] =	ssyncadd.s32 $0xFFFFE000  }
0x4a: {  	[spmem:s16] =	stream.linear.scatter [tilespmem:s28], [sflag:$0x3], $0x2000, $0x38;
	[tilespmem:$0x1F080] =	vst v63  }
0x4b: {  	_ =	swait.ge [sflag:s22], $0x2000  }
0x4c: {  	[sflag:s22] =	ssyncset.done $0x0  }
0x4d: {  	[sflag:s22] =	ssyncadd.s32 $0xFFFFE000  }
0x4e: {  	[spmem:s17] =	stream.linear.scatter [tilespmem:s28], [sflag:$0x3], $0x2000, $0x38;
	[tilespmem:$0x1F080] =	vst v63  }
0x4f: {  	_ =	swait.ge [sflag:s22], $0x2000  }
0x50: {  	[sflag:s22] =	ssyncset.done $0x0  }
0x51: {  	[sflag:s22] =	ssyncadd.s32 $0xFFFFE000  }
0x52: {  	[spmem:s18] =	stream.linear.scatter [tilespmem:s28], [sflag:$0x3], $0x2000, $0x38;
	[tilespmem:$0x1F080] =	vst v63  }
0x53: {  	_ =	swait.ge [sflag:s22], $0x2000  }
0x54: {  	[sflag:s22] =	ssyncset.done $0x0  }
0x55: {  	[sflag:s22] =	ssyncadd.s32 $0xFFFFE000  }
0x56: {  	[spmem:s19] =	stream.linear.scatter [tilespmem:s28], [sflag:$0x3], $0x1C00, $0x38;
	[tilespmem:$0x1F080] =	vst v63  }
0x57: {  	_ =	swait.ge [sflag:s22], $0x1C00  }
0x58: {  	[sflag:s22] =	ssyncset.done $0x0  }
0x59: {  	[sflag:s22] =	ssyncadd.s32 $0xFFFFE400  }
0x5a: {  	s2 =	simm.s32 $0x0;
	s0 =	simm.s32 $0x0;
	[bflag:$0x0] =	sbarrier.arrive $0xFFFF  }
.LBB2_4:
0x5b: {  	s9 =	sshll.u32 s0, $0x8  }
0x5c: {  	s10 =	sand.u32 $0x3C00, s9;
	s24 =	sor.u32 $0x80, s9  }
0x5d: {  	s10 =	sadd.s32 s6, s10;
	s11 =	sand.u32 $0x380, s24  }
0x5e: {  	s10 =	sor.u32 s11, s10  }
0x5f: {  	s10 =	sshrl.u32 s10, $0x3  }
0x60: {  	s10 =	sadd.s32 s4, s10  }
0x61: {  	[tilespmem:s29], [sflag:$0x3] =	stream.linear.gather [hbm4b:s10+s2], $0x80, $0x38;
	[tilespmem:$0x1F080] =	vst v63  }
0x62: {  	_ =	swait.ge [sflag:s22], $0x80  }
0x63: {  	[sflag:s22] =	ssyncset.done $0x0  }
0x64: {  	[sflag:s22] =	ssyncadd.s32 $0xFFFFFF80  }
0x65: {  	[tilespmem:s30], [sflag:$0x2] =	stream.indirect.gather [hbm4b:s1+s25], $0x80, s29, s25, $0xb8;
	[tilespmem:$0x1F080] =	vst v63  }
0x66: {  	_ =	swait.ge [sflag:s31], $0x2000  }
0x67: {  	[sflag:s31] =	ssyncset.done $0x0  }
0x68: {  	[sflag:s31] =	ssyncadd.s32 $0xFFFFE000  }
0x69: {  	v12 =	vld [tilespmem:$0x2780]  }
0x6a: {  	v13 =	vld [tilespmem:s9+$0x2880];
	_ =	sdelay $0x6  }
0x6b: {  	v12 =	vld.idx.msk [tilespmem:v12+s2+$0x0], $0xffff  }
0x6c: {  	v13 =	vld.idx.msk [tilespmem:v13+s2+$0x0], $0xffff;
	_ =	sdelay $0x4  }
0x6d: {  	v12 =	vadd.f32 v13, v12;
	_ =	sdelay $0x1  }
0x6e: {  	(erf) = vrcp.f32 v12;
	_ =	sdelay $0x8  }
0x6f: {  	v12 =	vpop (erf)  }
0x70: {  	v16 =	vadd.f32 v12, v12;
	_ =	sdelay $0x1  }
0x71: {  	v12 =	vsub.f32 $0.0e+00, v16;
	_ =	sdelay $0x1  }
0x72: {  	v12 =	vmul.f32 $1.442695020e+00, v12;
	_ =	sdelay $0x1  }
0x73: {  	(erf) = vpow2.f32 v12;
	_ =	sdelay $0x2  }
0x74: {  	v12 =	vmul.f32 $-1.000000000e+02, v16;
	_ =	sdelay $0x1  }
0x75: {  	v12 =	vmul.f32 $1.442695020e+00, v12;
	_ =	sdelay $0x2  }
0x76: {  	(erf) = vpow2.f32 v12  }
0x77: {  	v12 =	vpop (erf)  }
0x78: {  	v13 =	vsub.f32 $1.000000000e+00, v12  }
0x79: {  	v14 =	vld [tilespmem:$0x2790]  }
0x7a: {  	(erf) = vrcp.f32 v13;
	v13 =	vld [tilespmem:s9+$0x2890];
	_ =	sdelay $0x4  }
0x7b: {  	v20 =	vpop (erf)  }
0x7c: {  	v15 =	vsub.f32 $1.000000000e+00, v20  }
0x7d: {  	v14 =	vld.idx.msk [tilespmem:v14+s2+$0x0], $0xffff  }
0x7e: {  	v15 =	vmul.f32 v15, v16;
	v13 =	vld.idx.msk [tilespmem:v13+s2+$0x0], $0xffff  }
0x7f: {  	v17 =	vpop (erf)  }
0x80: {  	v15 =	vmul.f32 v17, v15;
	_ =	sdelay $0x1  }
0x81: {  	v15 =	vadd.f32 $9.999999930e-09, v15  }
0x82: {  	v13 =	vadd.f32 v13, v14  }
0x83: {  	(erf) = vrcp.f32 v15  }
0x84: {  	(erf) = vrcp.f32 v13;
	_ =	sdelay $0x7  }
0x85: {  	v17 =	vpop (erf)  }
0x86: {  	v13 =	vpop (erf)  }
0x87: {  	v18 =	vadd.f32 v13, v13;
	_ =	sdelay $0x1  }
0x88: {  	v13 =	vsub.f32 $0.0e+00, v18;
	_ =	sdelay $0x1  }
0x89: {  	v13 =	vmul.f32 $1.442695020e+00, v13;
	_ =	sdelay $0x1  }
0x8a: {  	(erf) = vpow2.f32 v13;
	_ =	sdelay $0x2  }
0x8b: {  	v13 =	vmul.f32 $-1.000000000e+02, v18;
	_ =	sdelay $0x1  }
0x8c: {  	v13 =	vmul.f32 $1.442695020e+00, v13;
	_ =	sdelay $0x2  }
0x8d: {  	(erf) = vpow2.f32 v13  }
0x8e: {  	v13 =	vpop (erf)  }
0x8f: {  	v14 =	vsub.f32 $1.000000000e+00, v13  }
0x90: {  	v15 =	vld [tilespmem:$0x27A0]  }
0x91: {  	(erf) = vrcp.f32 v14;
	v14 =	vld [tilespmem:s9+$0x28A0];
	_ =	sdelay $0x4  }
0x92: {  	v21 =	vpop (erf)  }
0x93: {  	v19 =	vsub.f32 $1.000000000e+00, v21  }
0x94: {  	v15 =	vld.idx.msk [tilespmem:v15+s2+$0x0], $0xffff  }
0x95: {  	v19 =	vmul.f32 v19, v18;
	v14 =	vld.idx.msk [tilespmem:v14+s2+$0x0], $0xffff  }
0x96: {  	v22 =	vpop (erf)  }
0x97: {  	v19 =	vmul.f32 v22, v19;
	_ =	sdelay $0x1  }
0x98: {  	v19 =	vadd.f32 $9.999999930e-09, v19  }
0x99: {  	v14 =	vadd.f32 v14, v15  }
0x9a: {  	(erf) = vrcp.f32 v19  }
0x9b: {  	(erf) = vrcp.f32 v14;
	_ =	sdelay $0x7  }
0x9c: {  	v19 =	vpop (erf)  }
0x9d: {  	v14 =	vpop (erf)  }
0x9e: {  	v25 =	vadd.f32 v14, v14;
	_ =	sdelay $0x1  }
0x9f: {  	v14 =	vsub.f32 $0.0e+00, v25;
	_ =	sdelay $0x1  }
0xa0: {  	v14 =	vmul.f32 $1.442695020e+00, v14;
	_ =	sdelay $0x1  }
0xa1: {  	(erf) = vpow2.f32 v14;
	_ =	sdelay $0x2  }
0xa2: {  	v14 =	vmul.f32 $-1.000000000e+02, v25;
	_ =	sdelay $0x1  }
0xa3: {  	v14 =	vmul.f32 $1.442695020e+00, v14;
	_ =	sdelay $0x2  }
0xa4: {  	(erf) = vpow2.f32 v14  }
0xa5: {  	v14 =	vpop (erf)  }
0xa6: {  	v15 =	vsub.f32 $1.000000000e+00, v14  }
0xa7: {  	v23 =	vld [tilespmem:$0x27B0]  }
0xa8: {  	(erf) = vrcp.f32 v15;
	v15 =	vld [tilespmem:s9+$0x28B0];
	_ =	sdelay $0x4  }
0xa9: {  	v22 =	vpop (erf)  }
0xaa: {  	v24 =	vsub.f32 $1.000000000e+00, v22  }
0xab: {  	v23 =	vld.idx.msk [tilespmem:v23+s2+$0x0], $0xffff  }
0xac: {  	v24 =	vmul.f32 v24, v25;
	v15 =	vld.idx.msk [tilespmem:v15+s2+$0x0], $0xffff  }
0xad: {  	v26 =	vpop (erf)  }
0xae: {  	v24 =	vmul.f32 v26, v24;
	_ =	sdelay $0x1  }
0xaf: {  	v24 =	vadd.f32 $9.999999930e-09, v24  }
0xb0: {  	v15 =	vadd.f32 v15, v23  }
0xb1: {  	(erf) = vrcp.f32 v24  }
0xb2: {  	(erf) = vrcp.f32 v15;
	_ =	sdelay $0x7  }
0xb3: {  	v26 =	vpop (erf)  }
0xb4: {  	v15 =	vpop (erf)  }
0xb5: {  	v27 =	vadd.f32 v15, v15;
	_ =	sdelay $0x1  }
0xb6: {  	v15 =	vsub.f32 $0.0e+00, v27;
	_ =	sdelay $0x1  }
0xb7: {  	v15 =	vmul.f32 $1.442695020e+00, v15;
	_ =	sdelay $0x1  }
0xb8: {  	(erf) = vpow2.f32 v15;
	_ =	sdelay $0x2  }
0xb9: {  	v15 =	vmul.f32 $-1.000000000e+02, v27;
	_ =	sdelay $0x1  }
0xba: {  	v15 =	vmul.f32 $1.442695020e+00, v15;
	_ =	sdelay $0x2  }
0xbb: {  	(erf) = vpow2.f32 v15  }
0xbc: {  	v15 =	vpop (erf)  }
0xbd: {  	v23 =	vsub.f32 $1.000000000e+00, v15;
	_ =	sdelay $0x1  }
0xbe: {  	(erf) = vrcp.f32 v23;
	_ =	sdelay $0x4  }
0xbf: {  	v24 =	vpop (erf)  }
0xc0: {  	v23 =	vsub.f32 $1.000000000e+00, v24;
	_ =	sdelay $0x1  }
0xc1: {  	v23 =	vmul.f32 v23, v27  }
0xc2: {  	v28 =	vpop (erf)  }
0xc3: {  	v23 =	vmul.f32 v28, v23;
	_ =	sdelay $0x1  }
0xc4: {  	v28 =	vadd.s32 s2, v1;
	v23 =	vadd.f32 $9.999999930e-09, v23  }
0xc5: {  	vm0 =	vgt.s32 v28, $0x0  }
0xc6: {  	(erf) = vrcp.f32 v23;
	v23 =	vnsel vm0, $0x0, v28  }
0xc7: {  	v30 =	vadd.s32 v0, v23  }
0xc8: {  	v31 =	vadd.s32 v4, v23  }
0xc9: {  	v34 =	vadd.s32 v5, v23;
	_ =	sdelay $0x1  }
0xca: {  	v23 =	vadd.s32 v6, v23  }
0xcb: {  	v29 =	vld.idx.msk [tilespmem:v30+s26+$0x0], $0xffff  }
0xcc: {  	v17 =	vmul.f32 v17, v16;
	v32 =	vld.idx.msk [tilespmem:v31+s26+$0x0], $0xffff  }
0xcd: {  	v33 =	vimm.f32 $0.0e+00;
	v16 =	vmul.f32 v19, v18;
	v19 =	vmul.f32 v26, v25;
	v25 =	vld.idx.msk [tilespmem:v34+s26+$0x0], $0xffff  }
0xce: {  	v36 =	vmul.f32 v33, v12  }
0xcf: {  	v35 =	vmul.f32 v33, v14;
	v60 =	vmul.f32 v33, v15;
	vm0 =	vgt.s32 v28, $0xFFFFFFFF;
	v26 =	vld.idx.msk [tilespmem:v23+s26+$0x0], $0xffff;
	v18 =	vpop (erf)  }
0xd0: {  	v28 =	vnsel vm0, $0x0, v17;
	v37 =	vnsel vm0, $0x0, v19;
	v18 =	vmul.f32 v18, v27  }
0xd1: {  	s13 =	simm.s32 $0x1;
	v38 =	vnsel vm0, $0x0, v16;
	v27 =	vmul.f32 v33, v13;
	v29 =	vmul.f32 v29, v28  }
0xd2: {  	v28 =	vadd.s32 s13, v1;
	v32 =	vmul.f32 v32, v38;
	v61 =	vmul.f32 v25, v37  }
0xd3: {  	v39 =	vnsel vm0, $0x0, v18;
	vm1 =	vgt.s32 v28, $0x0;
	v29 =	vadd.f32 v29, v36  }
0xd4: {  	v62 =	vnsel vm1, $0x0, v28;
	v32 =	vadd.f32 v32, v27;
	v63 =	vmul.f32 v26, v39  }
0xd5: {  	v33 =	vadd.f32 v61, v35;
	v25 =	vadd.s32 v0, v62;
	[tilespmem:v30+s28+$0x0] =	vst.idx.msk vm0, v29  }
0xd6: {  	v26 =	vadd.s32 v4, v62;
	v27 =	vadd.s32 v5, v62;
	[tilespmem:v31+s28+$0x0] =	vst.idx.msk vm0, v32  }
0xd7: {  	s11 =	simm.s32 $0x2;
	s10 =	sadd.s32 $0x2880, s9;
	v30 =	vadd.s32 v6, v62;
	v31 =	vadd.f32 v63, v60;
	[tilespmem:v34+s28+$0x0] =	vst.idx.msk vm0, v33  }
.LBB2_5:
0xd8: {  	p0 =	sne.s32 s11, $0xE;
	s12 =	smov.u32 s11;
	s11 =	sadd.s32 $0x1, s11  }
0xd9: {  	[tilespmem:v23+s28+$0x0] =	vst.idx.msk vm0, v31;
	v23 =	vmov v30  }
0xda: {  	v34 =	vld.idx.msk [tilespmem:v25+s26+$0x0], $0xffff  }
0xdb: {  	v35 =	vld.idx.msk [tilespmem:v26+s26+$0x0], $0xffff  }
0xdc: {  	v36 =	vld.idx.msk [tilespmem:v27+s26+$0x0], $0xffff  }
0xdd: {  	v30 =	vld.idx.msk [tilespmem:v30+s26+$0x0], $0xffff  }
0xde: {  	v32 =	vmul.f32 v32, v13;
	v33 =	vmul.f32 v33, v14;
	vm0 =	vgt.s32 v28, $0xFFFFFFFF  }
0xdf: {  	v29 =	vmul.f32 v29, v12;
	v28 =	vnsel vm0, $0x0, v17;
	v37 =	vnsel vm0, $0x0, v19  }
0xe0: {  	v38 =	vnsel vm0, $0x0, v16;
	v39 =	vnsel vm0, $0x0, v18;
	v34 =	vmul.f32 v34, v28  }
0xe1: {  	v31 =	vmul.f32 v31, v15;
	v28 =	vadd.s32 s12, v1;
	v35 =	vmul.f32 v35, v38  }
.Ltmp1:
0xe2: {  	vm1 =	vgt.s32 v28, $0x0;
	v29 =	vadd.f32 v34, v29;
	v34 =	vmul.f32 v36, v37;
	(pc) =	sbr.rel @p0 .LBB2_5-.Ltmp1, $4  }
0xe3: {  	v36 =	vnsel vm1, $0x0, v28;
	v32 =	vadd.f32 v35, v32;
	v35 =	vmul.f32 v30, v39  }
0xe4: {  	v33 =	vadd.f32 v34, v33;
	[tilespmem:v25+s28+$0x0] =	vst.idx.msk vm0, v29;
	v25 =	vadd.s32 v0, v36  }
0xe5: {  	v30 =	vadd.s32 v6, v36;
	[tilespmem:v26+s28+$0x0] =	vst.idx.msk vm0, v32;
	v26 =	vadd.s32 v4, v36  }
0xe6: {  	v31 =	vadd.f32 v35, v31;
	[tilespmem:v27+s28+$0x0] =	vst.idx.msk vm0, v33;
	v27 =	vadd.s32 v5, v36  }
0xe7: {  	_ =	sdelay $0x4  }
0xe8: {  	[tilespmem:v23+s28+$0x0] =	vst.idx.msk vm0, v31  }
0xe9: {  	v23 =	vld.idx.msk [tilespmem:v25+s26+$0x0], $0xffff  }
0xea: {  	v34 =	vld.idx.msk [tilespmem:v26+s26+$0x0], $0xffff  }
0xeb: {  	v35 =	vld.idx.msk [tilespmem:v27+s26+$0x0], $0xffff  }
0xec: {  	vm15 =	vgt.s32 v28, $0xFFFFFFFF;
	v28 =	vmul.f32 v32, v13;
	v36 =	vld.idx.msk [tilespmem:v30+s26+$0x0], $0xffff  }
0xed: {  	v51 =	vmul.f32 v33, v14;
	v29 =	vmul.f32 v29, v12;
	v52 =	vnsel vm15, $0x0, v17  }
0xee: {  	v37 =	vnsel vm15, $0x0, v16;
	v54 =	vnsel vm15, $0x0, v19;
	v23 =	vmul.f32 v23, v52  }
0xef: {  	s11 =	simm.s32 $0xF;
	v55 =	vnsel vm15, $0x0, v18;
	v31 =	vmul.f32 v31, v15;
	v53 =	vmul.f32 v34, v37  }
0xf0: {  	v57 =	vadd.s32 s11, v1;
	v29 =	vadd.f32 v23, v29;
	v23 =	vmul.f32 v35, v54  }
0xf1: {  	v58 =	vadd.s32 s11, v2;
	v56 =	vmul.f32 v36, v55;
	v28 =	vadd.f32 v53, v28  }
0xf2: {  	v32 =	vadd.f32 v23, v51;
	[tilespmem:v25+s28+$0x0] =	vst.idx.msk vm15, v29;
	v25 =	vadd.s32 v4, v57  }
0xf3: {  	[tilespmem:v26+s28+$0x0] =	vst.idx.msk vm15, v28;
	v26 =	vadd.f32 v56, v31  }
0xf4: {  	v59 =	vadd.s32 v5, v57;
	[tilespmem:v27+s28+$0x0] =	vst.idx.msk vm15, v32  }
0xf5: {  	v23 =	vadd.s32 v6, v57;
	[tilespmem:v30+s28+$0x0] =	vst.idx.msk vm15, v26  }
0xf6: {  	v27 =	vld.idx.msk [tilespmem:v58+s26+$0x0], $0xffff  }
0xf7: {  	v30 =	vld.idx.msk [tilespmem:v25+s26+$0x0], $0xffff;
	_ =	sdelay $0x1  }
0xf8: {  	v31 =	vld.idx.msk [tilespmem:v59+s26+$0x0], $0xffff  }
0xf9: {  	v60 =	vld.idx.msk [tilespmem:v23+s26+$0x0], $0xffff  }
0xfa: {  	v29 =	vmul.f32 v29, v12;
	v27 =	vmul.f32 v27, v17  }
0xfb: {  	s12 =	simm.s32 $0x10;
	v61 =	vmul.f32 v28, v13;
	v30 =	vmul.f32 v30, v16  }
0xfc: {  	v62 =	vadd.s32 s12, v1;
	v32 =	vmul.f32 v32, v14;
	v28 =	vadd.f32 v27, v29  }
0xfd: {  	v26 =	vmul.f32 v26, v15;
	v27 =	vmul.f32 v31, v19;
	v29 =	vadd.f32 v30, v61  }
0xfe: {  	v33 =	vadd.s32 v4, v62;
	v63 =	vmul.f32 v60, v18;
	[tilespmem:v58+s28+$0x0] =	vst.idx.msk $0xffff, v28  }
0xff: {  	v30 =	vadd.f32 v27, v32;
	[tilespmem:v25+s28+$0x0] =	vst.idx.msk $0xffff, v29;
	v25 =	vadd.s32 s12, v2  }
0x100: {  	v32 =	vadd.f32 v63, v26  }
0x101: {  	s11 =	simm.s32 $0x11;
	v31 =	vadd.s32 v6, v62;
	v27 =	vadd.s32 v5, v62;
	v26 =	vmov v33;
	[tilespmem:v59+s28+$0x0] =	vst.idx.msk $0xffff, v30  }
.LBB2_7:
0x102: {  	p0 =	sne.s32 s11, $0x63;
	[tilespmem:v23+s28+$0x0] =	vst.idx.msk $0xffff, v32;
	v23 =	vmov v31;
	s12 =	smov.u32 s11;
	s11 =	sadd.s32 $0x1, s11  }
0x103: {  	v31 =	vld.idx.msk [tilespmem:v33+s26+$0x0], $0xffff  }
0x104: {  	v33 =	vld.idx.msk [tilespmem:v25+s26+$0x0], $0xffff;
	_ =	sdelay $0x1  }
0x105: {  	v34 =	vld.idx.msk [tilespmem:v27+s26+$0x0], $0xffff  }
0x106: {  	v35 =	vld.idx.msk [tilespmem:v23+s26+$0x0], $0xffff;
	_ =	sdelay $0x1  }
0x107: {  	v32 =	vmul.f32 v32, v15;
	v31 =	vmul.f32 v31, v16  }
0x108: {  	v28 =	vmul.f32 v28, v12;
	v33 =	vmul.f32 v33, v17  }
0x109: {  	v29 =	vmul.f32 v29, v13;
	v30 =	vmul.f32 v30, v14  }
.Ltmp2:
0x10a: {  	v36 =	vadd.s32 s12, v1;
	v28 =	vadd.f32 v33, v28;
	v34 =	vmul.f32 v34, v19;
	(pc) =	sbr.rel @p0 .LBB2_7-.Ltmp2, $4  }
0x10b: {  	v29 =	vadd.f32 v31, v29;
	v33 =	vadd.s32 v4, v36;
	v35 =	vmul.f32 v35, v18  }
0x10c: {  	v31 =	vadd.s32 v6, v36;
	v30 =	vadd.f32 v34, v30;
	[tilespmem:v25+s28+$0x0] =	vst.idx.msk $0xffff, v28;
	v25 =	vadd.s32 s12, v2  }
0x10d: {  	v32 =	vadd.f32 v35, v32;
	[tilespmem:v26+s28+$0x0] =	vst.idx.msk $0xffff, v29;
	v26 =	vmov v33  }
0x10e: {  	[tilespmem:v27+s28+$0x0] =	vst.idx.msk $0xffff, v30;
	v27 =	vadd.s32 v5, v36  }
0x10f: {  	_ =	sdelay $0x3  }
0x110: {  	[tilespmem:v23+s28+$0x0] =	vst.idx.msk $0xffff, v32  }
0x111: {  	v60 =	vld.idx.msk [tilespmem:v25+s26+$0x0], $0xffff  }
0x112: {  	v23 =	vld.idx.msk [tilespmem:v33+s26+$0x0], $0xffff  }
0x113: {  	v34 =	vld.idx.msk [tilespmem:v27+s26+$0x0], $0xffff  }
0x114: {  	v35 =	vld.idx.msk [tilespmem:v31+s26+$0x0], $0xffff  }
0x115: {  	v28 =	vmul.f32 v28, v12  }
0x116: {  	v61 =	vmul.f32 v32, v15;
	v33 =	vmul.f32 v60, v17  }
0x117: {  	v29 =	vmul.f32 v29, v13;
	v23 =	vmul.f32 v23, v16  }
0x118: {  	v30 =	vmul.f32 v30, v14;
	s11 =	simm.s32 $0x64;
	v36 =	vadd.f32 v33, v28;
	v28 =	vmul.f32 v34, v19  }
0x119: {  	v62 =	vadd.s32 s11, v1;
	v29 =	vadd.f32 v23, v29;
	v23 =	vmul.f32 v35, v18  }
0x11a: {  	v34 =	vadd.f32 v28, v30;
	[tilespmem:v25+s28+$0x0] =	vst.idx.msk $0xffff, v36;
	v28 =	vadd.s32 s11, v7;
	v25 =	vadd.s32 v5, v62  }
0x11b: {  	v32 =	vadd.f32 v23, v61;
	v23 =	vmul.f32 v17, v20;
	[tilespmem:v26+s28+$0x0] =	vst.idx.msk $0xffff, v29;
	v26 =	vadd.s32 s11, v2  }
0x11c: {  	v20 =	vmul.f32 v16, v21;
	vm0 =	vgt.s32 v28, $0x0;
	[tilespmem:v27+s28+$0x0] =	vst.idx.msk $0xffff, v34;
	v27 =	vadd.s32 v4, v62  }
0x11d: {  	v21 =	vmul.f32 v19, v22;
	v63 =	vnsel vm0, $0x0, v28;
	v28 =	vadd.s32 v6, v62  }
0x11e: {  	v22 =	vmul.f32 v18, v24;
	v38 =	vadd.s32 v0, v63;
	[tilespmem:v31+s28+$0x0] =	vst.idx.msk $0xffff, v32  }
0x11f: {  	v33 =	vmul.f32 v29, v13;
	v37 =	vmul.f32 v36, v12;
	v40 =	vadd.s32 v4, v63;
	v41 =	vld.idx.msk [tilespmem:v25+s26+$0x0], $0xffff  }
0x120: {  	s11 =	simm.s32 $0x65;
	vm0 =	vgt.s32 v62, $0x63;
	v36 =	vmul.f32 v34, v14;
	v43 =	vadd.s32 v5, v63;
	v29 =	vld.idx.msk [tilespmem:v26+s26+$0x0], $0xffff  }
0x121: {  	v49 =	vadd.s32 s11, v7;
	v30 =	vnsel vm0, $0x0, v23;
	v44 =	vadd.s32 v6, v63;
	v48 =	vld.idx.msk [tilespmem:v27+s26+$0x0], $0xffff  }
0x122: {  	vm1 =	vmmov vm0;
	v32 =	vmul.f32 v32, v15;
	v31 =	vadd.s32 s11, v1;
	v42 =	vld.idx.msk [tilespmem:v28+s26+$0x0], $0xffff  }
0x123: {  	vm2 =	vgt.s32 v49, $0x0;
	v35 =	vnsel vm1, $0x0, v22;
	vm0 =	vgt.s32 v31, $0x63;
	v39 =	vld.idx.msk [tilespmem:v38+s26+$0x0], $0xffff  }
0x124: {  	v24 =	vadd.s32 v4, v31;
	v46 =	vnsel vm1, $0x0, v20;
	v34 =	vnsel vm0, $0x0, v23;
	v40 =	vld.idx.msk [tilespmem:v40+s26+$0x0], $0xffff  }
0x125: {  	v38 =	vnsel vm1, $0x0, v21;
	v43 =	vld.idx.msk [tilespmem:v43+s26+$0x0], $0xffff;
	v45 =	vmul.f32 v41, v19;
	v47 =	vmul.f32 v29, v17  }
0x126: {  	s12 =	simm.s32 $0x66;
	v44 =	vld.idx.msk [tilespmem:v44+s26+$0x0], $0xffff;
	v41 =	vnsel vm2, $0x0, v49;
	v29 =	vadd.s32 v5, v31;
	v48 =	vmul.f32 v48, v16  }
.LBB2_9:
0x127: {  	p0 =	sne.s32 s12, $0x72;
	v49 =	vadd.s32 v0, v41;
	v50 =	vadd.s32 v5, v41;
	v37 =	vadd.f32 v47, v37;
	s13 =	smov.u32 s12;
	s12 =	sadd.s32 $0x1, s12  }
0x128: {  	v47 =	vadd.s32 v4, v41;
	v39 =	vmul.f32 v39, v30;
	v30 =	vmovc v34;
	v33 =	vadd.f32 v48, v33  }
0x129: {  	v34 =	vmul.f32 v40, v46;
	v36 =	vadd.f32 v45, v36;
	v40 =	vmul.f32 v42, v18  }
0x12a: {  	v41 =	vadd.s32 v6, v41;
	v37 =	vsub.f32 v37, v39;
	v38 =	vmul.f32 v43, v38  }
0x12b: {  	v33 =	vsub.f32 v33, v34;
	v32 =	vadd.f32 v40, v32;
	v34 =	vmul.f32 v44, v35  }
0x12c: {  	vm1 =	vmmov vm0;
	v35 =	vsub.f32 v36, v38;
	[tilespmem:v26+s28+$0x0] =	vst.idx.msk $0xffff, v37;
	v26 =	vadd.s32 s11, v2;
	s11 =	smov.u32 s13  }
0x12d: {  	v34 =	vsub.f32 v32, v34;
	[tilespmem:v27+s28+$0x0] =	vst.idx.msk $0xffff, v33;
	v27 =	vmov v24  }
0x12e: {  	v33 =	vmul.f32 v33, v13;
	[tilespmem:v25+s28+$0x0] =	vst.idx.msk $0xffff, v35;
	v25 =	vmov v29  }
0x12f: {  	v32 =	vmul.f32 v34, v15;
	[tilespmem:v28+s28+$0x0] =	vst.idx.msk $0xffff, v34  }
0x130: {  	v37 =	vmul.f32 v37, v12;
	v28 =	vadd.s32 v6, v31;
	v29 =	vld.idx.msk [tilespmem:v29+s26+$0x0], $0xffff  }
0x131: {  	v36 =	vmul.f32 v35, v14;
	v46 =	vld.idx.msk [tilespmem:v26+s26+$0x0], $0xffff  }
0x132: {  	v48 =	vld.idx.msk [tilespmem:v24+s26+$0x0], $0xffff  }
0x133: {  	v39 =	vld.idx.msk [tilespmem:v49+s26+$0x0], $0xffff  }
.Ltmp3:
0x134: {  	v35 =	vnsel vm1, $0x0, v22;
	v31 =	vadd.s32 s11, v1;
	v40 =	vld.idx.msk [tilespmem:v47+s26+$0x0], $0xffff;
	(pc) =	sbr.rel @p0 .LBB2_9-.Ltmp3, $4  }
0x135: {  	v38 =	vnsel vm1, $0x0, v21;
	vm0 =	vgt.s32 v31, $0x63;
	v24 =	vadd.s32 v4, v31;
	v42 =	vld.idx.msk [tilespmem:v28+s26+$0x0], $0xffff  }
0x136: {  	v34 =	vnsel vm0, $0x0, v23;
	v49 =	vadd.s32 s11, v7;
	v45 =	vmul.f32 v29, v19;
	v43 =	vld.idx.msk [tilespmem:v50+s26+$0x0], $0xffff  }
0x137: {  	vm2 =	vgt.s32 v49, $0x0;
	v47 =	vmul.f32 v46, v17;
	v46 =	vnsel vm1, $0x0, v20;
	v44 =	vld.idx.msk [tilespmem:v41+s26+$0x0], $0xffff  }
0x138: {  	v29 =	vadd.s32 v5, v31;
	v41 =	vnsel vm2, $0x0, v49;
	v48 =	vmul.f32 v48, v16  }
0x139: {  	v37 =	vadd.f32 v47, v37;
	v30 =	vmul.f32 v39, v30  }
0x13a: {  	v54 =	vmul.f32 v40, v46;
	v33 =	vadd.f32 v48, v33;
	v55 =	vmul.f32 v42, v18  }
0x13b: {  	v36 =	vadd.f32 v45, v36;
	v30 =	vsub.f32 v37, v30;
	v56 =	vmul.f32 v43, v38  }
0x13c: {  	v33 =	vsub.f32 v33, v54;
	v32 =	vadd.f32 v55, v32;
	v35 =	vmul.f32 v44, v35  }
0x13d: {  	v57 =	vadd.s32 s11, v2;
	v36 =	vsub.f32 v36, v56;
	[tilespmem:v26+s28+$0x0] =	vst.idx.msk $0xffff, v30  }
0x13e: {  	v26 =	vsub.f32 v32, v35;
	[tilespmem:v27+s28+$0x0] =	vst.idx.msk $0xffff, v33  }
0x13f: {  	v31 =	vadd.s32 v6, v31;
	[tilespmem:v25+s28+$0x0] =	vst.idx.msk $0xffff, v36  }
0x140: {  	v27 =	vadd.s32 v0, v41;
	[tilespmem:v28+s28+$0x0] =	vst.idx.msk $0xffff, v26  }
0x141: {  	v25 =	vadd.s32 v4, v41;
	v28 =	vld.idx.msk [tilespmem:v29+s26+$0x0], $0xffff  }
0x142: {  	v59 =	vadd.s32 v5, v41;
	v58 =	vld.idx.msk [tilespmem:v57+s26+$0x0], $0xffff  }
0x143: {  	v61 =	vadd.s32 v6, v41;
	v60 =	vld.idx.msk [tilespmem:v24+s26+$0x0], $0xffff  }
0x144: {  	v62 =	vld.idx.msk [tilespmem:v31+s26+$0x0], $0xffff  }
0x145: {  	vm0 =	vmmov vm0;
	v27 =	vld.idx.msk [tilespmem:v27+s26+$0x0], $0xffff  }
0x146: {  	v63 =	vnsel vm0, $0x0, v22;
	v45 =	vnsel vm0, $0x0, v20;
	v25 =	vld.idx.msk [tilespmem:v25+s26+$0x0], $0xffff  }
0x147: {  	s12 =	simm.s32 $0x73;
	v48 =	vnsel vm0, $0x0, v21;
	v30 =	vmul.f32 v30, v12;
	v33 =	vmul.f32 v33, v13;
	v35 =	vld.idx.msk [tilespmem:v59+s26+$0x0], $0xffff  }
0x148: {  	v50 =	vadd.s32 s12, v1;
	v36 =	vmul.f32 v36, v14;
	v39 =	vld.idx.msk [tilespmem:v61+s26+$0x0], $0xffff;
	v32 =	vmul.f32 v58, v17  }
0x149: {  	v51 =	vadd.s32 s12, v8;
	v26 =	vmul.f32 v26, v15;
	v37 =	vmul.f32 v60, v16  }
0x14a: {  	v28 =	vmul.f32 v28, v19;
	v30 =	vadd.f32 v32, v30;
	v27 =	vmul.f32 v27, v34  }
0x14b: {  	v47 =	vmul.f32 v62, v18;
	v46 =	vadd.f32 v37, v33;
	v25 =	vmul.f32 v25, v45  }
0x14c: {  	v28 =	vadd.f32 v28, v36;
	v30 =	vsub.f32 v30, v27;
	v27 =	vmul.f32 v35, v48  }
0x14d: {  	v49 =	vmul.f32 v39, v63;
	v26 =	vadd.f32 v47, v26;
	v32 =	vsub.f32 v46, v25  }
0x14e: {  	v25 =	vadd.s32 v5, v50;
	v28 =	vsub.f32 v28, v27;
	[tilespmem:v57+s28+$0x0] =	vst.idx.msk $0xffff, v30  }
0x14f: {  	v33 =	vsub.f32 v26, v49;
	[tilespmem:v24+s28+$0x0] =	vst.idx.msk $0xffff, v32;
	v24 =	vadd.s32 s12, v2  }
0x150: {  	v26 =	vadd.s32 v4, v50;
	[tilespmem:v29+s28+$0x0] =	vst.idx.msk $0xffff, v28  }
0x151: {  	v27 =	vadd.s32 v6, v50;
	[tilespmem:v31+s28+$0x0] =	vst.idx.msk $0xffff, v33  }
0x152: {  	v29 =	vadd.s32 s12, v9;
	v31 =	vld.idx.msk [tilespmem:v51+s26+$0x0], $0xffff  }
0x153: {  	v55 =	vadd.s32 s12, v10;
	v52 =	vld.idx.msk [tilespmem:v25+s26+$0x0], $0xffff  }
0x154: {  	v58 =	vadd.s32 s12, v11;
	v53 =	vld.idx.msk [tilespmem:v24+s26+$0x0], $0xffff  }
0x155: {  	v54 =	vld.idx.msk [tilespmem:v26+s26+$0x0], $0xffff  }
0x156: {  	s11 =	simm.s32 $0x74;
	v59 =	vld.idx.msk [tilespmem:v27+s26+$0x0], $0xffff  }
0x157: {  	v61 =	vadd.s32 s11, v1;
	v62 =	vmul.f32 v30, v12;
	v60 =	vmul.f32 v32, v13;
	v56 =	vld.idx.msk [tilespmem:v29+s26+$0x0], $0xffff  }
0x158: {  	v32 =	vmul.f32 v33, v15;
	v57 =	vmul.f32 v28, v14;
	v28 =	vadd.s32 v6, v61;
	v33 =	vld.idx.msk [tilespmem:v55+s26+$0x0], $0xffff  }
0x159: {  	v34 =	vld.idx.msk [tilespmem:v58+s26+$0x0], $0xffff;
	v29 =	vadd.s32 v4, v61;
	v30 =	vmul.f32 v52, v19;
	v63 =	vmul.f32 v53, v17  }
0x15a: {  	v36 =	vmul.f32 v31, v23;
	v37 =	vmul.f32 v54, v16;
	v31 =	vadd.s32 s11, v2  }
0x15b: {  	v40 =	vmul.f32 v59, v18;
	v35 =	vadd.f32 v30, v57;
	v38 =	vadd.f32 v63, v62  }
0x15c: {  	s12 =	simm.s32 $0x75;
	v30 =	vadd.s32 v5, v61;
	v37 =	vadd.f32 v37, v60;
	v39 =	vmul.f32 v56, v20  }
.LBB2_11:
0x15d: {  	p0 =	sne.s32 s12, $0x7F;
	v41 =	vadd.s32 s11, v8;
	v36 =	vsub.f32 v38, v36;
	v33 =	vmul.f32 v33, v21;
	s13 =	smov.u32 s12;
	s12 =	sadd.s32 $0x1, s12  }
0x15e: {  	v34 =	vmul.f32 v34, v22;
	v37 =	vsub.f32 v37, v39;
	v32 =	vadd.f32 v40, v32  }
0x15f: {  	v33 =	vsub.f32 v35, v33;
	[tilespmem:v24+s28+$0x0] =	vst.idx.msk $0xffff, v36;
	v24 =	vmov v31  }
0x160: {  	v31 =	vsub.f32 v32, v34;
	[tilespmem:v26+s28+$0x0] =	vst.idx.msk $0xffff, v37;
	v26 =	vmov v29  }
0x161: {  	[tilespmem:v25+s28+$0x0] =	vst.idx.msk $0xffff, v33;
	v25 =	vmov v30  }
0x162: {  	v29 =	vadd.s32 s11, v9;
	[tilespmem:v27+s28+$0x0] =	vst.idx.msk $0xffff, v31;
	v27 =	vmov v28  }
0x163: {  	v35 =	vld.idx.msk [tilespmem:v41+s26+$0x0], $0xffff  }
0x164: {  	v28 =	vld.idx.msk [tilespmem:v30+s26+$0x0], $0xffff;
	v30 =	vadd.s32 s11, v10  }
0x165: {  	v34 =	vadd.s32 s11, v11;
	s11 =	smov.u32 s13;
	v38 =	vld.idx.msk [tilespmem:v24+s26+$0x0], $0xffff  }
0x166: {  	v39 =	vld.idx.msk [tilespmem:v26+s26+$0x0], $0xffff  }
0x167: {  	v40 =	vld.idx.msk [tilespmem:v29+s26+$0x0], $0xffff  }
0x168: {  	v42 =	vmul.f32 v33, v14;
	v41 =	vld.idx.msk [tilespmem:v27+s26+$0x0], $0xffff  }
0x169: {  	v37 =	vmul.f32 v37, v13;
	v32 =	vmul.f32 v31, v15;
	v33 =	vld.idx.msk [tilespmem:v30+s26+$0x0], $0xffff  }
.Ltmp4:
0x16a: {  	v43 =	vmul.f32 v36, v12;
	v30 =	vadd.s32 s11, v1;
	v31 =	vmul.f32 v28, v19;
	v34 =	vld.idx.msk [tilespmem:v34+s26+$0x0], $0xffff;
	(pc) =	sbr.rel @p0 .LBB2_11-.Ltmp4, $4  }
0x16b: {  	v29 =	vadd.s32 v4, v30;
	v28 =	vadd.s32 v6, v30;
	v38 =	vmul.f32 v38, v17  }
0x16c: {  	v36 =	vmul.f32 v35, v23;
	v39 =	vmul.f32 v39, v16;
	v35 =	vadd.f32 v31, v42  }
0x16d: {  	v30 =	vadd.s32 v5, v30;
	v31 =	vadd.s32 s11, v2;
	v38 =	vadd.f32 v38, v43  }
0x16e: {  	v37 =	vadd.f32 v39, v37;
	v39 =	vmul.f32 v40, v20;
	v40 =	vmul.f32 v41, v18  }
0x16f: {  	_ =	sdelay $0x1  }
0x170: {  	v41 =	vadd.s32 s11, v8;
	v36 =	vsub.f32 v38, v36;
	v33 =	vmul.f32 v33, v21  }
0x171: {  	v34 =	vmul.f32 v34, v22;
	v37 =	vsub.f32 v37, v39;
	v32 =	vadd.f32 v40, v32  }
0x172: {  	v33 =	vsub.f32 v35, v33;
	[tilespmem:v24+s28+$0x0] =	vst.idx.msk $0xffff, v36  }
0x173: {  	v24 =	vsub.f32 v32, v34;
	[tilespmem:v26+s28+$0x0] =	vst.idx.msk $0xffff, v37  }
0x174: {  	[tilespmem:v25+s28+$0x0] =	vst.idx.msk $0xffff, v33  }
0x175: {  	[tilespmem:v27+s28+$0x0] =	vst.idx.msk $0xffff, v24  }
0x176: {  	v25 =	vadd.s32 s11, v9;
	v26 =	vld.idx.msk [tilespmem:v41+s26+$0x0], $0xffff  }
0x177: {  	v50 =	vadd.s32 s11, v10;
	v27 =	vld.idx.msk [tilespmem:v30+s26+$0x0], $0xffff  }
0x178: {  	v52 =	vadd.s32 s11, v11;
	v51 =	vld.idx.msk [tilespmem:v31+s26+$0x0], $0xffff  }
0x179: {  	v53 =	vld.idx.msk [tilespmem:v29+s26+$0x0], $0xffff  }
0x17a: {  	s12 =	simm.s32 $0x80;
	v54 =	vld.idx.msk [tilespmem:v28+s26+$0x0], $0xffff  }
0x17b: {  	v59 =	vadd.s32 s12, v1;
	v25 =	vld.idx.msk [tilespmem:v25+s26+$0x0], $0xffff  }
0x17c: {  	v63 =	vadd.s32 s12, v8;
	v36 =	vmul.f32 v36, v12;
	v37 =	vmul.f32 v37, v13;
	v32 =	vld.idx.msk [tilespmem:v50+s26+$0x0], $0xffff  }
0x17d: {  	vm0 =	vlt.s32 v59, $0x7F;
	v33 =	vmul.f32 v33, v14;
	v35 =	vld.idx.msk [tilespmem:v52+s26+$0x0], $0xffff;
	v34 =	vmul.f32 v51, v17  }
0x17e: {  	v62 =	vnsel vm0, $0x7F, v59;
	v24 =	vmul.f32 v24, v15;
	v38 =	vmul.f32 v53, v16  }
0x17f: {  	v27 =	vmul.f32 v27, v19;
	v26 =	vmul.f32 v26, v23;
	v55 =	vadd.f32 v34, v36  }
0x180: {  	v57 =	vmul.f32 v54, v18;
	v56 =	vadd.f32 v38, v37;
	v25 =	vmul.f32 v25, v20  }
0x181: {  	v27 =	vadd.f32 v27, v33;
	v58 =	vsub.f32 v55, v26;
	v26 =	vmul.f32 v32, v21  }
0x182: {  	v61 =	vmul.f32 v35, v22;
	v60 =	vsub.f32 v56, v25;
	v25 =	vadd.f32 v57, v24  }
0x183: {  	v24 =	vadd.s32 v5, v62;
	v42 =	vsub.f32 v27, v26;
	[tilespmem:v31+s28+$0x0] =	vst.idx.msk $0xffff, v58  }
0x184: {  	v44 =	vadd.s32 s12, v11;
	v31 =	vsub.f32 v25, v61;
	[tilespmem:v29+s28+$0x0] =	vst.idx.msk $0xffff, v60  }
0x185: {  	v26 =	vadd.s32 v0, v62;
	[tilespmem:v30+s28+$0x0] =	vst.idx.msk $0xffff, v42  }
0x186: {  	v27 =	vadd.s32 v4, v62;
	[tilespmem:v28+s28+$0x0] =	vst.idx.msk $0xffff, v31  }
0x187: {  	v25 =	vadd.s32 v6, v62;
	v33 =	vld.idx.msk [tilespmem:v63+s26+$0x0], $0xffff  }
0x188: {  	v28 =	vadd.s32 s12, v9;
	v43 =	vld.idx.msk [tilespmem:v24+s26+$0x0], $0xffff  }
0x189: {  	s11 =	simm.s32 $0x81;
	v30 =	vadd.s32 s12, v10;
	v39 =	vld.idx.msk [tilespmem:v44+s26+$0x0], $0xffff  }
0x18a: {  	vm0 =	vlt.s32 v59, $0x80;
	v29 =	vadd.s32 s11, v1;
	v35 =	vld.idx.msk [tilespmem:v26+s26+$0x0], $0xffff  }
0x18b: {  	vm0 =	vmmov vm0;
	vm2 =	vlt.s32 v29, $0x7F;
	v36 =	vld.idx.msk [tilespmem:v27+s26+$0x0], $0xffff  }
0x18c: {  	v32 =	vmul.f32 v58, v12;
	v41 =	vmul.f32 v60, v13;
	v34 =	vnsel vm2, $0x7F, v29;
	v37 =	vld.idx.msk [tilespmem:v25+s26+$0x0], $0xffff  }
0x18d: {  	vm1 =	vlt.s32 v29, $0x80;
	v42 =	vmul.f32 v42, v14;
	v29 =	vadd.s32 v0, v34;
	v38 =	vld.idx.msk [tilespmem:v28+s26+$0x0], $0xffff  }
0x18e: {  	s12 =	simm.s32 $0x82;
	v40 =	vld.idx.msk [tilespmem:v30+s26+$0x0], $0xffff;
	v30 =	vadd.s32 v4, v34;
	v28 =	vadd.s32 v5, v34;
	v43 =	vmul.f32 v43, v19  }
.LBB2_13:
0x18f: {  	p0 =	sne.s32 s12, $0x8E;
	v35 =	vmul.f32 v35, v17;
	v31 =	vmul.f32 v31, v15;
	s13 =	smov.u32 s12;
	s12 =	sadd.s32 $0x1, s12  }
0x190: {  	v34 =	vadd.s32 v6, v34;
	v36 =	vmul.f32 v36, v16;
	v42 =	vadd.f32 v43, v42  }
0x191: {  	v33 =	vmul.f32 v33, v23;
	v32 =	vadd.f32 v35, v32;
	v35 =	vmul.f32 v37, v18  }
0x192: {  	v36 =	vadd.f32 v36, v41;
	v37 =	vmul.f32 v38, v20  }
0x193: {  	v38 =	vmul.f32 v40, v21;
	v33 =	vsub.f32 v32, v33;
	v31 =	vadd.f32 v35, v31  }
0x194: {  	v35 =	vadd.s32 s11, v8;
	v41 =	vsub.f32 v36, v37;
	v36 =	vmul.f32 v39, v22  }
0x195: {  	v42 =	vsub.f32 v42, v38;
	v32 =	vmul.f32 v33, v12;
	[tilespmem:v26+s28+$0x0] =	vst.idx.msk vm0, v33;
	v26 =	vmov v29  }
0x196: {  	v31 =	vsub.f32 v31, v36;
	[tilespmem:v27+s28+$0x0] =	vst.idx.msk vm0, v41;
	v27 =	vmov v30  }
0x197: {  	[tilespmem:v24+s28+$0x0] =	vst.idx.msk vm0, v42;
	v24 =	vmov v28  }
0x198: {  	[tilespmem:v25+s28+$0x0] =	vst.idx.msk vm0, v31;
	v25 =	vmov v34;
	vm0 =	vmmov vm1  }
0x199: {  	v29 =	vadd.s32 s11, v9;
	v33 =	vld.idx.msk [tilespmem:v35+s26+$0x0], $0xffff  }
0x19a: {  	v30 =	vadd.s32 s11, v10;
	v43 =	vld.idx.msk [tilespmem:v28+s26+$0x0], $0xffff  }
0x19b: {  	v39 =	vadd.s32 s11, v11;
	s11 =	smov.u32 s13;
	v35 =	vld.idx.msk [tilespmem:v26+s26+$0x0], $0xffff  }
.Ltmp5:
0x19c: {  	v28 =	vadd.s32 s11, v1;
	v36 =	vld.idx.msk [tilespmem:v27+s26+$0x0], $0xffff;
	(pc) =	sbr.rel @p0 .LBB2_13-.Ltmp5, $4  }
0x19d: {  	vm1 =	vlt.s32 v28, $0x80;
	vm2 =	vlt.s32 v28, $0x7F;
	v37 =	vld.idx.msk [tilespmem:v34+s26+$0x0], $0xffff  }
0x19e: {  	v34 =	vnsel vm2, $0x7F, v28;
	v38 =	vld.idx.msk [tilespmem:v29+s26+$0x0], $0xffff  }
0x19f: {  	v41 =	vmul.f32 v41, v13;
	v29 =	vadd.s32 v0, v34;
	v28 =	vadd.s32 v5, v34;
	v40 =	vld.idx.msk [tilespmem:v30+s26+$0x0], $0xffff  }
0x1a0: {  	v42 =	vmul.f32 v42, v14;
	v30 =	vadd.s32 v4, v34;
	v43 =	vmul.f32 v43, v19;
	v39 =	vld.idx.msk [tilespmem:v39+s26+$0x0], $0xffff  }
0x1a1: {  	v35 =	vmul.f32 v35, v17  }
0x1a2: {  	v31 =	vmul.f32 v31, v15;
	v36 =	vmul.f32 v36, v16  }
0x1a3: {  	v33 =	vmul.f32 v33, v23;
	v62 =	vmul.f32 v37, v18;
	v32 =	vadd.f32 v35, v32  }
0x1a4: {  	v63 =	vadd.f32 v43, v42;
	v36 =	vadd.f32 v36, v41;
	v38 =	vmul.f32 v38, v20  }
0x1a5: {  	v43 =	vadd.s32 s11, v8;
	v42 =	vmul.f32 v40, v21;
	v32 =	vsub.f32 v32, v33  }
0x1a6: {  	v31 =	vadd.f32 v62, v31;
	v36 =	vsub.f32 v36, v38;
	v44 =	vmul.f32 v39, v22  }
0x1a7: {  	v33 =	vsub.f32 v63, v42;
	[tilespmem:v26+s28+$0x0] =	vst.idx.msk vm0, v32  }
0x1a8: {  	v26 =	vsub.f32 v31, v44;
	[tilespmem:v27+s28+$0x0] =	vst.idx.msk vm0, v36  }
0x1a9: {  	[tilespmem:v24+s28+$0x0] =	vst.idx.msk vm0, v33  }
0x1aa: {  	v27 =	vadd.s32 s11, v9;
	[tilespmem:v25+s28+$0x0] =	vst.idx.msk vm0, v26  }
0x1ab: {  	v24 =	vadd.s32 v6, v34;
	v25 =	vld.idx.msk [tilespmem:v43+s26+$0x0], $0xffff  }
0x1ac: {  	v45 =	vadd.s32 s11, v10;
	v31 =	vld.idx.msk [tilespmem:v28+s26+$0x0], $0xffff  }
0x1ad: {  	v47 =	vadd.s32 s11, v11;
	v46 =	vld.idx.msk [tilespmem:v29+s26+$0x0], $0xffff  }
0x1ae: {  	v48 =	vld.idx.msk [tilespmem:v30+s26+$0x0], $0xffff  }
0x1af: {  	v27 =	vld.idx.msk [tilespmem:v27+s26+$0x0], $0xffff  }
0x1b0: {  	v49 =	vld.idx.msk [tilespmem:v24+s26+$0x0], $0xffff  }
0x1b1: {  	v12 =	vmul.f32 v32, v12;
	v13 =	vmul.f32 v36, v13;
	v50 =	vld.idx.msk [tilespmem:v45+s26+$0x0], $0xffff  }
0x1b2: {  	v14 =	vmul.f32 v33, v14;
	v51 =	vld.idx.msk [tilespmem:v47+s26+$0x0], $0xffff;
	v17 =	vmul.f32 v46, v17  }
0x1b3: {  	v15 =	vmul.f32 v26, v15;
	v16 =	vmul.f32 v48, v16  }
0x1b4: {  	v19 =	vmul.f32 v31, v19;
	v12 =	vadd.f32 v17, v12;
	v17 =	vmul.f32 v25, v23  }
0x1b5: {  	v13 =	vadd.f32 v16, v13;
	v16 =	vmul.f32 v27, v20;
	v18 =	vmul.f32 v49, v18  }
0x1b6: {  	v14 =	vadd.f32 v19, v14;
	v12 =	vsub.f32 v12, v17;
	v17 =	vmul.f32 v50, v21  }
0x1b7: {  	v13 =	vsub.f32 v13, v16;
	v16 =	vmul.f32 v51, v22;
	v15 =	vadd.f32 v18, v15  }
0x1b8: {  	v14 =	vsub.f32 v14, v17;
	[tilespmem:v29+s28+$0x0] =	vst.idx.msk vm1, v12  }
0x1b9: {  	v12 =	vsub.f32 v15, v16;
	[tilespmem:v30+s28+$0x0] =	vst.idx.msk vm1, v13  }
0x1ba: {  	p0 =	seq.s32 s0, $0x29;
	[tilespmem:v28+s28+$0x0] =	vst.idx.msk vm1, v14  }
0x1bb: {  	s9 =	sadd.s32 @!p0 $0x100, s9;
	[tilespmem:v24+s28+$0x0] =	vst.idx.msk vm1, v12  }
0x1bc: {  	[spmem:s5] =	stream.indirect.scatter.add.f32 [tilespmem:s28], [sflag:$0x3], $0x80, s10, s25, $0xb8;
	[tilespmem:$0x1F080] =	vst v63  }
0x1bd: {  	s10 =	sand.u32 @!p0 $0x7C00, s9  }
0x1be: {  	s9 =	sand.u32 @!p0 $0x300, s9;
	s10 =	sadd.s32 @!p0 s6, s10  }
0x1bf: {  	_ =	swait.ge [sflag:s22], $0x2000;
	s9 =	sor.u32 @!p0 s9, s10  }
0x1c0: {  	s11 =	simm.s32 @!p0 $0x2780;
	[sflag:s22] =	ssyncset.done $0x0;
	s9 =	sshrl.u32 @!p0 s9, $0x3  }
0x1c1: {  	s10 =	simm.s32 @!p0 $0x0;
	[sflag:s22] =	ssyncadd.s32 $0xFFFFE000;
	s9 =	sadd.s32 @!p0 s4, s9  }
0x1c2: {  	[tilespmem:s11], [sflag:$0x3] =	stream.linear.gather @!p0 [hbm4b:s9+s10], $0x80, $0x38;
	[tilespmem:$0x1F080] =	vst v63  }
0x1c3: {  	s9 =	simm.s32 @!p0 $0x3  }
0x1c4: {  	_ =	swait.ge @!p0 [sflag:s9], $0x80  }
0x1c5: {  	[sflag:s9] =	ssyncset.done @!p0 $0x0  }
0x1c6: {  	s10 =	simm.s32 @!p0 $0x5480;
	[sflag:s9] =	ssyncadd.s32 @!p0 $0xFFFFFF80;
	s9 =	simm.s32 @!p0 $0x40  }
0x1c7: {  	[tilespmem:s10], [sflag:$0x1] =	stream.indirect.gather @!p0 [hbm4b:s1+s9], $0x80, s11, s9, $0xb8;
	[tilespmem:$0x1F080] =	vst v63  }
0x1c8: {  	_ =	swait.ge [sflag:s3], $0x2000  }
0x1c9: {  	[sflag:s3] =	ssyncset.done $0x0  }
0x1ca: {  	[sflag:s3] =	ssyncadd.s32 $0xFFFFE000  }
0x1cb: {  	v12 =	vld [tilespmem:$0x2800]  }
0x1cc: {  	v13 =	vld [tilespmem:s24+$0x2880];
	_ =	sdelay $0x5  }
0x1cd: {  	s12 =	simm.s32 $0x0  }
0x1ce: {  	v12 =	vld.idx.msk [tilespmem:v12+s12+$0x0], $0xffff  }
0x1cf: {  	v13 =	vld.idx.msk [tilespmem:v13+s12+$0x0], $0xffff;
	_ =	sdelay $0x4  }
0x1d0: {  	v12 =	vadd.f32 v13, v12;
	_ =	sdelay $0x1  }
0x1d1: {  	(erf) = vrcp.f32 v12;
	_ =	sdelay $0x8  }
0x1d2: {  	v12 =	vpop (erf)  }
0x1d3: {  	v16 =	vadd.f32 v12, v12;
	_ =	sdelay $0x1  }
0x1d4: {  	v12 =	vsub.f32 $0.0e+00, v16;
	_ =	sdelay $0x1  }
0x1d5: {  	v12 =	vmul.f32 $1.442695020e+00, v12;
	_ =	sdelay $0x1  }
0x1d6: {  	(erf) = vpow2.f32 v12;
	_ =	sdelay $0x2  }
0x1d7: {  	v12 =	vmul.f32 $-1.000000000e+02, v16;
	_ =	sdelay $0x1  }
0x1d8: {  	v12 =	vmul.f32 $1.442695020e+00, v12;
	_ =	sdelay $0x2  }
0x1d9: {  	(erf) = vpow2.f32 v12  }
0x1da: {  	v12 =	vpop (erf)  }
0x1db: {  	v13 =	vsub.f32 $1.000000000e+00, v12  }
0x1dc: {  	v14 =	vld [tilespmem:$0x2810]  }
0x1dd: {  	(erf) = vrcp.f32 v13;
	v13 =	vld [tilespmem:s24+$0x2890];
	_ =	sdelay $0x4  }
0x1de: {  	v20 =	vpop (erf)  }
0x1df: {  	v15 =	vsub.f32 $1.000000000e+00, v20  }
0x1e0: {  	v14 =	vld.idx.msk [tilespmem:v14+s12+$0x0], $0xffff  }
0x1e1: {  	v15 =	vmul.f32 v15, v16;
	v13 =	vld.idx.msk [tilespmem:v13+s12+$0x0], $0xffff  }
0x1e2: {  	v17 =	vpop (erf)  }
0x1e3: {  	v15 =	vmul.f32 v17, v15;
	_ =	sdelay $0x1  }
0x1e4: {  	v15 =	vadd.f32 $9.999999930e-09, v15  }
0x1e5: {  	v13 =	vadd.f32 v13, v14  }
0x1e6: {  	(erf) = vrcp.f32 v15  }
0x1e7: {  	(erf) = vrcp.f32 v13;
	_ =	sdelay $0x7  }
0x1e8: {  	v17 =	vpop (erf)  }
0x1e9: {  	v13 =	vpop (erf)  }
0x1ea: {  	v18 =	vadd.f32 v13, v13;
	_ =	sdelay $0x1  }
0x1eb: {  	v13 =	vsub.f32 $0.0e+00, v18;
	_ =	sdelay $0x1  }
0x1ec: {  	v13 =	vmul.f32 $1.442695020e+00, v13;
	_ =	sdelay $0x1  }
0x1ed: {  	(erf) = vpow2.f32 v13;
	_ =	sdelay $0x2  }
0x1ee: {  	v13 =	vmul.f32 $-1.000000000e+02, v18;
	_ =	sdelay $0x1  }
0x1ef: {  	v13 =	vmul.f32 $1.442695020e+00, v13;
	_ =	sdelay $0x2  }
0x1f0: {  	(erf) = vpow2.f32 v13  }
0x1f1: {  	v13 =	vpop (erf)  }
0x1f2: {  	v14 =	vsub.f32 $1.000000000e+00, v13  }
0x1f3: {  	v15 =	vld [tilespmem:$0x2820]  }
0x1f4: {  	(erf) = vrcp.f32 v14;
	v14 =	vld [tilespmem:s24+$0x28A0];
	_ =	sdelay $0x4  }
0x1f5: {  	v21 =	vpop (erf)  }
0x1f6: {  	v19 =	vsub.f32 $1.000000000e+00, v21  }
0x1f7: {  	v15 =	vld.idx.msk [tilespmem:v15+s12+$0x0], $0xffff  }
0x1f8: {  	v19 =	vmul.f32 v19, v18;
	v14 =	vld.idx.msk [tilespmem:v14+s12+$0x0], $0xffff  }
0x1f9: {  	v22 =	vpop (erf)  }
0x1fa: {  	v19 =	vmul.f32 v22, v19;
	_ =	sdelay $0x1  }
0x1fb: {  	v19 =	vadd.f32 $9.999999930e-09, v19  }
0x1fc: {  	v14 =	vadd.f32 v14, v15  }
0x1fd: {  	(erf) = vrcp.f32 v19  }
0x1fe: {  	(erf) = vrcp.f32 v14;
	_ =	sdelay $0x7  }
0x1ff: {  	v19 =	vpop (erf)  }
0x200: {  	v14 =	vpop (erf)  }
0x201: {  	v25 =	vadd.f32 v14, v14;
	_ =	sdelay $0x1  }
0x202: {  	v14 =	vsub.f32 $0.0e+00, v25;
	_ =	sdelay $0x1  }
0x203: {  	v14 =	vmul.f32 $1.442695020e+00, v14;
	_ =	sdelay $0x1  }
0x204: {  	(erf) = vpow2.f32 v14;
	_ =	sdelay $0x2  }
0x205: {  	v14 =	vmul.f32 $-1.000000000e+02, v25;
	_ =	sdelay $0x1  }
0x206: {  	v14 =	vmul.f32 $1.442695020e+00, v14;
	_ =	sdelay $0x2  }
0x207: {  	(erf) = vpow2.f32 v14  }
0x208: {  	v14 =	vpop (erf)  }
0x209: {  	v15 =	vsub.f32 $1.000000000e+00, v14  }
0x20a: {  	v23 =	vld [tilespmem:$0x2830]  }
0x20b: {  	(erf) = vrcp.f32 v15;
	v15 =	vld [tilespmem:s24+$0x28B0];
	_ =	sdelay $0x4  }
0x20c: {  	v22 =	vpop (erf)  }
0x20d: {  	v24 =	vsub.f32 $1.000000000e+00, v22  }
0x20e: {  	v23 =	vld.idx.msk [tilespmem:v23+s12+$0x0], $0xffff  }
0x20f: {  	v24 =	vmul.f32 v24, v25;
	v15 =	vld.idx.msk [tilespmem:v15+s12+$0x0], $0xffff  }
0x210: {  	v26 =	vpop (erf)  }
0x211: {  	v24 =	vmul.f32 v26, v24;
	_ =	sdelay $0x1  }
0x212: {  	v24 =	vadd.f32 $9.999999930e-09, v24  }
0x213: {  	v15 =	vadd.f32 v15, v23  }
0x214: {  	(erf) = vrcp.f32 v24  }
0x215: {  	(erf) = vrcp.f32 v15;
	_ =	sdelay $0x7  }
0x216: {  	v26 =	vpop (erf)  }
0x217: {  	v15 =	vpop (erf)  }
0x218: {  	v27 =	vadd.f32 v15, v15;
	_ =	sdelay $0x1  }
0x219: {  	v15 =	vsub.f32 $0.0e+00, v27;
	_ =	sdelay $0x1  }
0x21a: {  	v15 =	vmul.f32 $1.442695020e+00, v15;
	_ =	sdelay $0x1  }
0x21b: {  	(erf) = vpow2.f32 v15;
	_ =	sdelay $0x2  }
0x21c: {  	v15 =	vmul.f32 $-1.000000000e+02, v27;
	_ =	sdelay $0x1  }
0x21d: {  	v15 =	vmul.f32 $1.442695020e+00, v15;
	_ =	sdelay $0x2  }
0x21e: {  	(erf) = vpow2.f32 v15  }
0x21f: {  	v15 =	vpop (erf)  }
0x220: {  	v23 =	vsub.f32 $1.000000000e+00, v15;
	_ =	sdelay $0x1  }
0x221: {  	(erf) = vrcp.f32 v23;
	_ =	sdelay $0x4  }
0x222: {  	v24 =	vpop (erf)  }
0x223: {  	v23 =	vsub.f32 $1.000000000e+00, v24;
	_ =	sdelay $0x1  }
0x224: {  	v23 =	vmul.f32 v23, v27  }
0x225: {  	v28 =	vpop (erf)  }
0x226: {  	v23 =	vmul.f32 v28, v23;
	_ =	sdelay $0x1  }
0x227: {  	vm0 =	vmmov vm1;
	v28 =	vadd.s32 s12, v1;
	v23 =	vadd.f32 $9.999999930e-09, v23  }
0x228: {  	vm0 =	vgt.s32 v28, $0x0  }
0x229: {  	(erf) = vrcp.f32 v23;
	v23 =	vnsel vm0, $0x0, v28  }
0x22a: {  	v30 =	vadd.s32 v0, v23  }
0x22b: {  	v31 =	vadd.s32 v4, v23  }
0x22c: {  	v52 =	vadd.s32 v5, v23;
	_ =	sdelay $0x1  }
0x22d: {  	v23 =	vadd.s32 v6, v23  }
0x22e: {  	v29 =	vld.idx.msk [tilespmem:v30+s30+$0x0], $0xffff  }
0x22f: {  	v17 =	vmul.f32 v17, v16;
	v53 =	vld.idx.msk [tilespmem:v31+s30+$0x0], $0xffff  }
0x230: {  	v54 =	vimm.f32 $0.0e+00;
	v16 =	vmul.f32 v19, v18;
	v19 =	vmul.f32 v26, v25;
	v25 =	vld.idx.msk [tilespmem:v52+s30+$0x0], $0xffff  }
0x231: {  	v56 =	vmul.f32 v54, v12  }
0x232: {  	v55 =	vmul.f32 v54, v14;
	v60 =	vmul.f32 v54, v15;
	vm0 =	vgt.s32 v28, $0xFFFFFFFF;
	v26 =	vld.idx.msk [tilespmem:v23+s30+$0x0], $0xffff;
	v18 =	vpop (erf)  }
0x233: {  	v28 =	vnsel vm0, $0x0, v17;
	v57 =	vnsel vm0, $0x0, v19;
	v18 =	vmul.f32 v18, v27  }
0x234: {  	s13 =	simm.s32 $0x1;
	v58 =	vnsel vm0, $0x0, v16;
	v27 =	vmul.f32 v54, v13;
	v29 =	vmul.f32 v29, v28  }
0x235: {  	v28 =	vadd.s32 s13, v1;
	v32 =	vmul.f32 v53, v58;
	v61 =	vmul.f32 v25, v57  }
0x236: {  	v59 =	vnsel vm0, $0x0, v18;
	vm1 =	vgt.s32 v28, $0x0;
	v29 =	vadd.f32 v29, v56  }
0x237: {  	v62 =	vnsel vm1, $0x0, v28;
	v32 =	vadd.f32 v32, v27;
	v63 =	vmul.f32 v26, v59  }
0x238: {  	v33 =	vadd.f32 v61, v55;
	v25 =	vadd.s32 v0, v62;
	[tilespmem:v30+s28+$0x0] =	vst.idx.msk vm0, v29  }
0x239: {  	v26 =	vadd.s32 v4, v62;
	v27 =	vadd.s32 v5, v62;
	[tilespmem:v31+s28+$0x0] =	vst.idx.msk vm0, v32  }
0x23a: {  	s9 =	sadd.s32 $0x2880, s24;
	s10 =	simm.s32 $0x2;
	v30 =	vadd.s32 v6, v62;
	v31 =	vadd.f32 v63, v60;
	[tilespmem:v52+s28+$0x0] =	vst.idx.msk vm0, v33  }
.LBB2_15:
0x23b: {  	p0 =	sne.s32 s10, $0xE;
	s11 =	smov.u32 s10;
	s10 =	sadd.s32 $0x1, s10  }
0x23c: {  	[tilespmem:v23+s28+$0x0] =	vst.idx.msk vm0, v31;
	v23 =	vmov v30  }
0x23d: {  	v34 =	vld.idx.msk [tilespmem:v25+s30+$0x0], $0xffff  }
0x23e: {  	v35 =	vld.idx.msk [tilespmem:v26+s30+$0x0], $0xffff  }
0x23f: {  	v36 =	vld.idx.msk [tilespmem:v27+s30+$0x0], $0xffff  }
0x240: {  	v30 =	vld.idx.msk [tilespmem:v30+s30+$0x0], $0xffff  }
0x241: {  	v32 =	vmul.f32 v32, v13;
	v33 =	vmul.f32 v33, v14;
	vm0 =	vgt.s32 v28, $0xFFFFFFFF  }
0x242: {  	v29 =	vmul.f32 v29, v12;
	v28 =	vnsel vm0, $0x0, v17;
	v37 =	vnsel vm0, $0x0, v19  }
0x243: {  	v38 =	vnsel vm0, $0x0, v16;
	v39 =	vnsel vm0, $0x0, v18;
	v34 =	vmul.f32 v34, v28  }
0x244: {  	v31 =	vmul.f32 v31, v15;
	v28 =	vadd.s32 s11, v1;
	v35 =	vmul.f32 v35, v38  }
.Ltmp6:
0x245: {  	vm1 =	vgt.s32 v28, $0x0;
	v29 =	vadd.f32 v34, v29;
	v34 =	vmul.f32 v36, v37;
	(pc) =	sbr.rel @p0 .LBB2_15-.Ltmp6, $4  }
0x246: {  	v36 =	vnsel vm1, $0x0, v28;
	v32 =	vadd.f32 v35, v32;
	v35 =	vmul.f32 v30, v39  }
0x247: {  	v33 =	vadd.f32 v34, v33;
	[tilespmem:v25+s28+$0x0] =	vst.idx.msk vm0, v29;
	v25 =	vadd.s32 v0, v36  }
0x248: {  	v30 =	vadd.s32 v6, v36;
	[tilespmem:v26+s28+$0x0] =	vst.idx.msk vm0, v32;
	v26 =	vadd.s32 v4, v36  }
0x249: {  	v31 =	vadd.f32 v35, v31;
	[tilespmem:v27+s28+$0x0] =	vst.idx.msk vm0, v33;
	v27 =	vadd.s32 v5, v36  }
0x24a: {  	_ =	sdelay $0x4  }
0x24b: {  	[tilespmem:v23+s28+$0x0] =	vst.idx.msk vm0, v31  }
0x24c: {  	v23 =	vld.idx.msk [tilespmem:v25+s30+$0x0], $0xffff  }
0x24d: {  	v34 =	vld.idx.msk [tilespmem:v26+s30+$0x0], $0xffff  }
0x24e: {  	v35 =	vld.idx.msk [tilespmem:v27+s30+$0x0], $0xffff  }
0x24f: {  	vm15 =	vgt.s32 v28, $0xFFFFFFFF;
	v28 =	vmul.f32 v32, v13;
	v36 =	vld.idx.msk [tilespmem:v30+s30+$0x0], $0xffff  }
0x250: {  	v51 =	vmul.f32 v33, v14;
	v29 =	vmul.f32 v29, v12;
	v52 =	vnsel vm15, $0x0, v17  }
0x251: {  	v37 =	vnsel vm15, $0x0, v16;
	v54 =	vnsel vm15, $0x0, v19;
	v23 =	vmul.f32 v23, v52  }
0x252: {  	s10 =	simm.s32 $0xF;
	v55 =	vnsel vm15, $0x0, v18;
	v31 =	vmul.f32 v31, v15;
	v53 =	vmul.f32 v34, v37  }
0x253: {  	v57 =	vadd.s32 s10, v1;
	v29 =	vadd.f32 v23, v29;
	v23 =	vmul.f32 v35, v54  }
0x254: {  	v58 =	vadd.s32 s10, v2;
	v56 =	vmul.f32 v36, v55;
	v28 =	vadd.f32 v53, v28  }
0x255: {  	v32 =	vadd.f32 v23, v51;
	[tilespmem:v25+s28+$0x0] =	vst.idx.msk vm15, v29;
	v25 =	vadd.s32 v4, v57  }
0x256: {  	[tilespmem:v26+s28+$0x0] =	vst.idx.msk vm15, v28;
	v26 =	vadd.f32 v56, v31  }
0x257: {  	v59 =	vadd.s32 v5, v57;
	[tilespmem:v27+s28+$0x0] =	vst.idx.msk vm15, v32  }
0x258: {  	v23 =	vadd.s32 v6, v57;
	[tilespmem:v30+s28+$0x0] =	vst.idx.msk vm15, v26  }
0x259: {  	v27 =	vld.idx.msk [tilespmem:v58+s30+$0x0], $0xffff  }
0x25a: {  	v30 =	vld.idx.msk [tilespmem:v25+s30+$0x0], $0xffff;
	_ =	sdelay $0x1  }
0x25b: {  	v31 =	vld.idx.msk [tilespmem:v59+s30+$0x0], $0xffff  }
0x25c: {  	v60 =	vld.idx.msk [tilespmem:v23+s30+$0x0], $0xffff  }
0x25d: {  	v29 =	vmul.f32 v29, v12;
	v27 =	vmul.f32 v27, v17  }
0x25e: {  	s11 =	simm.s32 $0x10;
	v61 =	vmul.f32 v28, v13;
	v30 =	vmul.f32 v30, v16  }
0x25f: {  	v62 =	vadd.s32 s11, v1;
	v32 =	vmul.f32 v32, v14;
	v28 =	vadd.f32 v27, v29  }
0x260: {  	v26 =	vmul.f32 v26, v15;
	v27 =	vmul.f32 v31, v19;
	v29 =	vadd.f32 v30, v61  }
0x261: {  	v33 =	vadd.s32 v4, v62;
	v63 =	vmul.f32 v60, v18;
	[tilespmem:v58+s28+$0x0] =	vst.idx.msk $0xffff, v28  }
0x262: {  	v30 =	vadd.f32 v27, v32;
	[tilespmem:v25+s28+$0x0] =	vst.idx.msk $0xffff, v29;
	v25 =	vadd.s32 s11, v2  }
0x263: {  	v32 =	vadd.f32 v63, v26  }
0x264: {  	s10 =	simm.s32 $0x11;
	v31 =	vadd.s32 v6, v62;
	v27 =	vadd.s32 v5, v62;
	v26 =	vmov v33;
	[tilespmem:v59+s28+$0x0] =	vst.idx.msk $0xffff, v30  }
.LBB2_17:
0x265: {  	p0 =	sne.s32 s10, $0x63;
	[tilespmem:v23+s28+$0x0] =	vst.idx.msk $0xffff, v32;
	v23 =	vmov v31;
	s11 =	smov.u32 s10;
	s10 =	sadd.s32 $0x1, s10  }
0x266: {  	v31 =	vld.idx.msk [tilespmem:v33+s30+$0x0], $0xffff  }
0x267: {  	v33 =	vld.idx.msk [tilespmem:v25+s30+$0x0], $0xffff;
	_ =	sdelay $0x1  }
0x268: {  	v34 =	vld.idx.msk [tilespmem:v27+s30+$0x0], $0xffff  }
0x269: {  	v35 =	vld.idx.msk [tilespmem:v23+s30+$0x0], $0xffff;
	_ =	sdelay $0x1  }
0x26a: {  	v32 =	vmul.f32 v32, v15;
	v31 =	vmul.f32 v31, v16  }
0x26b: {  	v28 =	vmul.f32 v28, v12;
	v33 =	vmul.f32 v33, v17  }
0x26c: {  	v29 =	vmul.f32 v29, v13;
	v30 =	vmul.f32 v30, v14  }
.Ltmp7:
0x26d: {  	v36 =	vadd.s32 s11, v1;
	v28 =	vadd.f32 v33, v28;
	v34 =	vmul.f32 v34, v19;
	(pc) =	sbr.rel @p0 .LBB2_17-.Ltmp7, $4  }
0x26e: {  	v29 =	vadd.f32 v31, v29;
	v33 =	vadd.s32 v4, v36;
	v35 =	vmul.f32 v35, v18  }
0x26f: {  	v31 =	vadd.s32 v6, v36;
	v30 =	vadd.f32 v34, v30;
	[tilespmem:v25+s28+$0x0] =	vst.idx.msk $0xffff, v28;
	v25 =	vadd.s32 s11, v2  }
0x270: {  	v32 =	vadd.f32 v35, v32;
	[tilespmem:v26+s28+$0x0] =	vst.idx.msk $0xffff, v29;
	v26 =	vmov v33  }
0x271: {  	[tilespmem:v27+s28+$0x0] =	vst.idx.msk $0xffff, v30;
	v27 =	vadd.s32 v5, v36  }
0x272: {  	_ =	sdelay $0x3  }
0x273: {  	[tilespmem:v23+s28+$0x0] =	vst.idx.msk $0xffff, v32  }
0x274: {  	v60 =	vld.idx.msk [tilespmem:v25+s30+$0x0], $0xffff  }
0x275: {  	v23 =	vld.idx.msk [tilespmem:v33+s30+$0x0], $0xffff  }
0x276: {  	v34 =	vld.idx.msk [tilespmem:v27+s30+$0x0], $0xffff  }
0x277: {  	v35 =	vld.idx.msk [tilespmem:v31+s30+$0x0], $0xffff  }
0x278: {  	v28 =	vmul.f32 v28, v12  }
0x279: {  	v61 =	vmul.f32 v32, v15;
	v33 =	vmul.f32 v60, v17  }
0x27a: {  	v29 =	vmul.f32 v29, v13;
	v23 =	vmul.f32 v23, v16  }
0x27b: {  	v30 =	vmul.f32 v30, v14;
	s10 =	simm.s32 $0x64;
	v36 =	vadd.f32 v33, v28;
	v28 =	vmul.f32 v34, v19  }
0x27c: {  	v62 =	vadd.s32 s10, v1;
	v29 =	vadd.f32 v23, v29;
	v23 =	vmul.f32 v35, v18  }
0x27d: {  	v34 =	vadd.f32 v28, v30;
	[tilespmem:v25+s28+$0x0] =	vst.idx.msk $0xffff, v36;
	v28 =	vadd.s32 s10, v7;
	v25 =	vadd.s32 v5, v62  }
0x27e: {  	v32 =	vadd.f32 v23, v61;
	v23 =	vmul.f32 v17, v20;
	[tilespmem:v26+s28+$0x0] =	vst.idx.msk $0xffff, v29;
	v26 =	vadd.s32 s10, v2  }
0x27f: {  	v20 =	vmul.f32 v16, v21;
	vm0 =	vgt.s32 v28, $0x0;
	[tilespmem:v27+s28+$0x0] =	vst.idx.msk $0xffff, v34;
	v27 =	vadd.s32 v4, v62  }
0x280: {  	v21 =	vmul.f32 v19, v22;
	v63 =	vnsel vm0, $0x0, v28;
	v28 =	vadd.s32 v6, v62  }
0x281: {  	v22 =	vmul.f32 v18, v24;
	v38 =	vadd.s32 v0, v63;
	[tilespmem:v31+s28+$0x0] =	vst.idx.msk $0xffff, v32  }
0x282: {  	v33 =	vmul.f32 v29, v13;
	v37 =	vmul.f32 v36, v12;
	v40 =	vadd.s32 v4, v63;
	v41 =	vld.idx.msk [tilespmem:v25+s30+$0x0], $0xffff  }
0x283: {  	s10 =	simm.s32 $0x65;
	vm0 =	vgt.s32 v62, $0x63;
	v36 =	vmul.f32 v34, v14;
	v43 =	vadd.s32 v5, v63;
	v29 =	vld.idx.msk [tilespmem:v26+s30+$0x0], $0xffff  }
0x284: {  	v49 =	vadd.s32 s10, v7;
	v30 =	vnsel vm0, $0x0, v23;
	v44 =	vadd.s32 v6, v63;
	v48 =	vld.idx.msk [tilespmem:v27+s30+$0x0], $0xffff  }
0x285: {  	vm1 =	vmmov vm0;
	v32 =	vmul.f32 v32, v15;
	v31 =	vadd.s32 s10, v1;
	v42 =	vld.idx.msk [tilespmem:v28+s30+$0x0], $0xffff  }
0x286: {  	vm2 =	vgt.s32 v49, $0x0;
	v35 =	vnsel vm1, $0x0, v22;
	vm0 =	vgt.s32 v31, $0x63;
	v39 =	vld.idx.msk [tilespmem:v38+s30+$0x0], $0xffff  }
0x287: {  	v24 =	vadd.s32 v4, v31;
	v46 =	vnsel vm1, $0x0, v20;
	v34 =	vnsel vm0, $0x0, v23;
	v40 =	vld.idx.msk [tilespmem:v40+s30+$0x0], $0xffff  }
0x288: {  	v38 =	vnsel vm1, $0x0, v21;
	v43 =	vld.idx.msk [tilespmem:v43+s30+$0x0], $0xffff;
	v45 =	vmul.f32 v41, v19;
	v47 =	vmul.f32 v29, v17  }
0x289: {  	s11 =	simm.s32 $0x66;
	v44 =	vld.idx.msk [tilespmem:v44+s30+$0x0], $0xffff;
	v41 =	vnsel vm2, $0x0, v49;
	v29 =	vadd.s32 v5, v31;
	v48 =	vmul.f32 v48, v16  }
.LBB2_19:
0x28a: {  	p0 =	sne.s32 s11, $0x72;
	v49 =	vadd.s32 v0, v41;
	v50 =	vadd.s32 v5, v41;
	v37 =	vadd.f32 v47, v37;
	s12 =	smov.u32 s11;
	s11 =	sadd.s32 $0x1, s11  }
0x28b: {  	v47 =	vadd.s32 v4, v41;
	v39 =	vmul.f32 v39, v30;
	v30 =	vmovc v34;
	v33 =	vadd.f32 v48, v33  }
0x28c: {  	v34 =	vmul.f32 v40, v46;
	v36 =	vadd.f32 v45, v36;
	v40 =	vmul.f32 v42, v18  }
0x28d: {  	v41 =	vadd.s32 v6, v41;
	v37 =	vsub.f32 v37, v39;
	v38 =	vmul.f32 v43, v38  }
0x28e: {  	v33 =	vsub.f32 v33, v34;
	v32 =	vadd.f32 v40, v32;
	v34 =	vmul.f32 v44, v35  }
0x28f: {  	vm1 =	vmmov vm0;
	v35 =	vsub.f32 v36, v38;
	[tilespmem:v26+s28+$0x0] =	vst.idx.msk $0xffff, v37;
	v26 =	vadd.s32 s10, v2;
	s10 =	smov.u32 s12  }
0x290: {  	v34 =	vsub.f32 v32, v34;
	[tilespmem:v27+s28+$0x0] =	vst.idx.msk $0xffff, v33;
	v27 =	vmov v24  }
0x291: {  	v33 =	vmul.f32 v33, v13;
	[tilespmem:v25+s28+$0x0] =	vst.idx.msk $0xffff, v35;
	v25 =	vmov v29  }
0x292: {  	v32 =	vmul.f32 v34, v15;
	[tilespmem:v28+s28+$0x0] =	vst.idx.msk $0xffff, v34  }
0x293: {  	v37 =	vmul.f32 v37, v12;
	v28 =	vadd.s32 v6, v31;
	v29 =	vld.idx.msk [tilespmem:v29+s30+$0x0], $0xffff  }
0x294: {  	v36 =	vmul.f32 v35, v14;
	v46 =	vld.idx.msk [tilespmem:v26+s30+$0x0], $0xffff  }
0x295: {  	v48 =	vld.idx.msk [tilespmem:v24+s30+$0x0], $0xffff  }
0x296: {  	v39 =	vld.idx.msk [tilespmem:v49+s30+$0x0], $0xffff  }
.Ltmp8:
0x297: {  	v35 =	vnsel vm1, $0x0, v22;
	v31 =	vadd.s32 s10, v1;
	v40 =	vld.idx.msk [tilespmem:v47+s30+$0x0], $0xffff;
	(pc) =	sbr.rel @p0 .LBB2_19-.Ltmp8, $4  }
0x298: {  	v38 =	vnsel vm1, $0x0, v21;
	vm0 =	vgt.s32 v31, $0x63;
	v24 =	vadd.s32 v4, v31;
	v42 =	vld.idx.msk [tilespmem:v28+s30+$0x0], $0xffff  }
0x299: {  	v34 =	vnsel vm0, $0x0, v23;
	v49 =	vadd.s32 s10, v7;
	v45 =	vmul.f32 v29, v19;
	v43 =	vld.idx.msk [tilespmem:v50+s30+$0x0], $0xffff  }
0x29a: {  	vm2 =	vgt.s32 v49, $0x0;
	v47 =	vmul.f32 v46, v17;
	v46 =	vnsel vm1, $0x0, v20;
	v44 =	vld.idx.msk [tilespmem:v41+s30+$0x0], $0xffff  }
0x29b: {  	v29 =	vadd.s32 v5, v31;
	v41 =	vnsel vm2, $0x0, v49;
	v48 =	vmul.f32 v48, v16  }
0x29c: {  	v37 =	vadd.f32 v47, v37;
	v30 =	vmul.f32 v39, v30  }
0x29d: {  	v54 =	vmul.f32 v40, v46;
	v33 =	vadd.f32 v48, v33;
	v55 =	vmul.f32 v42, v18  }
0x29e: {  	v36 =	vadd.f32 v45, v36;
	v30 =	vsub.f32 v37, v30;
	v56 =	vmul.f32 v43, v38  }
0x29f: {  	v33 =	vsub.f32 v33, v54;
	v32 =	vadd.f32 v55, v32;
	v35 =	vmul.f32 v44, v35  }
0x2a0: {  	v57 =	vadd.s32 s10, v2;
	v36 =	vsub.f32 v36, v56;
	[tilespmem:v26+s28+$0x0] =	vst.idx.msk $0xffff, v30  }
0x2a1: {  	v26 =	vsub.f32 v32, v35;
	[tilespmem:v27+s28+$0x0] =	vst.idx.msk $0xffff, v33  }
0x2a2: {  	v31 =	vadd.s32 v6, v31;
	[tilespmem:v25+s28+$0x0] =	vst.idx.msk $0xffff, v36  }
0x2a3: {  	v27 =	vadd.s32 v0, v41;
	[tilespmem:v28+s28+$0x0] =	vst.idx.msk $0xffff, v26  }
0x2a4: {  	v25 =	vadd.s32 v4, v41;
	v28 =	vld.idx.msk [tilespmem:v29+s30+$0x0], $0xffff  }
0x2a5: {  	v59 =	vadd.s32 v5, v41;
	v58 =	vld.idx.msk [tilespmem:v57+s30+$0x0], $0xffff  }
0x2a6: {  	v61 =	vadd.s32 v6, v41;
	v60 =	vld.idx.msk [tilespmem:v24+s30+$0x0], $0xffff  }
0x2a7: {  	v62 =	vld.idx.msk [tilespmem:v31+s30+$0x0], $0xffff  }
0x2a8: {  	vm0 =	vmmov vm0;
	v27 =	vld.idx.msk [tilespmem:v27+s30+$0x0], $0xffff  }
0x2a9: {  	v63 =	vnsel vm0, $0x0, v22;
	v45 =	vnsel vm0, $0x0, v20;
	v25 =	vld.idx.msk [tilespmem:v25+s30+$0x0], $0xffff  }
0x2aa: {  	s11 =	simm.s32 $0x73;
	v48 =	vnsel vm0, $0x0, v21;
	v30 =	vmul.f32 v30, v12;
	v33 =	vmul.f32 v33, v13;
	v35 =	vld.idx.msk [tilespmem:v59+s30+$0x0], $0xffff  }
0x2ab: {  	v50 =	vadd.s32 s11, v1;
	v36 =	vmul.f32 v36, v14;
	v39 =	vld.idx.msk [tilespmem:v61+s30+$0x0], $0xffff;
	v32 =	vmul.f32 v58, v17  }
0x2ac: {  	v51 =	vadd.s32 s11, v8;
	v26 =	vmul.f32 v26, v15;
	v37 =	vmul.f32 v60, v16  }
0x2ad: {  	v28 =	vmul.f32 v28, v19;
	v30 =	vadd.f32 v32, v30;
	v27 =	vmul.f32 v27, v34  }
0x2ae: {  	v47 =	vmul.f32 v62, v18;
	v46 =	vadd.f32 v37, v33;
	v25 =	vmul.f32 v25, v45  }
0x2af: {  	v28 =	vadd.f32 v28, v36;
	v30 =	vsub.f32 v30, v27;
	v27 =	vmul.f32 v35, v48  }
0x2b0: {  	v49 =	vmul.f32 v39, v63;
	v26 =	vadd.f32 v47, v26;
	v32 =	vsub.f32 v46, v25  }
0x2b1: {  	v25 =	vadd.s32 v5, v50;
	v28 =	vsub.f32 v28, v27;
	[tilespmem:v57+s28+$0x0] =	vst.idx.msk $0xffff, v30  }
0x2b2: {  	v33 =	vsub.f32 v26, v49;
	[tilespmem:v24+s28+$0x0] =	vst.idx.msk $0xffff, v32;
	v24 =	vadd.s32 s11, v2  }
0x2b3: {  	v26 =	vadd.s32 v4, v50;
	[tilespmem:v29+s28+$0x0] =	vst.idx.msk $0xffff, v28  }
0x2b4: {  	v27 =	vadd.s32 v6, v50;
	[tilespmem:v31+s28+$0x0] =	vst.idx.msk $0xffff, v33  }
0x2b5: {  	v29 =	vadd.s32 s11, v9;
	v31 =	vld.idx.msk [tilespmem:v51+s30+$0x0], $0xffff  }
0x2b6: {  	v55 =	vadd.s32 s11, v10;
	v52 =	vld.idx.msk [tilespmem:v25+s30+$0x0], $0xffff  }
0x2b7: {  	v58 =	vadd.s32 s11, v11;
	v53 =	vld.idx.msk [tilespmem:v24+s30+$0x0], $0xffff  }
0x2b8: {  	v54 =	vld.idx.msk [tilespmem:v26+s30+$0x0], $0xffff  }
0x2b9: {  	s10 =	simm.s32 $0x74;
	v59 =	vld.idx.msk [tilespmem:v27+s30+$0x0], $0xffff  }
0x2ba: {  	v61 =	vadd.s32 s10, v1;
	v62 =	vmul.f32 v30, v12;
	v60 =	vmul.f32 v32, v13;
	v56 =	vld.idx.msk [tilespmem:v29+s30+$0x0], $0xffff  }
0x2bb: {  	v32 =	vmul.f32 v33, v15;
	v57 =	vmul.f32 v28, v14;
	v28 =	vadd.s32 v6, v61;
	v33 =	vld.idx.msk [tilespmem:v55+s30+$0x0], $0xffff  }
0x2bc: {  	v34 =	vld.idx.msk [tilespmem:v58+s30+$0x0], $0xffff;
	v29 =	vadd.s32 v4, v61;
	v30 =	vmul.f32 v52, v19;
	v63 =	vmul.f32 v53, v17  }
0x2bd: {  	v36 =	vmul.f32 v31, v23;
	v37 =	vmul.f32 v54, v16;
	v31 =	vadd.s32 s10, v2  }
0x2be: {  	v40 =	vmul.f32 v59, v18;
	v35 =	vadd.f32 v30, v57;
	v38 =	vadd.f32 v63, v62  }
0x2bf: {  	s11 =	simm.s32 $0x75;
	v30 =	vadd.s32 v5, v61;
	v37 =	vadd.f32 v37, v60;
	v39 =	vmul.f32 v56, v20  }
.LBB2_21:
0x2c0: {  	p0 =	sne.s32 s11, $0x7F;
	v41 =	vadd.s32 s10, v8;
	v36 =	vsub.f32 v38, v36;
	v33 =	vmul.f32 v33, v21;
	s12 =	smov.u32 s11;
	s11 =	sadd.s32 $0x1, s11  }
0x2c1: {  	v34 =	vmul.f32 v34, v22;
	v37 =	vsub.f32 v37, v39;
	v32 =	vadd.f32 v40, v32  }
0x2c2: {  	v33 =	vsub.f32 v35, v33;
	[tilespmem:v24+s28+$0x0] =	vst.idx.msk $0xffff, v36;
	v24 =	vmov v31  }
0x2c3: {  	v31 =	vsub.f32 v32, v34;
	[tilespmem:v26+s28+$0x0] =	vst.idx.msk $0xffff, v37;
	v26 =	vmov v29  }
0x2c4: {  	[tilespmem:v25+s28+$0x0] =	vst.idx.msk $0xffff, v33;
	v25 =	vmov v30  }
0x2c5: {  	v29 =	vadd.s32 s10, v9;
	[tilespmem:v27+s28+$0x0] =	vst.idx.msk $0xffff, v31;
	v27 =	vmov v28  }
0x2c6: {  	v35 =	vld.idx.msk [tilespmem:v41+s30+$0x0], $0xffff  }
0x2c7: {  	v28 =	vld.idx.msk [tilespmem:v30+s30+$0x0], $0xffff;
	v30 =	vadd.s32 s10, v10  }
0x2c8: {  	v34 =	vadd.s32 s10, v11;
	s10 =	smov.u32 s12;
	v38 =	vld.idx.msk [tilespmem:v24+s30+$0x0], $0xffff  }
0x2c9: {  	v39 =	vld.idx.msk [tilespmem:v26+s30+$0x0], $0xffff  }
0x2ca: {  	v40 =	vld.idx.msk [tilespmem:v29+s30+$0x0], $0xffff  }
0x2cb: {  	v42 =	vmul.f32 v33, v14;
	v41 =	vld.idx.msk [tilespmem:v27+s30+$0x0], $0xffff  }
0x2cc: {  	v37 =	vmul.f32 v37, v13;
	v32 =	vmul.f32 v31, v15;
	v33 =	vld.idx.msk [tilespmem:v30+s30+$0x0], $0xffff  }
.Ltmp9:
0x2cd: {  	v43 =	vmul.f32 v36, v12;
	v30 =	vadd.s32 s10, v1;
	v31 =	vmul.f32 v28, v19;
	v34 =	vld.idx.msk [tilespmem:v34+s30+$0x0], $0xffff;
	(pc) =	sbr.rel @p0 .LBB2_21-.Ltmp9, $4  }
0x2ce: {  	v29 =	vadd.s32 v4, v30;
	v28 =	vadd.s32 v6, v30;
	v38 =	vmul.f32 v38, v17  }
0x2cf: {  	v36 =	vmul.f32 v35, v23;
	v39 =	vmul.f32 v39, v16;
	v35 =	vadd.f32 v31, v42  }
0x2d0: {  	v30 =	vadd.s32 v5, v30;
	v31 =	vadd.s32 s10, v2;
	v38 =	vadd.f32 v38, v43  }
0x2d1: {  	v37 =	vadd.f32 v39, v37;
	v39 =	vmul.f32 v40, v20;
	v40 =	vmul.f32 v41, v18  }
0x2d2: {  	_ =	sdelay $0x1  }
0x2d3: {  	v41 =	vadd.s32 s10, v8;
	v36 =	vsub.f32 v38, v36;
	v33 =	vmul.f32 v33, v21  }
0x2d4: {  	v34 =	vmul.f32 v34, v22;
	v37 =	vsub.f32 v37, v39;
	v32 =	vadd.f32 v40, v32  }
0x2d5: {  	v33 =	vsub.f32 v35, v33;
	[tilespmem:v24+s28+$0x0] =	vst.idx.msk $0xffff, v36  }
0x2d6: {  	v24 =	vsub.f32 v32, v34;
	[tilespmem:v26+s28+$0x0] =	vst.idx.msk $0xffff, v37  }
0x2d7: {  	[tilespmem:v25+s28+$0x0] =	vst.idx.msk $0xffff, v33  }
0x2d8: {  	[tilespmem:v27+s28+$0x0] =	vst.idx.msk $0xffff, v24  }
0x2d9: {  	v25 =	vadd.s32 s10, v9;
	v26 =	vld.idx.msk [tilespmem:v41+s30+$0x0], $0xffff  }
0x2da: {  	v50 =	vadd.s32 s10, v10;
	v27 =	vld.idx.msk [tilespmem:v30+s30+$0x0], $0xffff  }
0x2db: {  	v52 =	vadd.s32 s10, v11;
	v51 =	vld.idx.msk [tilespmem:v31+s30+$0x0], $0xffff  }
0x2dc: {  	v53 =	vld.idx.msk [tilespmem:v29+s30+$0x0], $0xffff  }
0x2dd: {  	s11 =	simm.s32 $0x80;
	v54 =	vld.idx.msk [tilespmem:v28+s30+$0x0], $0xffff  }
0x2de: {  	v59 =	vadd.s32 s11, v1;
	v25 =	vld.idx.msk [tilespmem:v25+s30+$0x0], $0xffff  }
0x2df: {  	v63 =	vadd.s32 s11, v8;
	v36 =	vmul.f32 v36, v12;
	v37 =	vmul.f32 v37, v13;
	v32 =	vld.idx.msk [tilespmem:v50+s30+$0x0], $0xffff  }
0x2e0: {  	vm0 =	vlt.s32 v59, $0x7F;
	v33 =	vmul.f32 v33, v14;
	v35 =	vld.idx.msk [tilespmem:v52+s30+$0x0], $0xffff;
	v34 =	vmul.f32 v51, v17  }
0x2e1: {  	v62 =	vnsel vm0, $0x7F, v59;
	v24 =	vmul.f32 v24, v15;
	v38 =	vmul.f32 v53, v16  }
0x2e2: {  	v27 =	vmul.f32 v27, v19;
	v26 =	vmul.f32 v26, v23;
	v55 =	vadd.f32 v34, v36  }
0x2e3: {  	v57 =	vmul.f32 v54, v18;
	v56 =	vadd.f32 v38, v37;
	v25 =	vmul.f32 v25, v20  }
0x2e4: {  	v27 =	vadd.f32 v27, v33;
	v58 =	vsub.f32 v55, v26;
	v26 =	vmul.f32 v32, v21  }
0x2e5: {  	v61 =	vmul.f32 v35, v22;
	v60 =	vsub.f32 v56, v25;
	v25 =	vadd.f32 v57, v24  }
0x2e6: {  	v24 =	vadd.s32 v5, v62;
	v42 =	vsub.f32 v27, v26;
	[tilespmem:v31+s28+$0x0] =	vst.idx.msk $0xffff, v58  }
0x2e7: {  	v44 =	vadd.s32 s11, v11;
	v31 =	vsub.f32 v25, v61;
	[tilespmem:v29+s28+$0x0] =	vst.idx.msk $0xffff, v60  }
0x2e8: {  	v26 =	vadd.s32 v0, v62;
	[tilespmem:v30+s28+$0x0] =	vst.idx.msk $0xffff, v42  }
0x2e9: {  	v27 =	vadd.s32 v4, v62;
	[tilespmem:v28+s28+$0x0] =	vst.idx.msk $0xffff, v31  }
0x2ea: {  	v25 =	vadd.s32 v6, v62;
	v33 =	vld.idx.msk [tilespmem:v63+s30+$0x0], $0xffff  }
0x2eb: {  	v28 =	vadd.s32 s11, v9;
	v43 =	vld.idx.msk [tilespmem:v24+s30+$0x0], $0xffff  }
0x2ec: {  	s10 =	simm.s32 $0x81;
	v30 =	vadd.s32 s11, v10;
	v39 =	vld.idx.msk [tilespmem:v44+s30+$0x0], $0xffff  }
0x2ed: {  	vm0 =	vlt.s32 v59, $0x80;
	v29 =	vadd.s32 s10, v1;
	v35 =	vld.idx.msk [tilespmem:v26+s30+$0x0], $0xffff  }
0x2ee: {  	vm0 =	vmmov vm0;
	vm2 =	vlt.s32 v29, $0x7F;
	v36 =	vld.idx.msk [tilespmem:v27+s30+$0x0], $0xffff  }
0x2ef: {  	v32 =	vmul.f32 v58, v12;
	v41 =	vmul.f32 v60, v13;
	v34 =	vnsel vm2, $0x7F, v29;
	v37 =	vld.idx.msk [tilespmem:v25+s30+$0x0], $0xffff  }
0x2f0: {  	vm1 =	vlt.s32 v29, $0x80;
	v42 =	vmul.f32 v42, v14;
	v29 =	vadd.s32 v0, v34;
	v38 =	vld.idx.msk [tilespmem:v28+s30+$0x0], $0xffff  }
0x2f1: {  	s11 =	simm.s32 $0x82;
	v40 =	vld.idx.msk [tilespmem:v30+s30+$0x0], $0xffff;
	v30 =	vadd.s32 v4, v34;
	v28 =	vadd.s32 v5, v34;
	v43 =	vmul.f32 v43, v19  }
.LBB2_23:
0x2f2: {  	p0 =	sne.s32 s11, $0x8E;
	v35 =	vmul.f32 v35, v17;
	v31 =	vmul.f32 v31, v15;
	s12 =	smov.u32 s11;
	s11 =	sadd.s32 $0x1, s11  }
0x2f3: {  	v34 =	vadd.s32 v6, v34;
	v36 =	vmul.f32 v36, v16;
	v42 =	vadd.f32 v43, v42  }
0x2f4: {  	v33 =	vmul.f32 v33, v23;
	v32 =	vadd.f32 v35, v32;
	v35 =	vmul.f32 v37, v18  }
0x2f5: {  	v36 =	vadd.f32 v36, v41;
	v37 =	vmul.f32 v38, v20  }
0x2f6: {  	v38 =	vmul.f32 v40, v21;
	v33 =	vsub.f32 v32, v33;
	v31 =	vadd.f32 v35, v31  }
0x2f7: {  	v35 =	vadd.s32 s10, v8;
	v41 =	vsub.f32 v36, v37;
	v36 =	vmul.f32 v39, v22  }
0x2f8: {  	v42 =	vsub.f32 v42, v38;
	v32 =	vmul.f32 v33, v12;
	[tilespmem:v26+s28+$0x0] =	vst.idx.msk vm0, v33;
	v26 =	vmov v29  }
0x2f9: {  	v31 =	vsub.f32 v31, v36;
	[tilespmem:v27+s28+$0x0] =	vst.idx.msk vm0, v41;
	v27 =	vmov v30  }
0x2fa: {  	[tilespmem:v24+s28+$0x0] =	vst.idx.msk vm0, v42;
	v24 =	vmov v28  }
0x2fb: {  	[tilespmem:v25+s28+$0x0] =	vst.idx.msk vm0, v31;
	v25 =	vmov v34;
	vm0 =	vmmov vm1  }
0x2fc: {  	v29 =	vadd.s32 s10, v9;
	v33 =	vld.idx.msk [tilespmem:v35+s30+$0x0], $0xffff  }
0x2fd: {  	v30 =	vadd.s32 s10, v10;
	v43 =	vld.idx.msk [tilespmem:v28+s30+$0x0], $0xffff  }
0x2fe: {  	v39 =	vadd.s32 s10, v11;
	s10 =	smov.u32 s12;
	v35 =	vld.idx.msk [tilespmem:v26+s30+$0x0], $0xffff  }
.Ltmp10:
0x2ff: {  	v28 =	vadd.s32 s10, v1;
	v36 =	vld.idx.msk [tilespmem:v27+s30+$0x0], $0xffff;
	(pc) =	sbr.rel @p0 .LBB2_23-.Ltmp10, $4  }
0x300: {  	vm1 =	vlt.s32 v28, $0x80;
	vm2 =	vlt.s32 v28, $0x7F;
	v37 =	vld.idx.msk [tilespmem:v34+s30+$0x0], $0xffff  }
0x301: {  	v34 =	vnsel vm2, $0x7F, v28;
	v38 =	vld.idx.msk [tilespmem:v29+s30+$0x0], $0xffff  }
0x302: {  	v41 =	vmul.f32 v41, v13;
	v29 =	vadd.s32 v0, v34;
	v28 =	vadd.s32 v5, v34;
	v40 =	vld.idx.msk [tilespmem:v30+s30+$0x0], $0xffff  }
0x303: {  	v42 =	vmul.f32 v42, v14;
	v30 =	vadd.s32 v4, v34;
	v43 =	vmul.f32 v43, v19;
	v39 =	vld.idx.msk [tilespmem:v39+s30+$0x0], $0xffff  }
0x304: {  	v35 =	vmul.f32 v35, v17  }
0x305: {  	v31 =	vmul.f32 v31, v15;
	v36 =	vmul.f32 v36, v16  }
0x306: {  	v33 =	vmul.f32 v33, v23;
	v62 =	vmul.f32 v37, v18;
	v32 =	vadd.f32 v35, v32  }
0x307: {  	v63 =	vadd.f32 v43, v42;
	v36 =	vadd.f32 v36, v41;
	v38 =	vmul.f32 v38, v20  }
0x308: {  	v42 =	vadd.s32 s10, v8;
	v41 =	vmul.f32 v40, v21;
	v32 =	vsub.f32 v32, v33  }
0x309: {  	v31 =	vadd.f32 v62, v31;
	v36 =	vsub.f32 v36, v38;
	v43 =	vmul.f32 v39, v22  }
0x30a: {  	v33 =	vsub.f32 v63, v41;
	[tilespmem:v26+s28+$0x0] =	vst.idx.msk vm0, v32  }
0x30b: {  	v44 =	vsub.f32 v31, v43;
	[tilespmem:v27+s28+$0x0] =	vst.idx.msk vm0, v36  }
0x30c: {  	[tilespmem:v24+s28+$0x0] =	vst.idx.msk vm0, v33  }
0x30d: {  	v45 =	vadd.s32 v6, v34;
	[tilespmem:v25+s28+$0x0] =	vst.idx.msk vm0, v44  }
0x30e: {  	v46 =	vadd.s32 s10, v9;
	v25 =	vld.idx.msk [tilespmem:v42+s30+$0x0], $0xffff  }
0x30f: {  	v48 =	vadd.s32 s10, v10;
	v47 =	vld.idx.msk [tilespmem:v28+s30+$0x0], $0xffff  }
0x310: {  	v50 =	vadd.s32 s10, v11;
	v49 =	vld.idx.msk [tilespmem:v29+s30+$0x0], $0xffff  }
0x311: {  	v51 =	vld.idx.msk [tilespmem:v30+s30+$0x0], $0xffff  }
0x312: {  	v52 =	vld.idx.msk [tilespmem:v45+s30+$0x0], $0xffff  }
0x313: {  	v27 =	vld.idx.msk [tilespmem:v46+s30+$0x0], $0xffff  }
0x314: {  	v12 =	vmul.f32 v32, v12;
	v13 =	vmul.f32 v36, v13;
	v53 =	vld.idx.msk [tilespmem:v48+s30+$0x0], $0xffff  }
0x315: {  	v14 =	vmul.f32 v33, v14;
	v54 =	vld.idx.msk [tilespmem:v50+s30+$0x0], $0xffff;
	v55 =	vmul.f32 v49, v17  }
0x316: {  	v57 =	vmul.f32 v44, v15;
	v56 =	vmul.f32 v51, v16  }
0x317: {  	v19 =	vmul.f32 v47, v19;
	v58 =	vmul.f32 v25, v23;
	v12 =	vadd.f32 v55, v12  }
0x318: {  	v59 =	vmul.f32 v52, v18;
	v60 =	vmul.f32 v27, v20;
	v13 =	vadd.f32 v56, v13  }
0x319: {  	v61 =	vmul.f32 v53, v21;
	v14 =	vadd.f32 v19, v14;
	v12 =	vsub.f32 v12, v58  }
0x31a: {  	v62 =	vmul.f32 v54, v22;
	v15 =	vadd.f32 v59, v57;
	v13 =	vsub.f32 v13, v60  }
0x31b: {  	v14 =	vsub.f32 v14, v61;
	[tilespmem:v29+s28+$0x0] =	vst.idx.msk vm1, v12  }
0x31c: {  	s0 =	sadd.s32 $0x1, s0;
	v63 =	vsub.f32 v15, v62;
	[tilespmem:v30+s28+$0x0] =	vst.idx.msk vm1, v13  }
0x31d: {  	p0 =	sne.s32 s0, $0x2A;
	[tilespmem:v28+s28+$0x0] =	vst.idx.msk vm1, v14  }
.Ltmp11:
0x31e: {  	[tilespmem:v45+s28+$0x0] =	vst.idx.msk vm1, v63;
	(pc) =	sbr.rel @p0 .LBB2_4-.Ltmp11, $4  }
0x31f: {  	[spmem:s5] =	stream.indirect.scatter.add.f32 [tilespmem:s28], [sflag:$0x3], $0x80, s9, s25, $0xb8;
	[tilespmem:$0x1F080] =	vst v63  }
0x320: {  	_ =	swait.ge [sflag:s22], $0x2000  }
0x321: {  	[sflag:s22] =	ssyncset.done $0x0  }
0x322: {  	vm15 =	vmmov vm1;
	[sflag:s22] =	ssyncadd.s32 $0xFFFFE000  }
0x323: {  	s0 =	stileid.u32;
	s23 =	sadd.s32 $0x1, s23  }
0x324: {  	[bflag:$0x0] =	sbarrier.arrive $0xFFFF;
	s0 =	sshll.u32 s0, $0x6;
	p0 =	sne.s32 s23, s21  }
.Ltmp12:
0x325: {  	s2 =	sshrl.u32 s8, $0x3;
	s0 =	sor.u32 $0x1C03, s0;
	(pc) =	sbr.rel @p0 .LBB2_1-.Ltmp12, $4  }
0x326: {  	[hbm:s20], [sflag:s0] =	dma.local [spmem:s2], $0x2780  }
0x327: {  	_ =	swait.ge [sflag:s22], $0x2780  }
0x328: {  	[sflag:s22] =	ssyncset.done $0x0  }
0x329: {  	[sflag:s22] =	ssyncadd.s32 $0xFFFFD880  }
0x32a: {  	_ =	sfence.sel $0x180000  }
0x32b: {  	[bflag:$0x0] =	sbarrier.arrive $0xFFFF  }
0x32c: {  	_ =	strace $0x90000047  }
0x32d: {  	s0 =	stileid.u32;
	[bflag:$0x2] =	sbarrier.arrive $0xFFFF  }
0x32e: {  	p0 =	sne.s32 s0, $0x0;
	s0 =	rddreg [dreg:$0x4]  }
0x32f: {  	s0 =	sadd.s32 @!p0 $0x100000, s0  }
0x330: {  	[sflag:s0] =	ssyncadd.tile.s32 @!p0 $0x1;
	_ =	shalt  }
.Lfunc_end2:
_tile_overlayer_lowered:
.L_overlay_start_2:
0x331: {  	(tag) =	ssettag $0x2  }
0x332: {  	s0 =	rddreg [dreg:$0x0];
	s2 =	stileid.u32  }
0x333: {  	s1 =	rddreg [dreg:$0x1];
	p0 =	sne.s32 s2, $0x0  }
0x334: {  	s3 =	rddreg [dreg:$0x2];
	[bflag:$0x3] =	sbarrier.arrive $0xFFFF;
	s2 =	simm.s32 @!p0 $0x1C03  }
0x335: {  	[timem:s3], [sflag:s2] =	dma.local @!p0 [hbm:s0], s1  }
0x336: {  	s0 =	simm.s32 @!p0 $0x3  }
0x337: {  	_ =	swait.ge @!p0 [sflag:s0], s1  }
0x338: {  	s1 =	ssub.s32 @!p0 $0x0, s1;
	[sflag:s0] =	ssyncset.done @!p0 $0x0  }
0x339: {  	[sflag:s0] =	ssyncadd.s32 @!p0 s1  }
0x33a: {  	[bflag:$0x3] =	sbarrier.arrive $0xFFFF  }
0x33b: {  	_ =	shalt  }

</sc_bundles>
